<compile_context>
chip_gen: v7x
topology: tpu7x:2x2x1
jax: 0.10.2.dev20260603
libtpu: 0.0.44.dev20260713+nightly
codegen_flags: <defaults>
</compile_context>

<pallas_src>
import functools
import math

import jax
import jax.numpy as jnp
import numpy as np
from jax import lax
from jax.experimental import pallas as pl
from jax.experimental.pallas import tpu as pltpu
from jax.experimental.pallas import tpu_sc as plsc

VOCAB = 100000
EMB = 126
D = 128
B = 1024
L = 200
NC = 2
NS = 16
NW = NC * NS
BPW = B // NW
SCALE = math.sqrt(float(D))
GCH = 50
NGP = L // GCH
NBUF = 3
TW = 2 * L + 16


def _enc_const() -> np.ndarray:
    position = np.arange(L, dtype=np.float32)[:, None]
    div_term = np.exp(np.arange(0, D, 2, dtype=np.float32) * (-math.log(10000.0) / D))
    enc = np.zeros((L, D), dtype=np.float32)
    enc[:, 0::2] = np.sin(position * div_term)
    enc[:, 1::2] = np.cos(position * div_term)
    return enc


_MESH = plsc.VectorSubcoreMesh(core_axis_name="c", subcore_axis_name="s")


@functools.partial(
    pl.kernel,
    mesh=_MESH,
    out_type=jax.ShapeDtypeStruct((B, L, D), jnp.float32),
    scratch_types=(
        [pltpu.VMEM((L, D), jnp.float32)]
        + [pltpu.VMEM((L, D), jnp.float32)] * NBUF
        + [pltpu.VMEM((NGP, GCH), jnp.int32)] * NBUF
        + [pltpu.VMEM((TW,), jnp.float32)] * NBUF
        + [pltpu.SemaphoreType.DMA] * (3 * NBUF)
    ),
)
def _sc_embed(tab_hbm, idx_hbm, thick_hbm, enc_hbm, out_hbm,
              enc_v, *ring):
    ebufs = ring[:NBUF]
    ibufs = ring[NBUF:2 * NBUF]
    tbufs = ring[2 * NBUF:3 * NBUF]
    sgs = ring[3 * NBUF:4 * NBUF]
    sss = ring[4 * NBUF:5 * NBUF]
    sis = ring[5 * NBUF:]

    wid = lax.axis_index("s") * NC + lax.axis_index("c")
    pltpu.sync_copy(enc_hbm, enc_v)
    tail_lane = lax.iota(jnp.int32, 16) >= 14

    def idx_desc(bb, p):
        return pltpu.make_async_copy(idx_hbm.at[wid, bb], ibufs[p], sis[p])

    def gather_descs(bb, p):
        return tuple(
            pltpu.make_async_copy(tab_hbm.at[ibufs[p].at[i]],
                                  ebufs[p].at[pl.ds(i * GCH, GCH)], sgs[p])
            for i in range(NGP)) + (
            pltpu.make_async_copy(thick_hbm.at[wid, bb], tbufs[p], sgs[p]),)

    def store_desc(bb, p):
        return pltpu.make_async_copy(ebufs[p], out_hbm.at[wid * BPW + bb], sss[p])

    def compute(p):
        ebuf, tbuf = ebufs[p], tbufs[p]

        def row_body(r, c):
            for k in range(D // 16 - 1):
                sl = pl.ds(k * 16, 16)
                ebuf[r, sl] = ebuf[r, sl] * SCALE + enc_v[r, sl]
            sl = pl.ds(D - 16, 16)
            tb = tbuf[pl.ds(2 * r + 2, 16)]
            tb = jnp.where(tail_lane, tb, 0.0)
            ebuf[r, sl] = (ebuf[r, sl] + tb) * SCALE + enc_v[r, sl]
            return c

        lax.fori_loop(0, L, row_body, 0)

    def unit(bb, j, last):
        pn = (j + 1) % NBUF
        pnn = (j + 2) % NBUF
        if isinstance(bb, int):
            if bb >= 2:
                store_desc(bb - 2, pn).wait()
        else:
            @pl.when(bb >= 2)
            def _():
                store_desc(bb - 2, pn).wait()
        if not last:
            idx_desc(bb + 1, pn).wait()
            for d in gather_descs(bb + 1, pn):
                d.start()
            if isinstance(bb, int):
                if bb + 2 < BPW:
                    idx_desc(bb + 2, pnn).start()
            else:
                @pl.when(bb + 2 < BPW)
                def _():
                    idx_desc(bb + 2, pnn).start()
        for d in gather_descs(bb, j):
            d.wait()
        compute(j)
        store_desc(bb, j).start()

    pltpu.sync_copy(idx_hbm.at[wid, 0], ibufs[0])
    idx_desc(1, 1).start()
    for d in gather_descs(0, 0):
        d.start()
    unit(0, 0, False)

    def t_body(t, carry):
        for j in range(NBUF):
            bb = NBUF * t + j + 1
            unit(bb, (j + 1) % NBUF, False)
        return carry

    lax.fori_loop(0, (BPW - 2) // NBUF, t_body, 0)
    unit(BPW - 1, (BPW - 1) % NBUF, True)
    store_desc(BPW - 2, (BPW - 2) % NBUF).wait()
    store_desc(BPW - 1, (BPW - 1) % NBUF).wait()


def kernel(x, table):
    idx = x[:, :, 0].astype(jnp.int32).reshape(NW, BPW, NGP, GCH)
    thick = jnp.pad(x[:, :, 1:].reshape(B, 2 * L), ((0, 0), (16, 0)))
    thick = thick.reshape(NW, BPW, TW)
    tab = jnp.pad(table, ((0, 0), (0, D - EMB)))
    enc = jnp.asarray(_enc_const())
    return _sc_embed(tab, idx, thick, enc)

# --- scband reference (transcript-rebuilt; emitter-appended) ---
"""Pipeline reference for scband-positional-embedding-48258252538312 (READ-ONLY COPY).

The authoritative reference and input builder live on the scoring server;
editing this copy changes nothing except your own understanding.
"""

import math
import jax, jax.numpy as jnp
import numpy as np

VOCAB = 100000
EMB = 126
MAXLEN = 200
D = EMB + 2  # embedding_size + 2 (thickness channels)
B = 1024
L = 200


def _positional_encoding():
    position = jnp.arange(MAXLEN, dtype=jnp.float32)[:, None]
    div_term = jnp.exp(jnp.arange(0, D, 2, dtype=jnp.float32) * (-math.log(10000.0) / D))
    enc = jnp.zeros((MAXLEN, D), dtype=jnp.float32)
    enc = enc.at[:, 0::2].set(jnp.sin(position * div_term))
    # D is even, so torch uses the full div_term for the cosine part as well
    enc = enc.at[:, 1::2].set(jnp.cos(position * div_term))
    return enc


def setup_inputs(seed: int = 0) -> dict:
    key = jax.random.key(seed)
    k1, k2 = jax.random.split(key)
    # x[:, :, 0] holds material indices (as floats, in-range for the vocab);
    # x[:, :, 1:] holds thickness info. Generated per input_specs fill=randint.
    x = jax.random.randint(k1, (B, L, 3), 0, VOCAB).astype(jnp.float32)
    table = jax.random.normal(k2, (VOCAB, EMB), dtype=jnp.float32)
    return {"x": x, "table": table}


def reference(x, table):
    material = x[:, :, 0].astype(jnp.int32)
    thickness_info = x[:, :, 1:]
    embedding = jnp.take(table, material, axis=0)  # [B, L, EMB]
    out = jnp.concatenate([embedding, thickness_info], axis=-1)  # [B, L, D]
    out = math.sqrt(D) * out
    enc = _positional_encoding()
    return out + enc[: x.shape[1]]

if __name__ == "__main__":
    import jax
    _d = setup_inputs()
    print(jax.jit(kernel)(*tuple(_d.values())))

</pallas_src>

<mosaic_0001>
#map = affine_map<(d0, d1) -> (0, 0)>
#map1 = affine_map<(d0, d1) -> (0, 0, 0, 0)>
#map2 = affine_map<(d0, d1) -> (0, 0, 0)>
module attributes {stable_mosaic.version = 14 : i64} {
  func.func @_sc_embed(%arg0: i32, %arg1: i32, %arg2: memref<100000x128xf32, #tpu.memory_space<hbm>>, %arg3: memref<32x32x4x50xi32, #tpu.memory_space<hbm>>, %arg4: memref<32x32x416xf32, #tpu.memory_space<hbm>>, %arg5: memref<200x128xf32, #tpu.memory_space<hbm>>, %arg6: memref<1024x200x128xf32, #tpu.memory_space<hbm>>, %arg7: memref<200x128xf32, #tpu.memory_space<vmem>>, %arg8: memref<200x128xf32, #tpu.memory_space<vmem>>, %arg9: memref<200x128xf32, #tpu.memory_space<vmem>>, %arg10: memref<200x128xf32, #tpu.memory_space<vmem>>, %arg11: memref<4x50xi32, #tpu.memory_space<vmem>>, %arg12: memref<4x50xi32, #tpu.memory_space<vmem>>, %arg13: memref<4x50xi32, #tpu.memory_space<vmem>>, %arg14: memref<416xf32, #tpu.memory_space<vmem>>, %arg15: memref<416xf32, #tpu.memory_space<vmem>>, %arg16: memref<416xf32, #tpu.memory_space<vmem>>, %arg17: memref<!tpu.dma_semaphore, #tpu.memory_space<semaphore_mem>>, %arg18: memref<!tpu.dma_semaphore, #tpu.memory_space<semaphore_mem>>, %arg19: memref<!tpu.dma_semaphore, #tpu.memory_space<semaphore_mem>>, %arg20: memref<!tpu.dma_semaphore, #tpu.memory_space<semaphore_mem>>, %arg21: memref<!tpu.dma_semaphore, #tpu.memory_space<semaphore_mem>>, %arg22: memref<!tpu.dma_semaphore, #tpu.memory_space<semaphore_mem>>, %arg23: memref<!tpu.dma_semaphore, #tpu.memory_space<semaphore_mem>>, %arg24: memref<!tpu.dma_semaphore, #tpu.memory_space<semaphore_mem>>, %arg25: memref<!tpu.dma_semaphore, #tpu.memory_space<semaphore_mem>>) attributes {dimension_semantics = [#tpu.dimension_semantics<core_parallel>, #tpu.dimension_semantics<subcore_parallel>], iteration_bounds = array<i64: 2, 16>, scalar_prefetch = 0 : i64, scratch_operands = 19 : i64, tpu.core_type = #tpu.core_type<sc_vector_subcore>, window_params = [{transform_indices = #map}, {transform_indices = #map1}, {transform_indices = #map2}, {transform_indices = #map}, {transform_indices = #map2}]} {
    %mul3A = arith.constant 2 : i32
    %mul3A_0 = arith.muli %arg1, %mul3A : i32
    %add3A = arith.addi %mul3A_0, %arg0 : i32
    "tpu.region"() ({
      %run_scoped3A_293 = tpu.sem_alloc : memref<!tpu.dma_semaphore, #tpu.memory_space<semaphore_mem>>
      tpu.enqueue_dma source(%arg5 : memref<200x128xf32, #tpu.memory_space<hbm>>) target(%arg7 : memref<200x128xf32, #tpu.memory_space<vmem>>) target_semaphore(%run_scoped3A_293 : memref<!tpu.dma_semaphore, #tpu.memory_space<semaphore_mem>>)
      tpu.wait_dma2 semaphore(%run_scoped3A_293 : memref<!tpu.dma_semaphore, #tpu.memory_space<semaphore_mem>>) src(%arg5 : memref<200x128xf32, #tpu.memory_space<hbm>>) dst(%arg7 : memref<200x128xf32, #tpu.memory_space<vmem>>)
      tpu.yield
    }) : () -> ()
    %iota3A = tpu.iota {dimensions = array<i32: 0>} : vector<16xi32>
    %ge3A = arith.constant 14 : i32
    %ge3A_1 = vector.broadcast %ge3A : i32 to vector<16xi32>
    %ge3A_2 = arith.cmpi sge, %iota3A, %ge3A_1 : vector<16xi32>
    %run_scoped3A = arith.constant 0 : i32
    "tpu.region"() ({
      %run_scoped3A_293 = tpu.sem_alloc : memref<!tpu.dma_semaphore, #tpu.memory_space<semaphore_mem>>
      %dma_start3A_294 = arith.constant 0 : i32
      %dma_start3A_295 = arith.constant 0 : i32
      %dma_start3A_296 = tpu.memref_slice %arg3[%add3A, %run_scoped3A, %dma_start3A_294, %dma_start3A_295] : memref<32x32x4x50xi32, #tpu.memory_space<hbm>> -> memref<1x1x4x50xi32, #tpu.memory_space<hbm>>
      %dma_start3A_297 = tpu.memref_squeeze %dma_start3A_296 : memref<1x1x4x50xi32, #tpu.memory_space<hbm>> -> memref<4x50xi32, #tpu.memory_space<hbm>>
      %dma_start3A_298 = arith.constant 0 : i32
      %dma_start3A_299 = arith.constant 0 : i32
      %dma_start3A_300 = tpu.memref_slice %arg3[%add3A, %run_scoped3A, %dma_start3A_298, %dma_start3A_299] : memref<32x32x4x50xi32, #tpu.memory_space<hbm>> -> memref<1x1x4x50xi32, #tpu.memory_space<hbm>>
      %dma_start3A_301 = tpu.memref_squeeze %dma_start3A_300 : memref<1x1x4x50xi32, #tpu.memory_space<hbm>> -> memref<4x50xi32, #tpu.memory_space<hbm>>
      tpu.enqueue_dma source(%dma_start3A_301 : memref<4x50xi32, #tpu.memory_space<hbm>>) target(%arg11 : memref<4x50xi32, #tpu.memory_space<vmem>>) target_semaphore(%run_scoped3A_293 : memref<!tpu.dma_semaphore, #tpu.memory_space<semaphore_mem>>)
      %dma_wait3A_302 = arith.constant 0 : i32
      %dma_wait3A_303 = arith.constant 0 : i32
      %dma_wait3A_304 = tpu.memref_slice %arg3[%add3A, %run_scoped3A, %dma_wait3A_302, %dma_wait3A_303] : memref<32x32x4x50xi32, #tpu.memory_space<hbm>> -> memref<1x1x4x50xi32, #tpu.memory_space<hbm>>
      %dma_wait3A_305 = tpu.memref_squeeze %dma_wait3A_304 : memref<1x1x4x50xi32, #tpu.memory_space<hbm>> -> memref<4x50xi32, #tpu.memory_space<hbm>>
      %dma_wait3A_306 = arith.constant 0 : i32
      %dma_wait3A_307 = arith.constant 0 : i32
      %dma_wait3A_308 = tpu.memref_slice %arg3[%add3A, %run_scoped3A, %dma_wait3A_306, %dma_wait3A_307] : memref<32x32x4x50xi32, #tpu.memory_space<hbm>> -> memref<1x1x4x50xi32, #tpu.memory_space<hbm>>
      %dma_wait3A_309 = tpu.memref_squeeze %dma_wait3A_308 : memref<1x1x4x50xi32, #tpu.memory_space<hbm>> -> memref<4x50xi32, #tpu.memory_space<hbm>>
      tpu.wait_dma2 semaphore(%run_scoped3A_293 : memref<!tpu.dma_semaphore, #tpu.memory_space<semaphore_mem>>) src(%dma_wait3A_309 : memref<4x50xi32, #tpu.memory_space<hbm>>) dst(%arg11 : memref<4x50xi32, #tpu.memory_space<vmem>>)
      tpu.yield
    }) : () -> ()
    %dma_start3A = arith.constant 1 : i32
    %dma_start3A_3 = arith.constant 0 : i32
    %dma_start3A_4 = arith.constant 0 : i32
    %dma_start3A_5 = tpu.memref_slice %arg3[%add3A, %dma_start3A, %dma_start3A_3, %dma_start3A_4] : memref<32x32x4x50xi32, #tpu.memory_space<hbm>> -> memref<1x1x4x50xi32, #tpu.memory_space<hbm>>
    %dma_start3A_6 = tpu.memref_squeeze %dma_start3A_5 : memref<1x1x4x50xi32, #tpu.memory_space<hbm>> -> memref<4x50xi32, #tpu.memory_space<hbm>>
    %dma_start3A_7 = arith.constant 0 : i32
    %dma_start3A_8 = arith.constant 0 : i32
    %dma_start3A_9 = tpu.memref_slice %arg3[%add3A, %dma_start3A, %dma_start3A_7, %dma_start3A_8] : memref<32x32x4x50xi32, #tpu.memory_space<hbm>> -> memref<1x1x4x50xi32, #tpu.memory_space<hbm>>
    %dma_start3A_10 = tpu.memref_squeeze %dma_start3A_9 : memref<1x1x4x50xi32, #tpu.memory_space<hbm>> -> memref<4x50xi32, #tpu.memory_space<hbm>>
    tpu.enqueue_dma source(%dma_start3A_10 : memref<4x50xi32, #tpu.memory_space<hbm>>) target(%arg12 : memref<4x50xi32, #tpu.memory_space<vmem>>) target_semaphore(%arg24 : memref<!tpu.dma_semaphore, #tpu.memory_space<semaphore_mem>>)
    %dma_start3A_11 = arith.constant 0 : i32
    %dma_start3A_12 = arith.constant 0 : i32
    %dma_start3A_13 = arith.constant 0 : i32
    %dma_start3A_14 = tpu.memref_slice %arg8[%dma_start3A_12, %dma_start3A_13] : memref<200x128xf32, #tpu.memory_space<vmem>> -> memref<50x128xf32, #tpu.memory_space<vmem>>
    %dma_start3A_15 = arith.constant 0 : i32
    %dma_start3A_16 = tpu.memref_slice %arg11[%dma_start3A_11, %dma_start3A_15] : memref<4x50xi32, #tpu.memory_space<vmem>> -> memref<1x50xi32, #tpu.memory_space<vmem>>
    %dma_start3A_17 = tpu.memref_squeeze %dma_start3A_16 : memref<1x50xi32, #tpu.memory_space<vmem>> -> memref<50xi32, #tpu.memory_space<vmem>>
    %dma_start3A_18 = arith.constant 0 : i32
    %dma_start3A_19 = arith.constant 0 : i32
    %dma_start3A_20 = tpu.memref_slice %arg2[%dma_start3A_18, %dma_start3A_19] : memref<100000x128xf32, #tpu.memory_space<hbm>> -> memref<100000x128xf32, #tpu.memory_space<hbm>>
    tpu.enqueue_indirect_dma source(%dma_start3A_20 : memref<100000x128xf32, #tpu.memory_space<hbm>>) target(%dma_start3A_14 : memref<50x128xf32, #tpu.memory_space<vmem>>) offsets(%dma_start3A_17 : memref<50xi32, #tpu.memory_space<vmem>>) semaphore(%arg17 : memref<!tpu.dma_semaphore, #tpu.memory_space<semaphore_mem>>)
    %dma_start3A_21 = arith.constant 1 : i32
    %dma_start3A_22 = arith.constant 50 : i32
    %dma_start3A_23 = arith.constant 0 : i32
    %dma_start3A_24 = tpu.memref_slice %arg8[%dma_start3A_22, %dma_start3A_23] : memref<200x128xf32, #tpu.memory_space<vmem>> -> memref<50x128xf32, #tpu.memory_space<vmem>>
    %dma_start3A_25 = arith.constant 0 : i32
    %dma_start3A_26 = tpu.memref_slice %arg11[%dma_start3A_21, %dma_start3A_25] : memref<4x50xi32, #tpu.memory_space<vmem>> -> memref<1x50xi32, #tpu.memory_space<vmem>>
    %dma_start3A_27 = tpu.memref_squeeze %dma_start3A_26 : memref<1x50xi32, #tpu.memory_space<vmem>> -> memref<50xi32, #tpu.memory_space<vmem>>
    %dma_start3A_28 = arith.constant 0 : i32
    %dma_start3A_29 = arith.constant 0 : i32
    %dma_start3A_30 = tpu.memref_slice %arg2[%dma_start3A_28, %dma_start3A_29] : memref<100000x128xf32, #tpu.memory_space<hbm>> -> memref<100000x128xf32, #tpu.memory_space<hbm>>
    tpu.enqueue_indirect_dma source(%dma_start3A_30 : memref<100000x128xf32, #tpu.memory_space<hbm>>) target(%dma_start3A_24 : memref<50x128xf32, #tpu.memory_space<vmem>>) offsets(%dma_start3A_27 : memref<50xi32, #tpu.memory_space<vmem>>) semaphore(%arg17 : memref<!tpu.dma_semaphore, #tpu.memory_space<semaphore_mem>>)
    %dma_start3A_31 = arith.constant 2 : i32
    %dma_start3A_32 = arith.constant 100 : i32
    %dma_start3A_33 = arith.constant 0 : i32
    %dma_start3A_34 = tpu.memref_slice %arg8[%dma_start3A_32, %dma_start3A_33] : memref<200x128xf32, #tpu.memory_space<vmem>> -> memref<50x128xf32, #tpu.memory_space<vmem>>
    %dma_start3A_35 = arith.constant 0 : i32
    %dma_start3A_36 = tpu.memref_slice %arg11[%dma_start3A_31, %dma_start3A_35] : memref<4x50xi32, #tpu.memory_space<vmem>> -> memref<1x50xi32, #tpu.memory_space<vmem>>
    %dma_start3A_37 = tpu.memref_squeeze %dma_start3A_36 : memref<1x50xi32, #tpu.memory_space<vmem>> -> memref<50xi32, #tpu.memory_space<vmem>>
    %dma_start3A_38 = arith.constant 0 : i32
    %dma_start3A_39 = arith.constant 0 : i32
    %dma_start3A_40 = tpu.memref_slice %arg2[%dma_start3A_38, %dma_start3A_39] : memref<100000x128xf32, #tpu.memory_space<hbm>> -> memref<100000x128xf32, #tpu.memory_space<hbm>>
    tpu.enqueue_indirect_dma source(%dma_start3A_40 : memref<100000x128xf32, #tpu.memory_space<hbm>>) target(%dma_start3A_34 : memref<50x128xf32, #tpu.memory_space<vmem>>) offsets(%dma_start3A_37 : memref<50xi32, #tpu.memory_space<vmem>>) semaphore(%arg17 : memref<!tpu.dma_semaphore, #tpu.memory_space<semaphore_mem>>)
    %dma_start3A_41 = arith.constant 3 : i32
    %dma_start3A_42 = arith.constant 150 : i32
    %dma_start3A_43 = arith.constant 0 : i32
    %dma_start3A_44 = tpu.memref_slice %arg8[%dma_start3A_42, %dma_start3A_43] : memref<200x128xf32, #tpu.memory_space<vmem>> -> memref<50x128xf32, #tpu.memory_space<vmem>>
    %dma_start3A_45 = arith.constant 0 : i32
    %dma_start3A_46 = tpu.memref_slice %arg11[%dma_start3A_41, %dma_start3A_45] : memref<4x50xi32, #tpu.memory_space<vmem>> -> memref<1x50xi32, #tpu.memory_space<vmem>>
    %dma_start3A_47 = tpu.memref_squeeze %dma_start3A_46 : memref<1x50xi32, #tpu.memory_space<vmem>> -> memref<50xi32, #tpu.memory_space<vmem>>
    %dma_start3A_48 = arith.constant 0 : i32
    %dma_start3A_49 = arith.constant 0 : i32
    %dma_start3A_50 = tpu.memref_slice %arg2[%dma_start3A_48, %dma_start3A_49] : memref<100000x128xf32, #tpu.memory_space<hbm>> -> memref<100000x128xf32, #tpu.memory_space<hbm>>
    tpu.enqueue_indirect_dma source(%dma_start3A_50 : memref<100000x128xf32, #tpu.memory_space<hbm>>) target(%dma_start3A_44 : memref<50x128xf32, #tpu.memory_space<vmem>>) offsets(%dma_start3A_47 : memref<50xi32, #tpu.memory_space<vmem>>) semaphore(%arg17 : memref<!tpu.dma_semaphore, #tpu.memory_space<semaphore_mem>>)
    %dma_start3A_51 = arith.constant 0 : i32
    %dma_start3A_52 = arith.constant 0 : i32
    %dma_start3A_53 = tpu.memref_slice %arg4[%add3A, %dma_start3A_51, %dma_start3A_52] : memref<32x32x416xf32, #tpu.memory_space<hbm>> -> memref<1x1x416xf32, #tpu.memory_space<hbm>>
    %dma_start3A_54 = tpu.memref_squeeze %dma_start3A_53 : memref<1x1x416xf32, #tpu.memory_space<hbm>> -> memref<416xf32, #tpu.memory_space<hbm>>
    %dma_start3A_55 = arith.constant 0 : i32
    %dma_start3A_56 = tpu.memref_slice %arg4[%add3A, %dma_start3A_51, %dma_start3A_55] : memref<32x32x416xf32, #tpu.memory_space<hbm>> -> memref<1x1x416xf32, #tpu.memory_space<hbm>>
    %dma_start3A_57 = tpu.memref_squeeze %dma_start3A_56 : memref<1x1x416xf32, #tpu.memory_space<hbm>> -> memref<416xf32, #tpu.memory_space<hbm>>
    tpu.enqueue_dma source(%dma_start3A_57 : memref<416xf32, #tpu.memory_space<hbm>>) target(%arg14 : memref<416xf32, #tpu.memory_space<vmem>>) target_semaphore(%arg17 : memref<!tpu.dma_semaphore, #tpu.memory_space<semaphore_mem>>)
    %dma_wait3A = arith.constant 1 : i32
    %dma_wait3A_58 = arith.constant 0 : i32
    %dma_wait3A_59 = arith.constant 0 : i32
    %dma_wait3A_60 = tpu.memref_slice %arg3[%add3A, %dma_wait3A, %dma_wait3A_58, %dma_wait3A_59] : memref<32x32x4x50xi32, #tpu.memory_space<hbm>> -> memref<1x1x4x50xi32, #tpu.memory_space<hbm>>
    %dma_wait3A_61 = tpu.memref_squeeze %dma_wait3A_60 : memref<1x1x4x50xi32, #tpu.memory_space<hbm>> -> memref<4x50xi32, #tpu.memory_space<hbm>>
    %dma_wait3A_62 = arith.constant 0 : i32
    %dma_wait3A_63 = arith.constant 0 : i32
    %dma_wait3A_64 = tpu.memref_slice %arg3[%add3A, %dma_wait3A, %dma_wait3A_62, %dma_wait3A_63] : memref<32x32x4x50xi32, #tpu.memory_space<hbm>> -> memref<1x1x4x50xi32, #tpu.memory_space<hbm>>
    %dma_wait3A_65 = tpu.memref_squeeze %dma_wait3A_64 : memref<1x1x4x50xi32, #tpu.memory_space<hbm>> -> memref<4x50xi32, #tpu.memory_space<hbm>>
    tpu.wait_dma2 semaphore(%arg24 : memref<!tpu.dma_semaphore, #tpu.memory_space<semaphore_mem>>) src(%dma_wait3A_65 : memref<4x50xi32, #tpu.memory_space<hbm>>) dst(%arg12 : memref<4x50xi32, #tpu.memory_space<vmem>>)
    %dma_start3A_66 = arith.constant 0 : i32
    %dma_start3A_67 = arith.constant 0 : i32
    %dma_start3A_68 = arith.constant 0 : i32
    %dma_start3A_69 = tpu.memref_slice %arg9[%dma_start3A_67, %dma_start3A_68] : memref<200x128xf32, #tpu.memory_space<vmem>> -> memref<50x128xf32, #tpu.memory_space<vmem>>
    %dma_start3A_70 = arith.constant 0 : i32
    %dma_start3A_71 = tpu.memref_slice %arg12[%dma_start3A_66, %dma_start3A_70] : memref<4x50xi32, #tpu.memory_space<vmem>> -> memref<1x50xi32, #tpu.memory_space<vmem>>
    %dma_start3A_72 = tpu.memref_squeeze %dma_start3A_71 : memref<1x50xi32, #tpu.memory_space<vmem>> -> memref<50xi32, #tpu.memory_space<vmem>>
    %dma_start3A_73 = arith.constant 0 : i32
    %dma_start3A_74 = arith.constant 0 : i32
    %dma_start3A_75 = tpu.memref_slice %arg2[%dma_start3A_73, %dma_start3A_74] : memref<100000x128xf32, #tpu.memory_space<hbm>> -> memref<100000x128xf32, #tpu.memory_space<hbm>>
    tpu.enqueue_indirect_dma source(%dma_start3A_75 : memref<100000x128xf32, #tpu.memory_space<hbm>>) target(%dma_start3A_69 : memref<50x128xf32, #tpu.memory_space<vmem>>) offsets(%dma_start3A_72 : memref<50xi32, #tpu.memory_space<vmem>>) semaphore(%arg18 : memref<!tpu.dma_semaphore, #tpu.memory_space<semaphore_mem>>)
    %dma_start3A_76 = arith.constant 1 : i32
    %dma_start3A_77 = arith.constant 50 : i32
    %dma_start3A_78 = arith.constant 0 : i32
    %dma_start3A_79 = tpu.memref_slice %arg9[%dma_start3A_77, %dma_start3A_78] : memref<200x128xf32, #tpu.memory_space<vmem>> -> memref<50x128xf32, #tpu.memory_space<vmem>>
    %dma_start3A_80 = arith.constant 0 : i32
    %dma_start3A_81 = tpu.memref_slice %arg12[%dma_start3A_76, %dma_start3A_80] : memref<4x50xi32, #tpu.memory_space<vmem>> -> memref<1x50xi32, #tpu.memory_space<vmem>>
    %dma_start3A_82 = tpu.memref_squeeze %dma_start3A_81 : memref<1x50xi32, #tpu.memory_space<vmem>> -> memref<50xi32, #tpu.memory_space<vmem>>
    %dma_start3A_83 = arith.constant 0 : i32
    %dma_start3A_84 = arith.constant 0 : i32
    %dma_start3A_85 = tpu.memref_slice %arg2[%dma_start3A_83, %dma_start3A_84] : memref<100000x128xf32, #tpu.memory_space<hbm>> -> memref<100000x128xf32, #tpu.memory_space<hbm>>
    tpu.enqueue_indirect_dma source(%dma_start3A_85 : memref<100000x128xf32, #tpu.memory_space<hbm>>) target(%dma_start3A_79 : memref<50x128xf32, #tpu.memory_space<vmem>>) offsets(%dma_start3A_82 : memref<50xi32, #tpu.memory_space<vmem>>) semaphore(%arg18 : memref<!tpu.dma_semaphore, #tpu.memory_space<semaphore_mem>>)
    %dma_start3A_86 = arith.constant 2 : i32
    %dma_start3A_87 = arith.constant 100 : i32
    %dma_start3A_88 = arith.constant 0 : i32
    %dma_start3A_89 = tpu.memref_slice %arg9[%dma_start3A_87, %dma_start3A_88] : memref<200x128xf32, #tpu.memory_space<vmem>> -> memref<50x128xf32, #tpu.memory_space<vmem>>
    %dma_start3A_90 = arith.constant 0 : i32
    %dma_start3A_91 = tpu.memref_slice %arg12[%dma_start3A_86, %dma_start3A_90] : memref<4x50xi32, #tpu.memory_space<vmem>> -> memref<1x50xi32, #tpu.memory_space<vmem>>
    %dma_start3A_92 = tpu.memref_squeeze %dma_start3A_91 : memref<1x50xi32, #tpu.memory_space<vmem>> -> memref<50xi32, #tpu.memory_space<vmem>>
    %dma_start3A_93 = arith.constant 0 : i32
    %dma_start3A_94 = arith.constant 0 : i32
    %dma_start3A_95 = tpu.memref_slice %arg2[%dma_start3A_93, %dma_start3A_94] : memref<100000x128xf32, #tpu.memory_space<hbm>> -> memref<100000x128xf32, #tpu.memory_space<hbm>>
    tpu.enqueue_indirect_dma source(%dma_start3A_95 : memref<100000x128xf32, #tpu.memory_space<hbm>>) target(%dma_start3A_89 : memref<50x128xf32, #tpu.memory_space<vmem>>) offsets(%dma_start3A_92 : memref<50xi32, #tpu.memory_space<vmem>>) semaphore(%arg18 : memref<!tpu.dma_semaphore, #tpu.memory_space<semaphore_mem>>)
    %dma_start3A_96 = arith.constant 3 : i32
    %dma_start3A_97 = arith.constant 150 : i32
    %dma_start3A_98 = arith.constant 0 : i32
    %dma_start3A_99 = tpu.memref_slice %arg9[%dma_start3A_97, %dma_start3A_98] : memref<200x128xf32, #tpu.memory_space<vmem>> -> memref<50x128xf32, #tpu.memory_space<vmem>>
    %dma_start3A_100 = arith.constant 0 : i32
    %dma_start3A_101 = tpu.memref_slice %arg12[%dma_start3A_96, %dma_start3A_100] : memref<4x50xi32, #tpu.memory_space<vmem>> -> memref<1x50xi32, #tpu.memory_space<vmem>>
    %dma_start3A_102 = tpu.memref_squeeze %dma_start3A_101 : memref<1x50xi32, #tpu.memory_space<vmem>> -> memref<50xi32, #tpu.memory_space<vmem>>
    %dma_start3A_103 = arith.constant 0 : i32
    %dma_start3A_104 = arith.constant 0 : i32
    %dma_start3A_105 = tpu.memref_slice %arg2[%dma_start3A_103, %dma_start3A_104] : memref<100000x128xf32, #tpu.memory_space<hbm>> -> memref<100000x128xf32, #tpu.memory_space<hbm>>
    tpu.enqueue_indirect_dma source(%dma_start3A_105 : memref<100000x128xf32, #tpu.memory_space<hbm>>) target(%dma_start3A_99 : memref<50x128xf32, #tpu.memory_space<vmem>>) offsets(%dma_start3A_102 : memref<50xi32, #tpu.memory_space<vmem>>) semaphore(%arg18 : memref<!tpu.dma_semaphore, #tpu.memory_space<semaphore_mem>>)
    %dma_start3A_106 = arith.constant 1 : i32
    %dma_start3A_107 = arith.constant 0 : i32
    %dma_start3A_108 = tpu.memref_slice %arg4[%add3A, %dma_start3A_106, %dma_start3A_107] : memref<32x32x416xf32, #tpu.memory_space<hbm>> -> memref<1x1x416xf32, #tpu.memory_space<hbm>>
    %dma_start3A_109 = tpu.memref_squeeze %dma_start3A_108 : memref<1x1x416xf32, #tpu.memory_space<hbm>> -> memref<416xf32, #tpu.memory_space<hbm>>
    %dma_start3A_110 = arith.constant 0 : i32
    %dma_start3A_111 = tpu.memref_slice %arg4[%add3A, %dma_start3A_106, %dma_start3A_110] : memref<32x32x416xf32, #tpu.memory_space<hbm>> -> memref<1x1x416xf32, #tpu.memory_space<hbm>>
    %dma_start3A_112 = tpu.memref_squeeze %dma_start3A_111 : memref<1x1x416xf32, #tpu.memory_space<hbm>> -> memref<416xf32, #tpu.memory_space<hbm>>
    tpu.enqueue_dma source(%dma_start3A_112 : memref<416xf32, #tpu.memory_space<hbm>>) target(%arg15 : memref<416xf32, #tpu.memory_space<vmem>>) target_semaphore(%arg18 : memref<!tpu.dma_semaphore, #tpu.memory_space<semaphore_mem>>)
    %dma_start3A_113 = arith.constant 2 : i32
    %dma_start3A_114 = arith.constant 0 : i32
    %dma_start3A_115 = arith.constant 0 : i32
    %dma_start3A_116 = tpu.memref_slice %arg3[%add3A, %dma_start3A_113, %dma_start3A_114, %dma_start3A_115] : memref<32x32x4x50xi32, #tpu.memory_space<hbm>> -> memref<1x1x4x50xi32, #tpu.memory_space<hbm>>
    %dma_start3A_117 = tpu.memref_squeeze %dma_start3A_116 : memref<1x1x4x50xi32, #tpu.memory_space<hbm>> -> memref<4x50xi32, #tpu.memory_space<hbm>>
    %dma_start3A_118 = arith.constant 0 : i32
    %dma_start3A_119 = arith.constant 0 : i32
    %dma_start3A_120 = tpu.memref_slice %arg3[%add3A, %dma_start3A_113, %dma_start3A_118, %dma_start3A_119] : memref<32x32x4x50xi32, #tpu.memory_space<hbm>> -> memref<1x1x4x50xi32, #tpu.memory_space<hbm>>
    %dma_start3A_121 = tpu.memref_squeeze %dma_start3A_120 : memref<1x1x4x50xi32, #tpu.memory_space<hbm>> -> memref<4x50xi32, #tpu.memory_space<hbm>>
    tpu.enqueue_dma source(%dma_start3A_121 : memref<4x50xi32, #tpu.memory_space<hbm>>) target(%arg13 : memref<4x50xi32, #tpu.memory_space<vmem>>) target_semaphore(%arg25 : memref<!tpu.dma_semaphore, #tpu.memory_space<semaphore_mem>>)
    %dma_wait3A_122 = arith.constant 0 : i32
    %dma_wait3A_123 = arith.constant 0 : i32
    %dma_wait3A_124 = arith.constant 0 : i32
    %dma_wait3A_125 = tpu.memref_slice %arg8[%dma_wait3A_123, %dma_wait3A_124] : memref<200x128xf32, #tpu.memory_space<vmem>> -> memref<50x128xf32, #tpu.memory_space<vmem>>
    %dma_wait3A_126 = arith.constant 0 : i32
    %dma_wait3A_127 = tpu.memref_slice %arg11[%dma_wait3A_122, %dma_wait3A_126] : memref<4x50xi32, #tpu.memory_space<vmem>> -> memref<1x50xi32, #tpu.memory_space<vmem>>
    %dma_wait3A_128 = tpu.memref_squeeze %dma_wait3A_127 : memref<1x50xi32, #tpu.memory_space<vmem>> -> memref<50xi32, #tpu.memory_space<vmem>>
    %dma_wait3A_129 = arith.constant 0 : i32
    %dma_wait3A_130 = arith.constant 0 : i32
    %dma_wait3A_131 = tpu.memref_slice %arg2[%dma_wait3A_129, %dma_wait3A_130] : memref<100000x128xf32, #tpu.memory_space<hbm>> -> memref<100000x128xf32, #tpu.memory_space<hbm>>
    tpu.wait_indirect_dma semaphore(%arg17 : memref<!tpu.dma_semaphore, #tpu.memory_space<semaphore_mem>>) src(%dma_wait3A_131 : memref<100000x128xf32, #tpu.memory_space<hbm>>) dst(%dma_wait3A_125 : memref<50x128xf32, #tpu.memory_space<vmem>>)
    %dma_wait3A_132 = arith.constant 1 : i32
    %dma_wait3A_133 = arith.constant 50 : i32
    %dma_wait3A_134 = arith.constant 0 : i32
    %dma_wait3A_135 = tpu.memref_slice %arg8[%dma_wait3A_133, %dma_wait3A_134] : memref<200x128xf32, #tpu.memory_space<vmem>> -> memref<50x128xf32, #tpu.memory_space<vmem>>
    %dma_wait3A_136 = arith.constant 0 : i32
    %dma_wait3A_137 = tpu.memref_slice %arg11[%dma_wait3A_132, %dma_wait3A_136] : memref<4x50xi32, #tpu.memory_space<vmem>> -> memref<1x50xi32, #tpu.memory_space<vmem>>
    %dma_wait3A_138 = tpu.memref_squeeze %dma_wait3A_137 : memref<1x50xi32, #tpu.memory_space<vmem>> -> memref<50xi32, #tpu.memory_space<vmem>>
    %dma_wait3A_139 = arith.constant 0 : i32
    %dma_wait3A_140 = arith.constant 0 : i32
    %dma_wait3A_141 = tpu.memref_slice %arg2[%dma_wait3A_139, %dma_wait3A_140] : memref<100000x128xf32, #tpu.memory_space<hbm>> -> memref<100000x128xf32, #tpu.memory_space<hbm>>
    tpu.wait_indirect_dma semaphore(%arg17 : memref<!tpu.dma_semaphore, #tpu.memory_space<semaphore_mem>>) src(%dma_wait3A_141 : memref<100000x128xf32, #tpu.memory_space<hbm>>) dst(%dma_wait3A_135 : memref<50x128xf32, #tpu.memory_space<vmem>>)
    %dma_wait3A_142 = arith.constant 2 : i32
    %dma_wait3A_143 = arith.constant 100 : i32
    %dma_wait3A_144 = arith.constant 0 : i32
    %dma_wait3A_145 = tpu.memref_slice %arg8[%dma_wait3A_143, %dma_wait3A_144] : memref<200x128xf32, #tpu.memory_space<vmem>> -> memref<50x128xf32, #tpu.memory_space<vmem>>
    %dma_wait3A_146 = arith.constant 0 : i32
    %dma_wait3A_147 = tpu.memref_slice %arg11[%dma_wait3A_142, %dma_wait3A_146] : memref<4x50xi32, #tpu.memory_space<vmem>> -> memref<1x50xi32, #tpu.memory_space<vmem>>
    %dma_wait3A_148 = tpu.memref_squeeze %dma_wait3A_147 : memref<1x50xi32, #tpu.memory_space<vmem>> -> memref<50xi32, #tpu.memory_space<vmem>>
    %dma_wait3A_149 = arith.constant 0 : i32
    %dma_wait3A_150 = arith.constant 0 : i32
    %dma_wait3A_151 = tpu.memref_slice %arg2[%dma_wait3A_149, %dma_wait3A_150] : memref<100000x128xf32, #tpu.memory_space<hbm>> -> memref<100000x128xf32, #tpu.memory_space<hbm>>
    tpu.wait_indirect_dma semaphore(%arg17 : memref<!tpu.dma_semaphore, #tpu.memory_space<semaphore_mem>>) src(%dma_wait3A_151 : memref<100000x128xf32, #tpu.memory_space<hbm>>) dst(%dma_wait3A_145 : memref<50x128xf32, #tpu.memory_space<vmem>>)
    %dma_wait3A_152 = arith.constant 3 : i32
    %dma_wait3A_153 = arith.constant 150 : i32
    %dma_wait3A_154 = arith.constant 0 : i32
    %dma_wait3A_155 = tpu.memref_slice %arg8[%dma_wait3A_153, %dma_wait3A_154] : memref<200x128xf32, #tpu.memory_space<vmem>> -> memref<50x128xf32, #tpu.memory_space<vmem>>
    %dma_wait3A_156 = arith.constant 0 : i32
    %dma_wait3A_157 = tpu.memref_slice %arg11[%dma_wait3A_152, %dma_wait3A_156] : memref<4x50xi32, #tpu.memory_space<vmem>> -> memref<1x50xi32, #tpu.memory_space<vmem>>
    %dma_wait3A_158 = tpu.memref_squeeze %dma_wait3A_157 : memref<1x50xi32, #tpu.memory_space<vmem>> -> memref<50xi32, #tpu.memory_space<vmem>>
    %dma_wait3A_159 = arith.constant 0 : i32
    %dma_wait3A_160 = arith.constant 0 : i32
    %dma_wait3A_161 = tpu.memref_slice %arg2[%dma_wait3A_159, %dma_wait3A_160] : memref<100000x128xf32, #tpu.memory_space<hbm>> -> memref<100000x128xf32, #tpu.memory_space<hbm>>
    tpu.wait_indirect_dma semaphore(%arg17 : memref<!tpu.dma_semaphore, #tpu.memory_space<semaphore_mem>>) src(%dma_wait3A_161 : memref<100000x128xf32, #tpu.memory_space<hbm>>) dst(%dma_wait3A_155 : memref<50x128xf32, #tpu.memory_space<vmem>>)
    %dma_wait3A_162 = arith.constant 0 : i32
    %dma_wait3A_163 = arith.constant 0 : i32
    %dma_wait3A_164 = tpu.memref_slice %arg4[%add3A, %dma_wait3A_162, %dma_wait3A_163] : memref<32x32x416xf32, #tpu.memory_space<hbm>> -> memref<1x1x416xf32, #tpu.memory_space<hbm>>
    %dma_wait3A_165 = tpu.memref_squeeze %dma_wait3A_164 : memref<1x1x416xf32, #tpu.memory_space<hbm>> -> memref<416xf32, #tpu.memory_space<hbm>>
    %dma_wait3A_166 = arith.constant 0 : i32
    %dma_wait3A_167 = tpu.memref_slice %arg4[%add3A, %dma_wait3A_162, %dma_wait3A_166] : memref<32x32x416xf32, #tpu.memory_space<hbm>> -> memref<1x1x416xf32, #tpu.memory_space<hbm>>
    %dma_wait3A_168 = tpu.memref_squeeze %dma_wait3A_167 : memref<1x1x416xf32, #tpu.memory_space<hbm>> -> memref<416xf32, #tpu.memory_space<hbm>>
    tpu.wait_dma2 semaphore(%arg17 : memref<!tpu.dma_semaphore, #tpu.memory_space<semaphore_mem>>) src(%dma_wait3A_168 : memref<416xf32, #tpu.memory_space<hbm>>) dst(%arg14 : memref<416xf32, #tpu.memory_space<vmem>>)
    %scan3A = arith.constant 0 : i32
    %scan3A_169 = arith.constant 0 : i32
    %scan3A_170 = arith.constant 200 : i32
    %scan3A_171 = arith.addi %scan3A_169, %scan3A_170 : i32
    %scan3A_172 = arith.constant 1 : i32
    scf.for %scan3A_293 = %scan3A_169 to %scan3A_171 step %scan3A_172  : i32 {
      %get3A = arith.index_cast %scan3A_293 : i32 to index
      %get3A_294 = arith.constant 0 : index
      %get3A_295 = tpu.vector_load %arg8[%get3A, %get3A_294] {strides = array<i32>} : memref<200x128xf32, #tpu.memory_space<vmem>>, vector<1x16xf32>,
      %get3A_296 = vector.shape_cast %get3A_295 : vector<1x16xf32> to vector<16xf32>
      %mul3A_297 = arith.constant 11.3137083 : f32
      %mul3A_298 = vector.broadcast %mul3A_297 : f32 to vector<16xf32>
      %mul3A_299 = arith.mulf %get3A_296, %mul3A_298 : vector<16xf32>
      %get3A_300 = arith.index_cast %scan3A_293 : i32 to index
      %get3A_301 = arith.constant 0 : index
      %get3A_302 = tpu.vector_load %arg7[%get3A_300, %get3A_301] {strides = array<i32>} : memref<200x128xf32, #tpu.memory_space<vmem>>, vector<1x16xf32>,
      %get3A_303 = vector.shape_cast %get3A_302 : vector<1x16xf32> to vector<16xf32>
      %add3A_304 = arith.addf %mul3A_299, %get3A_303 : vector<16xf32>
      %swap3A = arith.index_cast %scan3A_293 : i32 to index
      %swap3A_305 = arith.constant 0 : index
      %swap3A_306 = tpu.vector_load %arg8[%swap3A, %swap3A_305] {strides = array<i32>} : memref<200x128xf32, #tpu.memory_space<vmem>>, vector<1x16xf32>,
      %swap3A_307 = vector.shape_cast %swap3A_306 : vector<1x16xf32> to vector<16xf32>
      %swap3A_308 = vector.shape_cast %add3A_304 : vector<16xf32> to vector<1x16xf32>
      tpu.vector_store %arg8[%swap3A, %swap3A_305], %swap3A_308 {strides = array<i32>} : memref<200x128xf32, #tpu.memory_space<vmem>>, vector<1x16xf32>,
      %get3A_309 = arith.index_cast %scan3A_293 : i32 to index
      %get3A_310 = arith.constant 16 : index
      %get3A_311 = tpu.vector_load %arg8[%get3A_309, %get3A_310] {strides = array<i32>} : memref<200x128xf32, #tpu.memory_space<vmem>>, vector<1x16xf32>,
      %get3A_312 = vector.shape_cast %get3A_311 : vector<1x16xf32> to vector<16xf32>
      %mul3A_313 = arith.constant 11.3137083 : f32
      %mul3A_314 = vector.broadcast %mul3A_313 : f32 to vector<16xf32>
      %mul3A_315 = arith.mulf %get3A_312, %mul3A_314 : vector<16xf32>
      %get3A_316 = arith.index_cast %scan3A_293 : i32 to index
      %get3A_317 = arith.constant 16 : index
      %get3A_318 = tpu.vector_load %arg7[%get3A_316, %get3A_317] {strides = array<i32>} : memref<200x128xf32, #tpu.memory_space<vmem>>, vector<1x16xf32>,
      %get3A_319 = vector.shape_cast %get3A_318 : vector<1x16xf32> to vector<16xf32>
      %add3A_320 = arith.addf %mul3A_315, %get3A_319 : vector<16xf32>
      %swap3A_321 = arith.index_cast %scan3A_293 : i32 to index
      %swap3A_322 = arith.constant 16 : index
      %swap3A_323 = tpu.vector_load %arg8[%swap3A_321, %swap3A_322] {strides = array<i32>} : memref<200x128xf32, #tpu.memory_space<vmem>>, vector<1x16xf32>,
      %swap3A_324 = vector.shape_cast %swap3A_323 : vector<1x16xf32> to vector<16xf32>
      %swap3A_325 = vector.shape_cast %add3A_320 : vector<16xf32> to vector<1x16xf32>
      tpu.vector_store %arg8[%swap3A_321, %swap3A_322], %swap3A_325 {strides = array<i32>} : memref<200x128xf32, #tpu.memory_space<vmem>>, vector<1x16xf32>,
      %get3A_326 = arith.index_cast %scan3A_293 : i32 to index
      %get3A_327 = arith.constant 32 : index
      %get3A_328 = tpu.vector_load %arg8[%get3A_326, %get3A_327] {strides = array<i32>} : memref<200x128xf32, #tpu.memory_space<vmem>>, vector<1x16xf32>,
      %get3A_329 = vector.shape_cast %get3A_328 : vector<1x16xf32> to vector<16xf32>
      %mul3A_330 = arith.constant 11.3137083 : f32
      %mul3A_331 = vector.broadcast %mul3A_330 : f32 to vector<16xf32>
      %mul3A_332 = arith.mulf %get3A_329, %mul3A_331 : vector<16xf32>
      %get3A_333 = arith.index_cast %scan3A_293 : i32 to index
      %get3A_334 = arith.constant 32 : index
      %get3A_335 = tpu.vector_load %arg7[%get3A_333, %get3A_334] {strides = array<i32>} : memref<200x128xf32, #tpu.memory_space<vmem>>, vector<1x16xf32>,
      %get3A_336 = vector.shape_cast %get3A_335 : vector<1x16xf32> to vector<16xf32>
      %add3A_337 = arith.addf %mul3A_332, %get3A_336 : vector<16xf32>
      %swap3A_338 = arith.index_cast %scan3A_293 : i32 to index
      %swap3A_339 = arith.constant 32 : index
      %swap3A_340 = tpu.vector_load %arg8[%swap3A_338, %swap3A_339] {strides = array<i32>} : memref<200x128xf32, #tpu.memory_space<vmem>>, vector<1x16xf32>,
      %swap3A_341 = vector.shape_cast %swap3A_340 : vector<1x16xf32> to vector<16xf32>
      %swap3A_342 = vector.shape_cast %add3A_337 : vector<16xf32> to vector<1x16xf32>
      tpu.vector_store %arg8[%swap3A_338, %swap3A_339], %swap3A_342 {strides = array<i32>} : memref<200x128xf32, #tpu.memory_space<vmem>>, vector<1x16xf32>,
      %get3A_343 = arith.index_cast %scan3A_293 : i32 to index
      %get3A_344 = arith.constant 48 : index
      %get3A_345 = tpu.vector_load %arg8[%get3A_343, %get3A_344] {strides = array<i32>} : memref<200x128xf32, #tpu.memory_space<vmem>>, vector<1x16xf32>,
      %get3A_346 = vector.shape_cast %get3A_345 : vector<1x16xf32> to vector<16xf32>
      %mul3A_347 = arith.constant 11.3137083 : f32
      %mul3A_348 = vector.broadcast %mul3A_347 : f32 to vector<16xf32>
      %mul3A_349 = arith.mulf %get3A_346, %mul3A_348 : vector<16xf32>
      %get3A_350 = arith.index_cast %scan3A_293 : i32 to index
      %get3A_351 = arith.constant 48 : index
      %get3A_352 = tpu.vector_load %arg7[%get3A_350, %get3A_351] {strides = array<i32>} : memref<200x128xf32, #tpu.memory_space<vmem>>, vector<1x16xf32>,
      %get3A_353 = vector.shape_cast %get3A_352 : vector<1x16xf32> to vector<16xf32>
      %add3A_354 = arith.addf %mul3A_349, %get3A_353 : vector<16xf32>
      %swap3A_355 = arith.index_cast %scan3A_293 : i32 to index
      %swap3A_356 = arith.constant 48 : index
      %swap3A_357 = tpu.vector_load %arg8[%swap3A_355, %swap3A_356] {strides = array<i32>} : memref<200x128xf32, #tpu.memory_space<vmem>>, vector<1x16xf32>,
      %swap3A_358 = vector.shape_cast %swap3A_357 : vector<1x16xf32> to vector<16xf32>
      %swap3A_359 = vector.shape_cast %add3A_354 : vector<16xf32> to vector<1x16xf32>
      tpu.vector_store %arg8[%swap3A_355, %swap3A_356], %swap3A_359 {strides = array<i32>} : memref<200x128xf32, #tpu.memory_space<vmem>>, vector<1x16xf32>,
      %get3A_360 = arith.index_cast %scan3A_293 : i32 to index
      %get3A_361 = arith.constant 64 : index
      %get3A_362 = tpu.vector_load %arg8[%get3A_360, %get3A_361] {strides = array<i32>} : memref<200x128xf32, #tpu.memory_space<vmem>>, vector<1x16xf32>,
      %get3A_363 = vector.shape_cast %get3A_362 : vector<1x16xf32> to vector<16xf32>
      %mul3A_364 = arith.constant 11.3137083 : f32
      %mul3A_365 = vector.broadcast %mul3A_364 : f32 to vector<16xf32>
      %mul3A_366 = arith.mulf %get3A_363, %mul3A_365 : vector<16xf32>
      %get3A_367 = arith.index_cast %scan3A_293 : i32 to index
      %get3A_368 = arith.constant 64 : index
      %get3A_369 = tpu.vector_load %arg7[%get3A_367, %get3A_368] {strides = array<i32>} : memref<200x128xf32, #tpu.memory_space<vmem>>, vector<1x16xf32>,
      %get3A_370 = vector.shape_cast %get3A_369 : vector<1x16xf32> to vector<16xf32>
      %add3A_371 = arith.addf %mul3A_366, %get3A_370 : vector<16xf32>
      %swap3A_372 = arith.index_cast %scan3A_293 : i32 to index
      %swap3A_373 = arith.constant 64 : index
      %swap3A_374 = tpu.vector_load %arg8[%swap3A_372, %swap3A_373] {strides = array<i32>} : memref<200x128xf32, #tpu.memory_space<vmem>>, vector<1x16xf32>,
      %swap3A_375 = vector.shape_cast %swap3A_374 : vector<1x16xf32> to vector<16xf32>
      %swap3A_376 = vector.shape_cast %add3A_371 : vector<16xf32> to vector<1x16xf32>
      tpu.vector_store %arg8[%swap3A_372, %swap3A_373], %swap3A_376 {strides = array<i32>} : memref<200x128xf32, #tpu.memory_space<vmem>>, vector<1x16xf32>,
      %get3A_377 = arith.index_cast %scan3A_293 : i32 to index
      %get3A_378 = arith.constant 80 : index
      %get3A_379 = tpu.vector_load %arg8[%get3A_377, %get3A_378] {strides = array<i32>} : memref<200x128xf32, #tpu.memory_space<vmem>>, vector<1x16xf32>,
      %get3A_380 = vector.shape_cast %get3A_379 : vector<1x16xf32> to vector<16xf32>
      %mul3A_381 = arith.constant 11.3137083 : f32
      %mul3A_382 = vector.broadcast %mul3A_381 : f32 to vector<16xf32>
      %mul3A_383 = arith.mulf %get3A_380, %mul3A_382 : vector<16xf32>
      %get3A_384 = arith.index_cast %scan3A_293 : i32 to index
      %get3A_385 = arith.constant 80 : index
      %get3A_386 = tpu.vector_load %arg7[%get3A_384, %get3A_385] {strides = array<i32>} : memref<200x128xf32, #tpu.memory_space<vmem>>, vector<1x16xf32>,
      %get3A_387 = vector.shape_cast %get3A_386 : vector<1x16xf32> to vector<16xf32>
      %add3A_388 = arith.addf %mul3A_383, %get3A_387 : vector<16xf32>
      %swap3A_389 = arith.index_cast %scan3A_293 : i32 to index
      %swap3A_390 = arith.constant 80 : index
      %swap3A_391 = tpu.vector_load %arg8[%swap3A_389, %swap3A_390] {strides = array<i32>} : memref<200x128xf32, #tpu.memory_space<vmem>>, vector<1x16xf32>,
      %swap3A_392 = vector.shape_cast %swap3A_391 : vector<1x16xf32> to vector<16xf32>
      %swap3A_393 = vector.shape_cast %add3A_388 : vector<16xf32> to vector<1x16xf32>
      tpu.vector_store %arg8[%swap3A_389, %swap3A_390], %swap3A_393 {strides = array<i32>} : memref<200x128xf32, #tpu.memory_space<vmem>>, vector<1x16xf32>,
      %get3A_394 = arith.index_cast %scan3A_293 : i32 to index
      %get3A_395 = arith.constant 96 : index
      %get3A_396 = tpu.vector_load %arg8[%get3A_394, %get3A_395] {strides = array<i32>} : memref<200x128xf32, #tpu.memory_space<vmem>>, vector<1x16xf32>,
      %get3A_397 = vector.shape_cast %get3A_396 : vector<1x16xf32> to vector<16xf32>
      %mul3A_398 = arith.constant 11.3137083 : f32
      %mul3A_399 = vector.broadcast %mul3A_398 : f32 to vector<16xf32>
      %mul3A_400 = arith.mulf %get3A_397, %mul3A_399 : vector<16xf32>
      %get3A_401 = arith.index_cast %scan3A_293 : i32 to index
      %get3A_402 = arith.constant 96 : index
      %get3A_403 = tpu.vector_load %arg7[%get3A_401, %get3A_402] {strides = array<i32>} : memref<200x128xf32, #tpu.memory_space<vmem>>, vector<1x16xf32>,
      %get3A_404 = vector.shape_cast %get3A_403 : vector<1x16xf32> to vector<16xf32>
      %add3A_405 = arith.addf %mul3A_400, %get3A_404 : vector<16xf32>
      %swap3A_406 = arith.index_cast %scan3A_293 : i32 to index
      %swap3A_407 = arith.constant 96 : index
      %swap3A_408 = tpu.vector_load %arg8[%swap3A_406, %swap3A_407] {strides = array<i32>} : memref<200x128xf32, #tpu.memory_space<vmem>>, vector<1x16xf32>,
      %swap3A_409 = vector.shape_cast %swap3A_408 : vector<1x16xf32> to vector<16xf32>
      %swap3A_410 = vector.shape_cast %add3A_405 : vector<16xf32> to vector<1x16xf32>
      tpu.vector_store %arg8[%swap3A_406, %swap3A_407], %swap3A_410 {strides = array<i32>} : memref<200x128xf32, #tpu.memory_space<vmem>>, vector<1x16xf32>,
      %mul3A_411 = arith.constant 2 : i32
      %mul3A_412 = arith.muli %mul3A_411, %scan3A_293 : i32
      %add3A_413 = arith.constant 2 : i32
      %add3A_414 = arith.addi %mul3A_412, %add3A_413 : i32
      %get3A_415 = arith.index_cast %add3A_414 : i32 to index
      %get3A_416 = tpu.vector_load %arg14[%get3A_415] {strides = array<i32>} : memref<416xf32, #tpu.memory_space<vmem>>, vector<16xf32>,
      %get3A_417 = vector.shape_cast %get3A_416 : vector<16xf32> to vector<16xf32>
      %jit3A = arith.constant 0.000000e+00 : f32
      %broadcast_in_dim3A = vector.broadcast %jit3A : f32 to vector<16xf32>
      %select_n3A = arith.select %ge3A_2, %get3A_417, %broadcast_in_dim3A : vector<16xi1>, vector<16xf32>
      %get3A_418 = arith.index_cast %scan3A_293 : i32 to index
      %get3A_419 = arith.constant 112 : index
      %get3A_420 = tpu.vector_load %arg8[%get3A_418, %get3A_419] {strides = array<i32>} : memref<200x128xf32, #tpu.memory_space<vmem>>, vector<1x16xf32>,
      %get3A_421 = vector.shape_cast %get3A_420 : vector<1x16xf32> to vector<16xf32>
      %add3A_422 = arith.addf %get3A_421, %select_n3A : vector<16xf32>
      %mul3A_423 = arith.constant 11.3137083 : f32
      %mul3A_424 = vector.broadcast %mul3A_423 : f32 to vector<16xf32>
      %mul3A_425 = arith.mulf %add3A_422, %mul3A_424 : vector<16xf32>
      %get3A_426 = arith.index_cast %scan3A_293 : i32 to index
      %get3A_427 = arith.constant 112 : index
      %get3A_428 = tpu.vector_load %arg7[%get3A_426, %get3A_427] {strides = array<i32>} : memref<200x128xf32, #tpu.memory_space<vmem>>, vector<1x16xf32>,
      %get3A_429 = vector.shape_cast %get3A_428 : vector<1x16xf32> to vector<16xf32>
      %add3A_430 = arith.addf %mul3A_425, %get3A_429 : vector<16xf32>
      %swap3A_431 = arith.index_cast %scan3A_293 : i32 to index
      %swap3A_432 = arith.constant 112 : index
      %swap3A_433 = tpu.vector_load %arg8[%swap3A_431, %swap3A_432] {strides = array<i32>} : memref<200x128xf32, #tpu.memory_space<vmem>>, vector<1x16xf32>,
      %swap3A_434 = vector.shape_cast %swap3A_433 : vector<1x16xf32> to vector<16xf32>
      %swap3A_435 = vector.shape_cast %add3A_430 : vector<16xf32> to vector<1x16xf32>
      tpu.vector_store %arg8[%swap3A_431, %swap3A_432], %swap3A_435 {strides = array<i32>} : memref<200x128xf32, #tpu.memory_space<vmem>>, vector<1x16xf32>,
    }
    %scan3A_173 = arith.constant 200 : i32
    %mul3A_174 = arith.constant 32 : i32
    %mul3A_175 = arith.muli %add3A, %mul3A_174 : i32
    %add3A_176 = arith.constant 0 : i32
    %add3A_177 = arith.addi %mul3A_175, %add3A_176 : i32
    %dma_start3A_178 = arith.constant 0 : i32
    %dma_start3A_179 = arith.constant 0 : i32
    %dma_start3A_180 = tpu.memref_slice %arg6[%add3A_177, %dma_start3A_178, %dma_start3A_179] : memref<1024x200x128xf32, #tpu.memory_space<hbm>> -> memref<1x200x128xf32, #tpu.memory_space<hbm>>
    %dma_start3A_181 = tpu.memref_squeeze %dma_start3A_180 : memref<1x200x128xf32, #tpu.memory_space<hbm>> -> memref<200x128xf32, #tpu.memory_space<hbm>>
    %dma_start3A_182 = arith.constant 0 : i32
    %dma_start3A_183 = arith.constant 0 : i32
    %dma_start3A_184 = tpu.memref_slice %arg6[%add3A_177, %dma_start3A_182, %dma_start3A_183] : memref<1024x200x128xf32, #tpu.memory_space<hbm>> -> memref<1x200x128xf32, #tpu.memory_space<hbm>>
    %dma_start3A_185 = tpu.memref_squeeze %dma_start3A_184 : memref<1x200x128xf32, #tpu.memory_space<hbm>> -> memref<200x128xf32, #tpu.memory_space<hbm>>
    tpu.enqueue_dma source(%arg8 : memref<200x128xf32, #tpu.memory_space<vmem>>) target(%dma_start3A_185 : memref<200x128xf32, #tpu.memory_space<hbm>>) target_semaphore(%arg20 : memref<!tpu.dma_semaphore, #tpu.memory_space<semaphore_mem>>)
    %scan3A_186 = arith.constant 0 : i32
    %scan3A_187 = arith.constant 0 : i32
    %scan3A_188 = arith.constant 10 : i32
    %scan3A_189 = arith.addi %scan3A_187, %scan3A_188 : i32
    %scan3A_190 = arith.constant 1 : i32
    scf.for %scan3A_293 = %scan3A_187 to %scan3A_189 step %scan3A_190  : i32 {
      %mul3A_294 = arith.constant 3 : i32
      %mul3A_295 = arith.muli %mul3A_294, %scan3A_293 : i32
      %add3A_296 = arith.constant 0 : i32
      %add3A_297 = arith.addi %mul3A_295, %add3A_296 : i32
      %add3A_298 = arith.constant 1 : i32
      %add3A_299 = arith.addi %add3A_297, %add3A_298 : i32
      %ge3A_300 = arith.constant 2 : i32
      %ge3A_301 = arith.cmpi sge, %add3A_299, %ge3A_300 : i32
      %convert_element_type3A = arith.extui %ge3A_301 : i1 to i32
      %cond3A = arith.constant 0 : i32
      %cond3A_302 = arith.cmpi ne, %convert_element_type3A, %cond3A : i32
      scf.if %cond3A_302 {
        %sub3A = arith.constant 2 : i32
        %sub3A_708 = arith.subi %add3A_299, %sub3A : i32
        %mul3A_709 = arith.constant 32 : i32
        %mul3A_710 = arith.muli %add3A, %mul3A_709 : i32
        %add3A_711 = arith.addi %mul3A_710, %sub3A_708 : i32
        %dma_wait3A_712 = arith.constant 0 : i32
        %dma_wait3A_713 = arith.constant 0 : i32
        %dma_wait3A_714 = tpu.memref_slice %arg6[%add3A_711, %dma_wait3A_712, %dma_wait3A_713] : memref<1024x200x128xf32, #tpu.memory_space<hbm>> -> memref<1x200x128xf32, #tpu.memory_space<hbm>>
        %dma_wait3A_715 = tpu.memref_squeeze %dma_wait3A_714 : memref<1x200x128xf32, #tpu.memory_space<hbm>> -> memref<200x128xf32, #tpu.memory_space<hbm>>
        %dma_wait3A_716 = arith.constant 0 : i32
        %dma_wait3A_717 = arith.constant 0 : i32
        %dma_wait3A_718 = tpu.memref_slice %arg6[%add3A_711, %dma_wait3A_716, %dma_wait3A_717] : memref<1024x200x128xf32, #tpu.memory_space<hbm>> -> memref<1x200x128xf32, #tpu.memory_space<hbm>>
        %dma_wait3A_719 = tpu.memref_squeeze %dma_wait3A_718 : memref<1x200x128xf32, #tpu.memory_space<hbm>> -> memref<200x128xf32, #tpu.memory_space<hbm>>
        tpu.wait_dma2 semaphore(%arg22 : memref<!tpu.dma_semaphore, #tpu.memory_space<semaphore_mem>>) src(%arg10 : memref<200x128xf32, #tpu.memory_space<vmem>>) dst(%dma_wait3A_719 : memref<200x128xf32, #tpu.memory_space<hbm>>)
      } else {
      }
      %add3A_303 = arith.constant 1 : i32
      %add3A_304 = arith.addi %add3A_299, %add3A_303 : i32
      %dma_wait3A_305 = arith.constant 0 : i32
      %dma_wait3A_306 = arith.constant 0 : i32
      %dma_wait3A_307 = tpu.memref_slice %arg3[%add3A, %add3A_304, %dma_wait3A_305, %dma_wait3A_306] : memref<32x32x4x50xi32, #tpu.memory_space<hbm>> -> memref<1x1x4x50xi32, #tpu.memory_space<hbm>>
      %dma_wait3A_308 = tpu.memref_squeeze %dma_wait3A_307 : memref<1x1x4x50xi32, #tpu.memory_space<hbm>> -> memref<4x50xi32, #tpu.memory_space<hbm>>
      %dma_wait3A_309 = arith.constant 0 : i32
      %dma_wait3A_310 = arith.constant 0 : i32
      %dma_wait3A_311 = tpu.memref_slice %arg3[%add3A, %add3A_304, %dma_wait3A_309, %dma_wait3A_310] : memref<32x32x4x50xi32, #tpu.memory_space<hbm>> -> memref<1x1x4x50xi32, #tpu.memory_space<hbm>>
      %dma_wait3A_312 = tpu.memref_squeeze %dma_wait3A_311 : memref<1x1x4x50xi32, #tpu.memory_space<hbm>> -> memref<4x50xi32, #tpu.memory_space<hbm>>
      tpu.wait_dma2 semaphore(%arg25 : memref<!tpu.dma_semaphore, #tpu.memory_space<semaphore_mem>>) src(%dma_wait3A_312 : memref<4x50xi32, #tpu.memory_space<hbm>>) dst(%arg13 : memref<4x50xi32, #tpu.memory_space<vmem>>)
      %add3A_313 = arith.constant 1 : i32
      %add3A_314 = arith.addi %add3A_299, %add3A_313 : i32
      %dma_start3A_315 = arith.constant 0 : i32
      %dma_start3A_316 = arith.constant 0 : i32
      %dma_start3A_317 = arith.constant 0 : i32
      %dma_start3A_318 = tpu.memref_slice %arg10[%dma_start3A_316, %dma_start3A_317] : memref<200x128xf32, #tpu.memory_space<vmem>> -> memref<50x128xf32, #tpu.memory_space<vmem>>
      %dma_start3A_319 = arith.constant 0 : i32
      %dma_start3A_320 = tpu.memref_slice %arg13[%dma_start3A_315, %dma_start3A_319] : memref<4x50xi32, #tpu.memory_space<vmem>> -> memref<1x50xi32, #tpu.memory_space<vmem>>
      %dma_start3A_321 = tpu.memref_squeeze %dma_start3A_320 : memref<1x50xi32, #tpu.memory_space<vmem>> -> memref<50xi32, #tpu.memory_space<vmem>>
      %dma_start3A_322 = arith.constant 0 : i32
      %dma_start3A_323 = arith.constant 0 : i32
      %dma_start3A_324 = tpu.memref_slice %arg2[%dma_start3A_322, %dma_start3A_323] : memref<100000x128xf32, #tpu.memory_space<hbm>> -> memref<100000x128xf32, #tpu.memory_space<hbm>>
      tpu.enqueue_indirect_dma source(%dma_start3A_324 : memref<100000x128xf32, #tpu.memory_space<hbm>>) target(%dma_start3A_318 : memref<50x128xf32, #tpu.memory_space<vmem>>) offsets(%dma_start3A_321 : memref<50xi32, #tpu.memory_space<vmem>>) semaphore(%arg19 : memref<!tpu.dma_semaphore, #tpu.memory_space<semaphore_mem>>)
      %dma_start3A_325 = arith.constant 1 : i32
      %dma_start3A_326 = arith.constant 50 : i32
      %dma_start3A_327 = arith.constant 0 : i32
      %dma_start3A_328 = tpu.memref_slice %arg10[%dma_start3A_326, %dma_start3A_327] : memref<200x128xf32, #tpu.memory_space<vmem>> -> memref<50x128xf32, #tpu.memory_space<vmem>>
      %dma_start3A_329 = arith.constant 0 : i32
      %dma_start3A_330 = tpu.memref_slice %arg13[%dma_start3A_325, %dma_start3A_329] : memref<4x50xi32, #tpu.memory_space<vmem>> -> memref<1x50xi32, #tpu.memory_space<vmem>>
      %dma_start3A_331 = tpu.memref_squeeze %dma_start3A_330 : memref<1x50xi32, #tpu.memory_space<vmem>> -> memref<50xi32, #tpu.memory_space<vmem>>
      %dma_start3A_332 = arith.constant 0 : i32
      %dma_start3A_333 = arith.constant 0 : i32
      %dma_start3A_334 = tpu.memref_slice %arg2[%dma_start3A_332, %dma_start3A_333] : memref<100000x128xf32, #tpu.memory_space<hbm>> -> memref<100000x128xf32, #tpu.memory_space<hbm>>
      tpu.enqueue_indirect_dma source(%dma_start3A_334 : memref<100000x128xf32, #tpu.memory_space<hbm>>) target(%dma_start3A_328 : memref<50x128xf32, #tpu.memory_space<vmem>>) offsets(%dma_start3A_331 : memref<50xi32, #tpu.memory_space<vmem>>) semaphore(%arg19 : memref<!tpu.dma_semaphore, #tpu.memory_space<semaphore_mem>>)
      %dma_start3A_335 = arith.constant 2 : i32
      %dma_start3A_336 = arith.constant 100 : i32
      %dma_start3A_337 = arith.constant 0 : i32
      %dma_start3A_338 = tpu.memref_slice %arg10[%dma_start3A_336, %dma_start3A_337] : memref<200x128xf32, #tpu.memory_space<vmem>> -> memref<50x128xf32, #tpu.memory_space<vmem>>
      %dma_start3A_339 = arith.constant 0 : i32
      %dma_start3A_340 = tpu.memref_slice %arg13[%dma_start3A_335, %dma_start3A_339] : memref<4x50xi32, #tpu.memory_space<vmem>> -> memref<1x50xi32, #tpu.memory_space<vmem>>
      %dma_start3A_341 = tpu.memref_squeeze %dma_start3A_340 : memref<1x50xi32, #tpu.memory_space<vmem>> -> memref<50xi32, #tpu.memory_space<vmem>>
      %dma_start3A_342 = arith.constant 0 : i32
      %dma_start3A_343 = arith.constant 0 : i32
      %dma_start3A_344 = tpu.memref_slice %arg2[%dma_start3A_342, %dma_start3A_343] : memref<100000x128xf32, #tpu.memory_space<hbm>> -> memref<100000x128xf32, #tpu.memory_space<hbm>>
      tpu.enqueue_indirect_dma source(%dma_start3A_344 : memref<100000x128xf32, #tpu.memory_space<hbm>>) target(%dma_start3A_338 : memref<50x128xf32, #tpu.memory_space<vmem>>) offsets(%dma_start3A_341 : memref<50xi32, #tpu.memory_space<vmem>>) semaphore(%arg19 : memref<!tpu.dma_semaphore, #tpu.memory_space<semaphore_mem>>)
      %dma_start3A_345 = arith.constant 3 : i32
      %dma_start3A_346 = arith.constant 150 : i32
      %dma_start3A_347 = arith.constant 0 : i32
      %dma_start3A_348 = tpu.memref_slice %arg10[%dma_start3A_346, %dma_start3A_347] : memref<200x128xf32, #tpu.memory_space<vmem>> -> memref<50x128xf32, #tpu.memory_space<vmem>>
      %dma_start3A_349 = arith.constant 0 : i32
      %dma_start3A_350 = tpu.memref_slice %arg13[%dma_start3A_345, %dma_start3A_349] : memref<4x50xi32, #tpu.memory_space<vmem>> -> memref<1x50xi32, #tpu.memory_space<vmem>>
      %dma_start3A_351 = tpu.memref_squeeze %dma_start3A_350 : memref<1x50xi32, #tpu.memory_space<vmem>> -> memref<50xi32, #tpu.memory_space<vmem>>
      %dma_start3A_352 = arith.constant 0 : i32
      %dma_start3A_353 = arith.constant 0 : i32
      %dma_start3A_354 = tpu.memref_slice %arg2[%dma_start3A_352, %dma_start3A_353] : memref<100000x128xf32, #tpu.memory_space<hbm>> -> memref<100000x128xf32, #tpu.memory_space<hbm>>
      tpu.enqueue_indirect_dma source(%dma_start3A_354 : memref<100000x128xf32, #tpu.memory_space<hbm>>) target(%dma_start3A_348 : memref<50x128xf32, #tpu.memory_space<vmem>>) offsets(%dma_start3A_351 : memref<50xi32, #tpu.memory_space<vmem>>) semaphore(%arg19 : memref<!tpu.dma_semaphore, #tpu.memory_space<semaphore_mem>>)
      %dma_start3A_355 = arith.constant 0 : i32
      %dma_start3A_356 = tpu.memref_slice %arg4[%add3A, %add3A_314, %dma_start3A_355] : memref<32x32x416xf32, #tpu.memory_space<hbm>> -> memref<1x1x416xf32, #tpu.memory_space<hbm>>
      %dma_start3A_357 = tpu.memref_squeeze %dma_start3A_356 : memref<1x1x416xf32, #tpu.memory_space<hbm>> -> memref<416xf32, #tpu.memory_space<hbm>>
      %dma_start3A_358 = arith.constant 0 : i32
      %dma_start3A_359 = tpu.memref_slice %arg4[%add3A, %add3A_314, %dma_start3A_358] : memref<32x32x416xf32, #tpu.memory_space<hbm>> -> memref<1x1x416xf32, #tpu.memory_space<hbm>>
      %dma_start3A_360 = tpu.memref_squeeze %dma_start3A_359 : memref<1x1x416xf32, #tpu.memory_space<hbm>> -> memref<416xf32, #tpu.memory_space<hbm>>
      tpu.enqueue_dma source(%dma_start3A_360 : memref<416xf32, #tpu.memory_space<hbm>>) target(%arg16 : memref<416xf32, #tpu.memory_space<vmem>>) target_semaphore(%arg19 : memref<!tpu.dma_semaphore, #tpu.memory_space<semaphore_mem>>)
      %add3A_361 = arith.constant 2 : i32
      %add3A_362 = arith.addi %add3A_299, %add3A_361 : i32
      %lt3A = arith.constant 32 : i32
      %lt3A_363 = arith.cmpi slt, %add3A_362, %lt3A : i32
      %convert_element_type3A_364 = arith.extui %lt3A_363 : i1 to i32
      %cond3A_365 = arith.constant 0 : i32
      %cond3A_366 = arith.cmpi ne, %convert_element_type3A_364, %cond3A_365 : i32
      scf.if %cond3A_366 {
        %add3A_708 = arith.constant 2 : i32
        %add3A_709 = arith.addi %add3A_299, %add3A_708 : i32
        %dma_start3A_710 = arith.constant 0 : i32
        %dma_start3A_711 = arith.constant 0 : i32
        %dma_start3A_712 = tpu.memref_slice %arg3[%add3A, %add3A_709, %dma_start3A_710, %dma_start3A_711] : memref<32x32x4x50xi32, #tpu.memory_space<hbm>> -> memref<1x1x4x50xi32, #tpu.memory_space<hbm>>
        %dma_start3A_713 = tpu.memref_squeeze %dma_start3A_712 : memref<1x1x4x50xi32, #tpu.memory_space<hbm>> -> memref<4x50xi32, #tpu.memory_space<hbm>>
        %dma_start3A_714 = arith.constant 0 : i32
        %dma_start3A_715 = arith.constant 0 : i32
        %dma_start3A_716 = tpu.memref_slice %arg3[%add3A, %add3A_709, %dma_start3A_714, %dma_start3A_715] : memref<32x32x4x50xi32, #tpu.memory_space<hbm>> -> memref<1x1x4x50xi32, #tpu.memory_space<hbm>>
        %dma_start3A_717 = tpu.memref_squeeze %dma_start3A_716 : memref<1x1x4x50xi32, #tpu.memory_space<hbm>> -> memref<4x50xi32, #tpu.memory_space<hbm>>
        tpu.enqueue_dma source(%dma_start3A_717 : memref<4x50xi32, #tpu.memory_space<hbm>>) target(%arg11 : memref<4x50xi32, #tpu.memory_space<vmem>>) target_semaphore(%arg23 : memref<!tpu.dma_semaphore, #tpu.memory_space<semaphore_mem>>)
      } else {
      }
      %dma_wait3A_367 = arith.constant 0 : i32
      %dma_wait3A_368 = arith.constant 0 : i32
      %dma_wait3A_369 = arith.constant 0 : i32
      %dma_wait3A_370 = tpu.memref_slice %arg9[%dma_wait3A_368, %dma_wait3A_369] : memref<200x128xf32, #tpu.memory_space<vmem>> -> memref<50x128xf32, #tpu.memory_space<vmem>>
      %dma_wait3A_371 = arith.constant 0 : i32
      %dma_wait3A_372 = tpu.memref_slice %arg12[%dma_wait3A_367, %dma_wait3A_371] : memref<4x50xi32, #tpu.memory_space<vmem>> -> memref<1x50xi32, #tpu.memory_space<vmem>>
      %dma_wait3A_373 = tpu.memref_squeeze %dma_wait3A_372 : memref<1x50xi32, #tpu.memory_space<vmem>> -> memref<50xi32, #tpu.memory_space<vmem>>
      %dma_wait3A_374 = arith.constant 0 : i32
      %dma_wait3A_375 = arith.constant 0 : i32
      %dma_wait3A_376 = tpu.memref_slice %arg2[%dma_wait3A_374, %dma_wait3A_375] : memref<100000x128xf32, #tpu.memory_space<hbm>> -> memref<100000x128xf32, #tpu.memory_space<hbm>>
      tpu.wait_indirect_dma semaphore(%arg18 : memref<!tpu.dma_semaphore, #tpu.memory_space<semaphore_mem>>) src(%dma_wait3A_376 : memref<100000x128xf32, #tpu.memory_space<hbm>>) dst(%dma_wait3A_370 : memref<50x128xf32, #tpu.memory_space<vmem>>)
      %dma_wait3A_377 = arith.constant 1 : i32
      %dma_wait3A_378 = arith.constant 50 : i32
      %dma_wait3A_379 = arith.constant 0 : i32
      %dma_wait3A_380 = tpu.memref_slice %arg9[%dma_wait3A_378, %dma_wait3A_379] : memref<200x128xf32, #tpu.memory_space<vmem>> -> memref<50x128xf32, #tpu.memory_space<vmem>>
      %dma_wait3A_381 = arith.constant 0 : i32
      %dma_wait3A_382 = tpu.memref_slice %arg12[%dma_wait3A_377, %dma_wait3A_381] : memref<4x50xi32, #tpu.memory_space<vmem>> -> memref<1x50xi32, #tpu.memory_space<vmem>>
      %dma_wait3A_383 = tpu.memref_squeeze %dma_wait3A_382 : memref<1x50xi32, #tpu.memory_space<vmem>> -> memref<50xi32, #tpu.memory_space<vmem>>
      %dma_wait3A_384 = arith.constant 0 : i32
      %dma_wait3A_385 = arith.constant 0 : i32
      %dma_wait3A_386 = tpu.memref_slice %arg2[%dma_wait3A_384, %dma_wait3A_385] : memref<100000x128xf32, #tpu.memory_space<hbm>> -> memref<100000x128xf32, #tpu.memory_space<hbm>>
      tpu.wait_indirect_dma semaphore(%arg18 : memref<!tpu.dma_semaphore, #tpu.memory_space<semaphore_mem>>) src(%dma_wait3A_386 : memref<100000x128xf32, #tpu.memory_space<hbm>>) dst(%dma_wait3A_380 : memref<50x128xf32, #tpu.memory_space<vmem>>)
      %dma_wait3A_387 = arith.constant 2 : i32
      %dma_wait3A_388 = arith.constant 100 : i32
      %dma_wait3A_389 = arith.constant 0 : i32
      %dma_wait3A_390 = tpu.memref_slice %arg9[%dma_wait3A_388, %dma_wait3A_389] : memref<200x128xf32, #tpu.memory_space<vmem>> -> memref<50x128xf32, #tpu.memory_space<vmem>>
      %dma_wait3A_391 = arith.constant 0 : i32
      %dma_wait3A_392 = tpu.memref_slice %arg12[%dma_wait3A_387, %dma_wait3A_391] : memref<4x50xi32, #tpu.memory_space<vmem>> -> memref<1x50xi32, #tpu.memory_space<vmem>>
      %dma_wait3A_393 = tpu.memref_squeeze %dma_wait3A_392 : memref<1x50xi32, #tpu.memory_space<vmem>> -> memref<50xi32, #tpu.memory_space<vmem>>
      %dma_wait3A_394 = arith.constant 0 : i32
      %dma_wait3A_395 = arith.constant 0 : i32
      %dma_wait3A_396 = tpu.memref_slice %arg2[%dma_wait3A_394, %dma_wait3A_395] : memref<100000x128xf32, #tpu.memory_space<hbm>> -> memref<100000x128xf32, #tpu.memory_space<hbm>>
      tpu.wait_indirect_dma semaphore(%arg18 : memref<!tpu.dma_semaphore, #tpu.memory_space<semaphore_mem>>) src(%dma_wait3A_396 : memref<100000x128xf32, #tpu.memory_space<hbm>>) dst(%dma_wait3A_390 : memref<50x128xf32, #tpu.memory_space<vmem>>)
      %dma_wait3A_397 = arith.constant 3 : i32
      %dma_wait3A_398 = arith.constant 150 : i32
      %dma_wait3A_399 = arith.constant 0 : i32
      %dma_wait3A_400 = tpu.memref_slice %arg9[%dma_wait3A_398, %dma_wait3A_399] : memref<200x128xf32, #tpu.memory_space<vmem>> -> memref<50x128xf32, #tpu.memory_space<vmem>>
      %dma_wait3A_401 = arith.constant 0 : i32
      %dma_wait3A_402 = tpu.memref_slice %arg12[%dma_wait3A_397, %dma_wait3A_401] : memref<4x50xi32, #tpu.memory_space<vmem>> -> memref<1x50xi32, #tpu.memory_space<vmem>>
      %dma_wait3A_403 = tpu.memref_squeeze %dma_wait3A_402 : memref<1x50xi32, #tpu.memory_space<vmem>> -> memref<50xi32, #tpu.memory_space<vmem>>
      %dma_wait3A_404 = arith.constant 0 : i32
      %dma_wait3A_405 = arith.constant 0 : i32
      %dma_wait3A_406 = tpu.memref_slice %arg2[%dma_wait3A_404, %dma_wait3A_405] : memref<100000x128xf32, #tpu.memory_space<hbm>> -> memref<100000x128xf32, #tpu.memory_space<hbm>>
      tpu.wait_indirect_dma semaphore(%arg18 : memref<!tpu.dma_semaphore, #tpu.memory_space<semaphore_mem>>) src(%dma_wait3A_406 : memref<100000x128xf32, #tpu.memory_space<hbm>>) dst(%dma_wait3A_400 : memref<50x128xf32, #tpu.memory_space<vmem>>)
      %dma_wait3A_407 = arith.constant 0 : i32
      %dma_wait3A_408 = tpu.memref_slice %arg4[%add3A, %add3A_299, %dma_wait3A_407] : memref<32x32x416xf32, #tpu.memory_space<hbm>> -> memref<1x1x416xf32, #tpu.memory_space<hbm>>
      %dma_wait3A_409 = tpu.memref_squeeze %dma_wait3A_408 : memref<1x1x416xf32, #tpu.memory_space<hbm>> -> memref<416xf32, #tpu.memory_space<hbm>>
      %dma_wait3A_410 = arith.constant 0 : i32
      %dma_wait3A_411 = tpu.memref_slice %arg4[%add3A, %add3A_299, %dma_wait3A_410] : memref<32x32x416xf32, #tpu.memory_space<hbm>> -> memref<1x1x416xf32, #tpu.memory_space<hbm>>
      %dma_wait3A_412 = tpu.memref_squeeze %dma_wait3A_411 : memref<1x1x416xf32, #tpu.memory_space<hbm>> -> memref<416xf32, #tpu.memory_space<hbm>>
      tpu.wait_dma2 semaphore(%arg18 : memref<!tpu.dma_semaphore, #tpu.memory_space<semaphore_mem>>) src(%dma_wait3A_412 : memref<416xf32, #tpu.memory_space<hbm>>) dst(%arg15 : memref<416xf32, #tpu.memory_space<vmem>>)
      %scan3A_413 = arith.constant 0 : i32
      %scan3A_414 = arith.constant 0 : i32
      %scan3A_415 = arith.constant 200 : i32
      %scan3A_416 = arith.addi %scan3A_414, %scan3A_415 : i32
      %scan3A_417 = arith.constant 1 : i32
      scf.for %scan3A_708 = %scan3A_414 to %scan3A_416 step %scan3A_417  : i32 {
        %get3A = arith.index_cast %scan3A_708 : i32 to index
        %get3A_709 = arith.constant 0 : index
        %get3A_710 = tpu.vector_load %arg9[%get3A, %get3A_709] {strides = array<i32>} : memref<200x128xf32, #tpu.memory_space<vmem>>, vector<1x16xf32>,
        %get3A_711 = vector.shape_cast %get3A_710 : vector<1x16xf32> to vector<16xf32>
        %mul3A_712 = arith.constant 11.3137083 : f32
        %mul3A_713 = vector.broadcast %mul3A_712 : f32 to vector<16xf32>
        %mul3A_714 = arith.mulf %get3A_711, %mul3A_713 : vector<16xf32>
        %get3A_715 = arith.index_cast %scan3A_708 : i32 to index
        %get3A_716 = arith.constant 0 : index
        %get3A_717 = tpu.vector_load %arg7[%get3A_715, %get3A_716] {strides = array<i32>} : memref<200x128xf32, #tpu.memory_space<vmem>>, vector<1x16xf32>,
        %get3A_718 = vector.shape_cast %get3A_717 : vector<1x16xf32> to vector<16xf32>
        %add3A_719 = arith.addf %mul3A_714, %get3A_718 : vector<16xf32>
        %swap3A = arith.index_cast %scan3A_708 : i32 to index
        %swap3A_720 = arith.constant 0 : index
        %swap3A_721 = tpu.vector_load %arg9[%swap3A, %swap3A_720] {strides = array<i32>} : memref<200x128xf32, #tpu.memory_space<vmem>>, vector<1x16xf32>,
        %swap3A_722 = vector.shape_cast %swap3A_721 : vector<1x16xf32> to vector<16xf32>
        %swap3A_723 = vector.shape_cast %add3A_719 : vector<16xf32> to vector<1x16xf32>
        tpu.vector_store %arg9[%swap3A, %swap3A_720], %swap3A_723 {strides = array<i32>} : memref<200x128xf32, #tpu.memory_space<vmem>>, vector<1x16xf32>,
        %get3A_724 = arith.index_cast %scan3A_708 : i32 to index
        %get3A_725 = arith.constant 16 : index
        %get3A_726 = tpu.vector_load %arg9[%get3A_724, %get3A_725] {strides = array<i32>} : memref<200x128xf32, #tpu.memory_space<vmem>>, vector<1x16xf32>,
        %get3A_727 = vector.shape_cast %get3A_726 : vector<1x16xf32> to vector<16xf32>
        %mul3A_728 = arith.constant 11.3137083 : f32
        %mul3A_729 = vector.broadcast %mul3A_728 : f32 to vector<16xf32>
        %mul3A_730 = arith.mulf %get3A_727, %mul3A_729 : vector<16xf32>
        %get3A_731 = arith.index_cast %scan3A_708 : i32 to index
        %get3A_732 = arith.constant 16 : index
        %get3A_733 = tpu.vector_load %arg7[%get3A_731, %get3A_732] {strides = array<i32>} : memref<200x128xf32, #tpu.memory_space<vmem>>, vector<1x16xf32>,
        %get3A_734 = vector.shape_cast %get3A_733 : vector<1x16xf32> to vector<16xf32>
        %add3A_735 = arith.addf %mul3A_730, %get3A_734 : vector<16xf32>
        %swap3A_736 = arith.index_cast %scan3A_708 : i32 to index
        %swap3A_737 = arith.constant 16 : index
        %swap3A_738 = tpu.vector_load %arg9[%swap3A_736, %swap3A_737] {strides = array<i32>} : memref<200x128xf32, #tpu.memory_space<vmem>>, vector<1x16xf32>,
        %swap3A_739 = vector.shape_cast %swap3A_738 : vector<1x16xf32> to vector<16xf32>
        %swap3A_740 = vector.shape_cast %add3A_735 : vector<16xf32> to vector<1x16xf32>
        tpu.vector_store %arg9[%swap3A_736, %swap3A_737], %swap3A_740 {strides = array<i32>} : memref<200x128xf32, #tpu.memory_space<vmem>>, vector<1x16xf32>,
        %get3A_741 = arith.index_cast %scan3A_708 : i32 to index
        %get3A_742 = arith.constant 32 : index
        %get3A_743 = tpu.vector_load %arg9[%get3A_741, %get3A_742] {strides = array<i32>} : memref<200x128xf32, #tpu.memory_space<vmem>>, vector<1x16xf32>,
        %get3A_744 = vector.shape_cast %get3A_743 : vector<1x16xf32> to vector<16xf32>
        %mul3A_745 = arith.constant 11.3137083 : f32
        %mul3A_746 = vector.broadcast %mul3A_745 : f32 to vector<16xf32>
        %mul3A_747 = arith.mulf %get3A_744, %mul3A_746 : vector<16xf32>
        %get3A_748 = arith.index_cast %scan3A_708 : i32 to index
        %get3A_749 = arith.constant 32 : index
        %get3A_750 = tpu.vector_load %arg7[%get3A_748, %get3A_749] {strides = array<i32>} : memref<200x128xf32, #tpu.memory_space<vmem>>, vector<1x16xf32>,
        %get3A_751 = vector.shape_cast %get3A_750 : vector<1x16xf32> to vector<16xf32>
        %add3A_752 = arith.addf %mul3A_747, %get3A_751 : vector<16xf32>
        %swap3A_753 = arith.index_cast %scan3A_708 : i32 to index
        %swap3A_754 = arith.constant 32 : index
        %swap3A_755 = tpu.vector_load %arg9[%swap3A_753, %swap3A_754] {strides = array<i32>} : memref<200x128xf32, #tpu.memory_space<vmem>>, vector<1x16xf32>,
        %swap3A_756 = vector.shape_cast %swap3A_755 : vector<1x16xf32> to vector<16xf32>
        %swap3A_757 = vector.shape_cast %add3A_752 : vector<16xf32> to vector<1x16xf32>
        tpu.vector_store %arg9[%swap3A_753, %swap3A_754], %swap3A_757 {strides = array<i32>} : memref<200x128xf32, #tpu.memory_space<vmem>>, vector<1x16xf32>,
        %get3A_758 = arith.index_cast %scan3A_708 : i32 to index
        %get3A_759 = arith.constant 48 : index
        %get3A_760 = tpu.vector_load %arg9[%get3A_758, %get3A_759] {strides = array<i32>} : memref<200x128xf32, #tpu.memory_space<vmem>>, vector<1x16xf32>,
        %get3A_761 = vector.shape_cast %get3A_760 : vector<1x16xf32> to vector<16xf32>
        %mul3A_762 = arith.constant 11.3137083 : f32
        %mul3A_763 = vector.broadcast %mul3A_762 : f32 to vector<16xf32>
        %mul3A_764 = arith.mulf %get3A_761, %mul3A_763 : vector<16xf32>
        %get3A_765 = arith.index_cast %scan3A_708 : i32 to index
        %get3A_766 = arith.constant 48 : index
        %get3A_767 = tpu.vector_load %arg7[%get3A_765, %get3A_766] {strides = array<i32>} : memref<200x128xf32, #tpu.memory_space<vmem>>, vector<1x16xf32>,
        %get3A_768 = vector.shape_cast %get3A_767 : vector<1x16xf32> to vector<16xf32>
        %add3A_769 = arith.addf %mul3A_764, %get3A_768 : vector<16xf32>
        %swap3A_770 = arith.index_cast %scan3A_708 : i32 to index
        %swap3A_771 = arith.constant 48 : index
        %swap3A_772 = tpu.vector_load %arg9[%swap3A_770, %swap3A_771] {strides = array<i32>} : memref<200x128xf32, #tpu.memory_space<vmem>>, vector<1x16xf32>,
        %swap3A_773 = vector.shape_cast %swap3A_772 : vector<1x16xf32> to vector<16xf32>
        %swap3A_774 = vector.shape_cast %add3A_769 : vector<16xf32> to vector<1x16xf32>
        tpu.vector_store %arg9[%swap3A_770, %swap3A_771], %swap3A_774 {strides = array<i32>} : memref<200x128xf32, #tpu.memory_space<vmem>>, vector<1x16xf32>,
        %get3A_775 = arith.index_cast %scan3A_708 : i32 to index
        %get3A_776 = arith.constant 64 : index
        %get3A_777 = tpu.vector_load %arg9[%get3A_775, %get3A_776] {strides = array<i32>} : memref<200x128xf32, #tpu.memory_space<vmem>>, vector<1x16xf32>,
        %get3A_778 = vector.shape_cast %get3A_777 : vector<1x16xf32> to vector<16xf32>
        %mul3A_779 = arith.constant 11.3137083 : f32
        %mul3A_780 = vector.broadcast %mul3A_779 : f32 to vector<16xf32>
        %mul3A_781 = arith.mulf %get3A_778, %mul3A_780 : vector<16xf32>
        %get3A_782 = arith.index_cast %scan3A_708 : i32 to index
        %get3A_783 = arith.constant 64 : index
        %get3A_784 = tpu.vector_load %arg7[%get3A_782, %get3A_783] {strides = array<i32>} : memref<200x128xf32, #tpu.memory_space<vmem>>, vector<1x16xf32>,
        %get3A_785 = vector.shape_cast %get3A_784 : vector<1x16xf32> to vector<16xf32>
        %add3A_786 = arith.addf %mul3A_781, %get3A_785 : vector<16xf32>
        %swap3A_787 = arith.index_cast %scan3A_708 : i32 to index
        %swap3A_788 = arith.constant 64 : index
        %swap3A_789 = tpu.vector_load %arg9[%swap3A_787, %swap3A_788] {strides = array<i32>} : memref<200x128xf32, #tpu.memory_space<vmem>>, vector<1x16xf32>,
        %swap3A_790 = vector.shape_cast %swap3A_789 : vector<1x16xf32> to vector<16xf32>
        %swap3A_791 = vector.shape_cast %add3A_786 : vector<16xf32> to vector<1x16xf32>
        tpu.vector_store %arg9[%swap3A_787, %swap3A_788], %swap3A_791 {strides = array<i32>} : memref<200x128xf32, #tpu.memory_space<vmem>>, vector<1x16xf32>,
        %get3A_792 = arith.index_cast %scan3A_708 : i32 to index
        %get3A_793 = arith.constant 80 : index
        %get3A_794 = tpu.vector_load %arg9[%get3A_792, %get3A_793] {strides = array<i32>} : memref<200x128xf32, #tpu.memory_space<vmem>>, vector<1x16xf32>,
        %get3A_795 = vector.shape_cast %get3A_794 : vector<1x16xf32> to vector<16xf32>
        %mul3A_796 = arith.constant 11.3137083 : f32
        %mul3A_797 = vector.broadcast %mul3A_796 : f32 to vector<16xf32>
        %mul3A_798 = arith.mulf %get3A_795, %mul3A_797 : vector<16xf32>
        %get3A_799 = arith.index_cast %scan3A_708 : i32 to index
        %get3A_800 = arith.constant 80 : index
        %get3A_801 = tpu.vector_load %arg7[%get3A_799, %get3A_800] {strides = array<i32>} : memref<200x128xf32, #tpu.memory_space<vmem>>, vector<1x16xf32>,
        %get3A_802 = vector.shape_cast %get3A_801 : vector<1x16xf32> to vector<16xf32>
        %add3A_803 = arith.addf %mul3A_798, %get3A_802 : vector<16xf32>
        %swap3A_804 = arith.index_cast %scan3A_708 : i32 to index
        %swap3A_805 = arith.constant 80 : index
        %swap3A_806 = tpu.vector_load %arg9[%swap3A_804, %swap3A_805] {strides = array<i32>} : memref<200x128xf32, #tpu.memory_space<vmem>>, vector<1x16xf32>,
        %swap3A_807 = vector.shape_cast %swap3A_806 : vector<1x16xf32> to vector<16xf32>
        %swap3A_808 = vector.shape_cast %add3A_803 : vector<16xf32> to vector<1x16xf32>
        tpu.vector_store %arg9[%swap3A_804, %swap3A_805], %swap3A_808 {strides = array<i32>} : memref<200x128xf32, #tpu.memory_space<vmem>>, vector<1x16xf32>,
        %get3A_809 = arith.index_cast %scan3A_708 : i32 to index
        %get3A_810 = arith.constant 96 : index
        %get3A_811 = tpu.vector_load %arg9[%get3A_809, %get3A_810] {strides = array<i32>} : memref<200x128xf32, #tpu.memory_space<vmem>>, vector<1x16xf32>,
        %get3A_812 = vector.shape_cast %get3A_811 : vector<1x16xf32> to vector<16xf32>
        %mul3A_813 = arith.constant 11.3137083 : f32
        %mul3A_814 = vector.broadcast %mul3A_813 : f32 to vector<16xf32>
        %mul3A_815 = arith.mulf %get3A_812, %mul3A_814 : vector<16xf32>
        %get3A_816 = arith.index_cast %scan3A_708 : i32 to index
        %get3A_817 = arith.constant 96 : index
        %get3A_818 = tpu.vector_load %arg7[%get3A_816, %get3A_817] {strides = array<i32>} : memref<200x128xf32, #tpu.memory_space<vmem>>, vector<1x16xf32>,
        %get3A_819 = vector.shape_cast %get3A_818 : vector<1x16xf32> to vector<16xf32>
        %add3A_820 = arith.addf %mul3A_815, %get3A_819 : vector<16xf32>
        %swap3A_821 = arith.index_cast %scan3A_708 : i32 to index
        %swap3A_822 = arith.constant 96 : index
        %swap3A_823 = tpu.vector_load %arg9[%swap3A_821, %swap3A_822] {strides = array<i32>} : memref<200x128xf32, #tpu.memory_space<vmem>>, vector<1x16xf32>,
        %swap3A_824 = vector.shape_cast %swap3A_823 : vector<1x16xf32> to vector<16xf32>
        %swap3A_825 = vector.shape_cast %add3A_820 : vector<16xf32> to vector<1x16xf32>
        tpu.vector_store %arg9[%swap3A_821, %swap3A_822], %swap3A_825 {strides = array<i32>} : memref<200x128xf32, #tpu.memory_space<vmem>>, vector<1x16xf32>,
        %mul3A_826 = arith.constant 2 : i32
        %mul3A_827 = arith.muli %mul3A_826, %scan3A_708 : i32
        %add3A_828 = arith.constant 2 : i32
        %add3A_829 = arith.addi %mul3A_827, %add3A_828 : i32
        %get3A_830 = arith.index_cast %add3A_829 : i32 to index
        %get3A_831 = tpu.vector_load %arg15[%get3A_830] {strides = array<i32>} : memref<416xf32, #tpu.memory_space<vmem>>, vector<16xf32>,
        %get3A_832 = vector.shape_cast %get3A_831 : vector<16xf32> to vector<16xf32>
        %jit3A = arith.constant 0.000000e+00 : f32
        %broadcast_in_dim3A = vector.broadcast %jit3A : f32 to vector<16xf32>
        %select_n3A = arith.select %ge3A_2, %get3A_832, %broadcast_in_dim3A : vector<16xi1>, vector<16xf32>
        %get3A_833 = arith.index_cast %scan3A_708 : i32 to index
        %get3A_834 = arith.constant 112 : index
        %get3A_835 = tpu.vector_load %arg9[%get3A_833, %get3A_834] {strides = array<i32>} : memref<200x128xf32, #tpu.memory_space<vmem>>, vector<1x16xf32>,
        %get3A_836 = vector.shape_cast %get3A_835 : vector<1x16xf32> to vector<16xf32>
        %add3A_837 = arith.addf %get3A_836, %select_n3A : vector<16xf32>
        %mul3A_838 = arith.constant 11.3137083 : f32
        %mul3A_839 = vector.broadcast %mul3A_838 : f32 to vector<16xf32>
        %mul3A_840 = arith.mulf %add3A_837, %mul3A_839 : vector<16xf32>
        %get3A_841 = arith.index_cast %scan3A_708 : i32 to index
        %get3A_842 = arith.constant 112 : index
        %get3A_843 = tpu.vector_load %arg7[%get3A_841, %get3A_842] {strides = array<i32>} : memref<200x128xf32, #tpu.memory_space<vmem>>, vector<1x16xf32>,
        %get3A_844 = vector.shape_cast %get3A_843 : vector<1x16xf32> to vector<16xf32>
        %add3A_845 = arith.addf %mul3A_840, %get3A_844 : vector<16xf32>
        %swap3A_846 = arith.index_cast %scan3A_708 : i32 to index
        %swap3A_847 = arith.constant 112 : index
        %swap3A_848 = tpu.vector_load %arg9[%swap3A_846, %swap3A_847] {strides = array<i32>} : memref<200x128xf32, #tpu.memory_space<vmem>>, vector<1x16xf32>,
        %swap3A_849 = vector.shape_cast %swap3A_848 : vector<1x16xf32> to vector<16xf32>
        %swap3A_850 = vector.shape_cast %add3A_845 : vector<16xf32> to vector<1x16xf32>
        tpu.vector_store %arg9[%swap3A_846, %swap3A_847], %swap3A_850 {strides = array<i32>} : memref<200x128xf32, #tpu.memory_space<vmem>>, vector<1x16xf32>,
      }
      %scan3A_418 = arith.constant 200 : i32
      %mul3A_419 = arith.constant 32 : i32
      %mul3A_420 = arith.muli %add3A, %mul3A_419 : i32
      %add3A_421 = arith.addi %mul3A_420, %add3A_299 : i32
      %dma_start3A_422 = arith.constant 0 : i32
      %dma_start3A_423 = arith.constant 0 : i32
      %dma_start3A_424 = tpu.memref_slice %arg6[%add3A_421, %dma_start3A_422, %dma_start3A_423] : memref<1024x200x128xf32, #tpu.memory_space<hbm>> -> memref<1x200x128xf32, #tpu.memory_space<hbm>>
      %dma_start3A_425 = tpu.memref_squeeze %dma_start3A_424 : memref<1x200x128xf32, #tpu.memory_space<hbm>> -> memref<200x128xf32, #tpu.memory_space<hbm>>
      %dma_start3A_426 = arith.constant 0 : i32
      %dma_start3A_427 = arith.constant 0 : i32
      %dma_start3A_428 = tpu.memref_slice %arg6[%add3A_421, %dma_start3A_426, %dma_start3A_427] : memref<1024x200x128xf32, #tpu.memory_space<hbm>> -> memref<1x200x128xf32, #tpu.memory_space<hbm>>
      %dma_start3A_429 = tpu.memref_squeeze %dma_start3A_428 : memref<1x200x128xf32, #tpu.memory_space<hbm>> -> memref<200x128xf32, #tpu.memory_space<hbm>>
      tpu.enqueue_dma source(%arg9 : memref<200x128xf32, #tpu.memory_space<vmem>>) target(%dma_start3A_429 : memref<200x128xf32, #tpu.memory_space<hbm>>) target_semaphore(%arg21 : memref<!tpu.dma_semaphore, #tpu.memory_space<semaphore_mem>>)
      %mul3A_430 = arith.constant 3 : i32
      %mul3A_431 = arith.muli %mul3A_430, %scan3A_293 : i32
      %add3A_432 = arith.constant 1 : i32
      %add3A_433 = arith.addi %mul3A_431, %add3A_432 : i32
      %add3A_434 = arith.constant 1 : i32
      %add3A_435 = arith.addi %add3A_433, %add3A_434 : i32
      %ge3A_436 = arith.constant 2 : i32
      %ge3A_437 = arith.cmpi sge, %add3A_435, %ge3A_436 : i32
      %convert_element_type3A_438 = arith.extui %ge3A_437 : i1 to i32
      %cond3A_439 = arith.constant 0 : i32
      %cond3A_440 = arith.cmpi ne, %convert_element_type3A_438, %cond3A_439 : i32
      scf.if %cond3A_440 {
        %sub3A = arith.constant 2 : i32
        %sub3A_708 = arith.subi %add3A_435, %sub3A : i32
        %mul3A_709 = arith.constant 32 : i32
        %mul3A_710 = arith.muli %add3A, %mul3A_709 : i32
        %add3A_711 = arith.addi %mul3A_710, %sub3A_708 : i32
        %dma_wait3A_712 = arith.constant 0 : i32
        %dma_wait3A_713 = arith.constant 0 : i32
        %dma_wait3A_714 = tpu.memref_slice %arg6[%add3A_711, %dma_wait3A_712, %dma_wait3A_713] : memref<1024x200x128xf32, #tpu.memory_space<hbm>> -> memref<1x200x128xf32, #tpu.memory_space<hbm>>
        %dma_wait3A_715 = tpu.memref_squeeze %dma_wait3A_714 : memref<1x200x128xf32, #tpu.memory_space<hbm>> -> memref<200x128xf32, #tpu.memory_space<hbm>>
        %dma_wait3A_716 = arith.constant 0 : i32
        %dma_wait3A_717 = arith.constant 0 : i32
        %dma_wait3A_718 = tpu.memref_slice %arg6[%add3A_711, %dma_wait3A_716, %dma_wait3A_717] : memref<1024x200x128xf32, #tpu.memory_space<hbm>> -> memref<1x200x128xf32, #tpu.memory_space<hbm>>
        %dma_wait3A_719 = tpu.memref_squeeze %dma_wait3A_718 : memref<1x200x128xf32, #tpu.memory_space<hbm>> -> memref<200x128xf32, #tpu.memory_space<hbm>>
        tpu.wait_dma2 semaphore(%arg20 : memref<!tpu.dma_semaphore, #tpu.memory_space<semaphore_mem>>) src(%arg8 : memref<200x128xf32, #tpu.memory_space<vmem>>) dst(%dma_wait3A_719 : memref<200x128xf32, #tpu.memory_space<hbm>>)
      } else {
      }
      %add3A_441 = arith.constant 1 : i32
      %add3A_442 = arith.addi %add3A_435, %add3A_441 : i32
      %dma_wait3A_443 = arith.constant 0 : i32
      %dma_wait3A_444 = arith.constant 0 : i32
      %dma_wait3A_445 = tpu.memref_slice %arg3[%add3A, %add3A_442, %dma_wait3A_443, %dma_wait3A_444] : memref<32x32x4x50xi32, #tpu.memory_space<hbm>> -> memref<1x1x4x50xi32, #tpu.memory_space<hbm>>
      %dma_wait3A_446 = tpu.memref_squeeze %dma_wait3A_445 : memref<1x1x4x50xi32, #tpu.memory_space<hbm>> -> memref<4x50xi32, #tpu.memory_space<hbm>>
      %dma_wait3A_447 = arith.constant 0 : i32
      %dma_wait3A_448 = arith.constant 0 : i32
      %dma_wait3A_449 = tpu.memref_slice %arg3[%add3A, %add3A_442, %dma_wait3A_447, %dma_wait3A_448] : memref<32x32x4x50xi32, #tpu.memory_space<hbm>> -> memref<1x1x4x50xi32, #tpu.memory_space<hbm>>
      %dma_wait3A_450 = tpu.memref_squeeze %dma_wait3A_449 : memref<1x1x4x50xi32, #tpu.memory_space<hbm>> -> memref<4x50xi32, #tpu.memory_space<hbm>>
      tpu.wait_dma2 semaphore(%arg23 : memref<!tpu.dma_semaphore, #tpu.memory_space<semaphore_mem>>) src(%dma_wait3A_450 : memref<4x50xi32, #tpu.memory_space<hbm>>) dst(%arg11 : memref<4x50xi32, #tpu.memory_space<vmem>>)
      %add3A_451 = arith.constant 1 : i32
      %add3A_452 = arith.addi %add3A_435, %add3A_451 : i32
      %dma_start3A_453 = arith.constant 0 : i32
      %dma_start3A_454 = arith.constant 0 : i32
      %dma_start3A_455 = arith.constant 0 : i32
      %dma_start3A_456 = tpu.memref_slice %arg8[%dma_start3A_454, %dma_start3A_455] : memref<200x128xf32, #tpu.memory_space<vmem>> -> memref<50x128xf32, #tpu.memory_space<vmem>>
      %dma_start3A_457 = arith.constant 0 : i32
      %dma_start3A_458 = tpu.memref_slice %arg11[%dma_start3A_453, %dma_start3A_457] : memref<4x50xi32, #tpu.memory_space<vmem>> -> memref<1x50xi32, #tpu.memory_space<vmem>>
      %dma_start3A_459 = tpu.memref_squeeze %dma_start3A_458 : memref<1x50xi32, #tpu.memory_space<vmem>> -> memref<50xi32, #tpu.memory_space<vmem>>
      %dma_start3A_460 = arith.constant 0 : i32
      %dma_start3A_461 = arith.constant 0 : i32
      %dma_start3A_462 = tpu.memref_slice %arg2[%dma_start3A_460, %dma_start3A_461] : memref<100000x128xf32, #tpu.memory_space<hbm>> -> memref<100000x128xf32, #tpu.memory_space<hbm>>
      tpu.enqueue_indirect_dma source(%dma_start3A_462 : memref<100000x128xf32, #tpu.memory_space<hbm>>) target(%dma_start3A_456 : memref<50x128xf32, #tpu.memory_space<vmem>>) offsets(%dma_start3A_459 : memref<50xi32, #tpu.memory_space<vmem>>) semaphore(%arg17 : memref<!tpu.dma_semaphore, #tpu.memory_space<semaphore_mem>>)
      %dma_start3A_463 = arith.constant 1 : i32
      %dma_start3A_464 = arith.constant 50 : i32
      %dma_start3A_465 = arith.constant 0 : i32
      %dma_start3A_466 = tpu.memref_slice %arg8[%dma_start3A_464, %dma_start3A_465] : memref<200x128xf32, #tpu.memory_space<vmem>> -> memref<50x128xf32, #tpu.memory_space<vmem>>
      %dma_start3A_467 = arith.constant 0 : i32
      %dma_start3A_468 = tpu.memref_slice %arg11[%dma_start3A_463, %dma_start3A_467] : memref<4x50xi32, #tpu.memory_space<vmem>> -> memref<1x50xi32, #tpu.memory_space<vmem>>
      %dma_start3A_469 = tpu.memref_squeeze %dma_start3A_468 : memref<1x50xi32, #tpu.memory_space<vmem>> -> memref<50xi32, #tpu.memory_space<vmem>>
      %dma_start3A_470 = arith.constant 0 : i32
      %dma_start3A_471 = arith.constant 0 : i32
      %dma_start3A_472 = tpu.memref_slice %arg2[%dma_start3A_470, %dma_start3A_471] : memref<100000x128xf32, #tpu.memory_space<hbm>> -> memref<100000x128xf32, #tpu.memory_space<hbm>>
      tpu.enqueue_indirect_dma source(%dma_start3A_472 : memref<100000x128xf32, #tpu.memory_space<hbm>>) target(%dma_start3A_466 : memref<50x128xf32, #tpu.memory_space<vmem>>) offsets(%dma_start3A_469 : memref<50xi32, #tpu.memory_space<vmem>>) semaphore(%arg17 : memref<!tpu.dma_semaphore, #tpu.memory_space<semaphore_mem>>)
      %dma_start3A_473 = arith.constant 2 : i32
      %dma_start3A_474 = arith.constant 100 : i32
      %dma_start3A_475 = arith.constant 0 : i32
      %dma_start3A_476 = tpu.memref_slice %arg8[%dma_start3A_474, %dma_start3A_475] : memref<200x128xf32, #tpu.memory_space<vmem>> -> memref<50x128xf32, #tpu.memory_space<vmem>>
      %dma_start3A_477 = arith.constant 0 : i32
      %dma_start3A_478 = tpu.memref_slice %arg11[%dma_start3A_473, %dma_start3A_477] : memref<4x50xi32, #tpu.memory_space<vmem>> -> memref<1x50xi32, #tpu.memory_space<vmem>>
      %dma_start3A_479 = tpu.memref_squeeze %dma_start3A_478 : memref<1x50xi32, #tpu.memory_space<vmem>> -> memref<50xi32, #tpu.memory_space<vmem>>
      %dma_start3A_480 = arith.constant 0 : i32
      %dma_start3A_481 = arith.constant 0 : i32
      %dma_start3A_482 = tpu.memref_slice %arg2[%dma_start3A_480, %dma_start3A_481] : memref<100000x128xf32, #tpu.memory_space<hbm>> -> memref<100000x128xf32, #tpu.memory_space<hbm>>
      tpu.enqueue_indirect_dma source(%dma_start3A_482 : memref<100000x128xf32, #tpu.memory_space<hbm>>) target(%dma_start3A_476 : memref<50x128xf32, #tpu.memory_space<vmem>>) offsets(%dma_start3A_479 : memref<50xi32, #tpu.memory_space<vmem>>) semaphore(%arg17 : memref<!tpu.dma_semaphore, #tpu.memory_space<semaphore_mem>>)
      %dma_start3A_483 = arith.constant 3 : i32
      %dma_start3A_484 = arith.constant 150 : i32
      %dma_start3A_485 = arith.constant 0 : i32
      %dma_start3A_486 = tpu.memref_slice %arg8[%dma_start3A_484, %dma_start3A_485] : memref<200x128xf32, #tpu.memory_space<vmem>> -> memref<50x128xf32, #tpu.memory_space<vmem>>
      %dma_start3A_487 = arith.constant 0 : i32
      %dma_start3A_488 = tpu.memref_slice %arg11[%dma_start3A_483, %dma_start3A_487] : memref<4x50xi32, #tpu.memory_space<vmem>> -> memref<1x50xi32, #tpu.memory_space<vmem>>
      %dma_start3A_489 = tpu.memref_squeeze %dma_start3A_488 : memref<1x50xi32, #tpu.memory_space<vmem>> -> memref<50xi32, #tpu.memory_space<vmem>>
      %dma_start3A_490 = arith.constant 0 : i32
      %dma_start3A_491 = arith.constant 0 : i32
      %dma_start3A_492 = tpu.memref_slice %arg2[%dma_start3A_490, %dma_start3A_491] : memref<100000x128xf32, #tpu.memory_space<hbm>> -> memref<100000x128xf32, #tpu.memory_space<hbm>>
      tpu.enqueue_indirect_dma source(%dma_start3A_492 : memref<100000x128xf32, #tpu.memory_space<hbm>>) target(%dma_start3A_486 : memref<50x128xf32, #tpu.memory_space<vmem>>) offsets(%dma_start3A_489 : memref<50xi32, #tpu.memory_space<vmem>>) semaphore(%arg17 : memref<!tpu.dma_semaphore, #tpu.memory_space<semaphore_mem>>)
      %dma_start3A_493 = arith.constant 0 : i32
      %dma_start3A_494 = tpu.memref_slice %arg4[%add3A, %add3A_452, %dma_start3A_493] : memref<32x32x416xf32, #tpu.memory_space<hbm>> -> memref<1x1x416xf32, #tpu.memory_space<hbm>>
      %dma_start3A_495 = tpu.memref_squeeze %dma_start3A_494 : memref<1x1x416xf32, #tpu.memory_space<hbm>> -> memref<416xf32, #tpu.memory_space<hbm>>
      %dma_start3A_496 = arith.constant 0 : i32
      %dma_start3A_497 = tpu.memref_slice %arg4[%add3A, %add3A_452, %dma_start3A_496] : memref<32x32x416xf32, #tpu.memory_space<hbm>> -> memref<1x1x416xf32, #tpu.memory_space<hbm>>
      %dma_start3A_498 = tpu.memref_squeeze %dma_start3A_497 : memref<1x1x416xf32, #tpu.memory_space<hbm>> -> memref<416xf32, #tpu.memory_space<hbm>>
      tpu.enqueue_dma source(%dma_start3A_498 : memref<416xf32, #tpu.memory_space<hbm>>) target(%arg14 : memref<416xf32, #tpu.memory_space<vmem>>) target_semaphore(%arg17 : memref<!tpu.dma_semaphore, #tpu.memory_space<semaphore_mem>>)
      %add3A_499 = arith.constant 2 : i32
      %add3A_500 = arith.addi %add3A_435, %add3A_499 : i32
      %lt3A_501 = arith.constant 32 : i32
      %lt3A_502 = arith.cmpi slt, %add3A_500, %lt3A_501 : i32
      %convert_element_type3A_503 = arith.extui %lt3A_502 : i1 to i32
      %cond3A_504 = arith.constant 0 : i32
      %cond3A_505 = arith.cmpi ne, %convert_element_type3A_503, %cond3A_504 : i32
      scf.if %cond3A_505 {
        %add3A_708 = arith.constant 2 : i32
        %add3A_709 = arith.addi %add3A_435, %add3A_708 : i32
        %dma_start3A_710 = arith.constant 0 : i32
        %dma_start3A_711 = arith.constant 0 : i32
        %dma_start3A_712 = tpu.memref_slice %arg3[%add3A, %add3A_709, %dma_start3A_710, %dma_start3A_711] : memref<32x32x4x50xi32, #tpu.memory_space<hbm>> -> memref<1x1x4x50xi32, #tpu.memory_space<hbm>>
        %dma_start3A_713 = tpu.memref_squeeze %dma_start3A_712 : memref<1x1x4x50xi32, #tpu.memory_space<hbm>> -> memref<4x50xi32, #tpu.memory_space<hbm>>
        %dma_start3A_714 = arith.constant 0 : i32
        %dma_start3A_715 = arith.constant 0 : i32
        %dma_start3A_716 = tpu.memref_slice %arg3[%add3A, %add3A_709, %dma_start3A_714, %dma_start3A_715] : memref<32x32x4x50xi32, #tpu.memory_space<hbm>> -> memref<1x1x4x50xi32, #tpu.memory_space<hbm>>
        %dma_start3A_717 = tpu.memref_squeeze %dma_start3A_716 : memref<1x1x4x50xi32, #tpu.memory_space<hbm>> -> memref<4x50xi32, #tpu.memory_space<hbm>>
        tpu.enqueue_dma source(%dma_start3A_717 : memref<4x50xi32, #tpu.memory_space<hbm>>) target(%arg12 : memref<4x50xi32, #tpu.memory_space<vmem>>) target_semaphore(%arg24 : memref<!tpu.dma_semaphore, #tpu.memory_space<semaphore_mem>>)
      } else {
      }
      %dma_wait3A_506 = arith.constant 0 : i32
      %dma_wait3A_507 = arith.constant 0 : i32
      %dma_wait3A_508 = arith.constant 0 : i32
      %dma_wait3A_509 = tpu.memref_slice %arg10[%dma_wait3A_507, %dma_wait3A_508] : memref<200x128xf32, #tpu.memory_space<vmem>> -> memref<50x128xf32, #tpu.memory_space<vmem>>
      %dma_wait3A_510 = arith.constant 0 : i32
      %dma_wait3A_511 = tpu.memref_slice %arg13[%dma_wait3A_506, %dma_wait3A_510] : memref<4x50xi32, #tpu.memory_space<vmem>> -> memref<1x50xi32, #tpu.memory_space<vmem>>
      %dma_wait3A_512 = tpu.memref_squeeze %dma_wait3A_511 : memref<1x50xi32, #tpu.memory_space<vmem>> -> memref<50xi32, #tpu.memory_space<vmem>>
      %dma_wait3A_513 = arith.constant 0 : i32
      %dma_wait3A_514 = arith.constant 0 : i32
      %dma_wait3A_515 = tpu.memref_slice %arg2[%dma_wait3A_513, %dma_wait3A_514] : memref<100000x128xf32, #tpu.memory_space<hbm>> -> memref<100000x128xf32, #tpu.memory_space<hbm>>
      tpu.wait_indirect_dma semaphore(%arg19 : memref<!tpu.dma_semaphore, #tpu.memory_space<semaphore_mem>>) src(%dma_wait3A_515 : memref<100000x128xf32, #tpu.memory_space<hbm>>) dst(%dma_wait3A_509 : memref<50x128xf32, #tpu.memory_space<vmem>>)
      %dma_wait3A_516 = arith.constant 1 : i32
      %dma_wait3A_517 = arith.constant 50 : i32
      %dma_wait3A_518 = arith.constant 0 : i32
      %dma_wait3A_519 = tpu.memref_slice %arg10[%dma_wait3A_517, %dma_wait3A_518] : memref<200x128xf32, #tpu.memory_space<vmem>> -> memref<50x128xf32, #tpu.memory_space<vmem>>
      %dma_wait3A_520 = arith.constant 0 : i32
      %dma_wait3A_521 = tpu.memref_slice %arg13[%dma_wait3A_516, %dma_wait3A_520] : memref<4x50xi32, #tpu.memory_space<vmem>> -> memref<1x50xi32, #tpu.memory_space<vmem>>
      %dma_wait3A_522 = tpu.memref_squeeze %dma_wait3A_521 : memref<1x50xi32, #tpu.memory_space<vmem>> -> memref<50xi32, #tpu.memory_space<vmem>>
      %dma_wait3A_523 = arith.constant 0 : i32
      %dma_wait3A_524 = arith.constant 0 : i32
      %dma_wait3A_525 = tpu.memref_slice %arg2[%dma_wait3A_523, %dma_wait3A_524] : memref<100000x128xf32, #tpu.memory_space<hbm>> -> memref<100000x128xf32, #tpu.memory_space<hbm>>
      tpu.wait_indirect_dma semaphore(%arg19 : memref<!tpu.dma_semaphore, #tpu.memory_space<semaphore_mem>>) src(%dma_wait3A_525 : memref<100000x128xf32, #tpu.memory_space<hbm>>) dst(%dma_wait3A_519 : memref<50x128xf32, #tpu.memory_space<vmem>>)
      %dma_wait3A_526 = arith.constant 2 : i32
      %dma_wait3A_527 = arith.constant 100 : i32
      %dma_wait3A_528 = arith.constant 0 : i32
      %dma_wait3A_529 = tpu.memref_slice %arg10[%dma_wait3A_527, %dma_wait3A_528] : memref<200x128xf32, #tpu.memory_space<vmem>> -> memref<50x128xf32, #tpu.memory_space<vmem>>
      %dma_wait3A_530 = arith.constant 0 : i32
      %dma_wait3A_531 = tpu.memref_slice %arg13[%dma_wait3A_526, %dma_wait3A_530] : memref<4x50xi32, #tpu.memory_space<vmem>> -> memref<1x50xi32, #tpu.memory_space<vmem>>
      %dma_wait3A_532 = tpu.memref_squeeze %dma_wait3A_531 : memref<1x50xi32, #tpu.memory_space<vmem>> -> memref<50xi32, #tpu.memory_space<vmem>>
      %dma_wait3A_533 = arith.constant 0 : i32
      %dma_wait3A_534 = arith.constant 0 : i32
      %dma_wait3A_535 = tpu.memref_slice %arg2[%dma_wait3A_533, %dma_wait3A_534] : memref<100000x128xf32, #tpu.memory_space<hbm>> -> memref<100000x128xf32, #tpu.memory_space<hbm>>
      tpu.wait_indirect_dma semaphore(%arg19 : memref<!tpu.dma_semaphore, #tpu.memory_space<semaphore_mem>>) src(%dma_wait3A_535 : memref<100000x128xf32, #tpu.memory_space<hbm>>) dst(%dma_wait3A_529 : memref<50x128xf32, #tpu.memory_space<vmem>>)
      %dma_wait3A_536 = arith.constant 3 : i32
      %dma_wait3A_537 = arith.constant 150 : i32
      %dma_wait3A_538 = arith.constant 0 : i32
      %dma_wait3A_539 = tpu.memref_slice %arg10[%dma_wait3A_537, %dma_wait3A_538] : memref<200x128xf32, #tpu.memory_space<vmem>> -> memref<50x128xf32, #tpu.memory_space<vmem>>
      %dma_wait3A_540 = arith.constant 0 : i32
      %dma_wait3A_541 = tpu.memref_slice %arg13[%dma_wait3A_536, %dma_wait3A_540] : memref<4x50xi32, #tpu.memory_space<vmem>> -> memref<1x50xi32, #tpu.memory_space<vmem>>
      %dma_wait3A_542 = tpu.memref_squeeze %dma_wait3A_541 : memref<1x50xi32, #tpu.memory_space<vmem>> -> memref<50xi32, #tpu.memory_space<vmem>>
      %dma_wait3A_543 = arith.constant 0 : i32
      %dma_wait3A_544 = arith.constant 0 : i32
      %dma_wait3A_545 = tpu.memref_slice %arg2[%dma_wait3A_543, %dma_wait3A_544] : memref<100000x128xf32, #tpu.memory_space<hbm>> -> memref<100000x128xf32, #tpu.memory_space<hbm>>
      tpu.wait_indirect_dma semaphore(%arg19 : memref<!tpu.dma_semaphore, #tpu.memory_space<semaphore_mem>>) src(%dma_wait3A_545 : memref<100000x128xf32, #tpu.memory_space<hbm>>) dst(%dma_wait3A_539 : memref<50x128xf32, #tpu.memory_space<vmem>>)
      %dma_wait3A_546 = arith.constant 0 : i32
      %dma_wait3A_547 = tpu.memref_slice %arg4[%add3A, %add3A_435, %dma_wait3A_546] : memref<32x32x416xf32, #tpu.memory_space<hbm>> -> memref<1x1x416xf32, #tpu.memory_space<hbm>>
      %dma_wait3A_548 = tpu.memref_squeeze %dma_wait3A_547 : memref<1x1x416xf32, #tpu.memory_space<hbm>> -> memref<416xf32, #tpu.memory_space<hbm>>
      %dma_wait3A_549 = arith.constant 0 : i32
      %dma_wait3A_550 = tpu.memref_slice %arg4[%add3A, %add3A_435, %dma_wait3A_549] : memref<32x32x416xf32, #tpu.memory_space<hbm>> -> memref<1x1x416xf32, #tpu.memory_space<hbm>>
      %dma_wait3A_551 = tpu.memref_squeeze %dma_wait3A_550 : memref<1x1x416xf32, #tpu.memory_space<hbm>> -> memref<416xf32, #tpu.memory_space<hbm>>
      tpu.wait_dma2 semaphore(%arg19 : memref<!tpu.dma_semaphore, #tpu.memory_space<semaphore_mem>>) src(%dma_wait3A_551 : memref<416xf32, #tpu.memory_space<hbm>>) dst(%arg16 : memref<416xf32, #tpu.memory_space<vmem>>)
      %scan3A_552 = arith.constant 0 : i32
      %scan3A_553 = arith.constant 0 : i32
      %scan3A_554 = arith.constant 200 : i32
      %scan3A_555 = arith.addi %scan3A_553, %scan3A_554 : i32
      %scan3A_556 = arith.constant 1 : i32
      scf.for %scan3A_708 = %scan3A_553 to %scan3A_555 step %scan3A_556  : i32 {
        %get3A = arith.index_cast %scan3A_708 : i32 to index
        %get3A_709 = arith.constant 0 : index
        %get3A_710 = tpu.vector_load %arg10[%get3A, %get3A_709] {strides = array<i32>} : memref<200x128xf32, #tpu.memory_space<vmem>>, vector<1x16xf32>,
        %get3A_711 = vector.shape_cast %get3A_710 : vector<1x16xf32> to vector<16xf32>
        %mul3A_712 = arith.constant 11.3137083 : f32
        %mul3A_713 = vector.broadcast %mul3A_712 : f32 to vector<16xf32>
        %mul3A_714 = arith.mulf %get3A_711, %mul3A_713 : vector<16xf32>
        %get3A_715 = arith.index_cast %scan3A_708 : i32 to index
        %get3A_716 = arith.constant 0 : index
        %get3A_717 = tpu.vector_load %arg7[%get3A_715, %get3A_716] {strides = array<i32>} : memref<200x128xf32, #tpu.memory_space<vmem>>, vector<1x16xf32>,
        %get3A_718 = vector.shape_cast %get3A_717 : vector<1x16xf32> to vector<16xf32>
        %add3A_719 = arith.addf %mul3A_714, %get3A_718 : vector<16xf32>
        %swap3A = arith.index_cast %scan3A_708 : i32 to index
        %swap3A_720 = arith.constant 0 : index
        %swap3A_721 = tpu.vector_load %arg10[%swap3A, %swap3A_720] {strides = array<i32>} : memref<200x128xf32, #tpu.memory_space<vmem>>, vector<1x16xf32>,
        %swap3A_722 = vector.shape_cast %swap3A_721 : vector<1x16xf32> to vector<16xf32>
        %swap3A_723 = vector.shape_cast %add3A_719 : vector<16xf32> to vector<1x16xf32>
        tpu.vector_store %arg10[%swap3A, %swap3A_720], %swap3A_723 {strides = array<i32>} : memref<200x128xf32, #tpu.memory_space<vmem>>, vector<1x16xf32>,
        %get3A_724 = arith.index_cast %scan3A_708 : i32 to index
        %get3A_725 = arith.constant 16 : index
        %get3A_726 = tpu.vector_load %arg10[%get3A_724, %get3A_725] {strides = array<i32>} : memref<200x128xf32, #tpu.memory_space<vmem>>, vector<1x16xf32>,
        %get3A_727 = vector.shape_cast %get3A_726 : vector<1x16xf32> to vector<16xf32>
        %mul3A_728 = arith.constant 11.3137083 : f32
        %mul3A_729 = vector.broadcast %mul3A_728 : f32 to vector<16xf32>
        %mul3A_730 = arith.mulf %get3A_727, %mul3A_729 : vector<16xf32>
        %get3A_731 = arith.index_cast %scan3A_708 : i32 to index
        %get3A_732 = arith.constant 16 : index
        %get3A_733 = tpu.vector_load %arg7[%get3A_731, %get3A_732] {strides = array<i32>} : memref<200x128xf32, #tpu.memory_space<vmem>>, vector<1x16xf32>,
        %get3A_734 = vector.shape_cast %get3A_733 : vector<1x16xf32> to vector<16xf32>
        %add3A_735 = arith.addf %mul3A_730, %get3A_734 : vector<16xf32>
        %swap3A_736 = arith.index_cast %scan3A_708 : i32 to index
        %swap3A_737 = arith.constant 16 : index
        %swap3A_738 = tpu.vector_load %arg10[%swap3A_736, %swap3A_737] {strides = array<i32>} : memref<200x128xf32, #tpu.memory_space<vmem>>, vector<1x16xf32>,
        %swap3A_739 = vector.shape_cast %swap3A_738 : vector<1x16xf32> to vector<16xf32>
        %swap3A_740 = vector.shape_cast %add3A_735 : vector<16xf32> to vector<1x16xf32>
        tpu.vector_store %arg10[%swap3A_736, %swap3A_737], %swap3A_740 {strides = array<i32>} : memref<200x128xf32, #tpu.memory_space<vmem>>, vector<1x16xf32>,
        %get3A_741 = arith.index_cast %scan3A_708 : i32 to index
        %get3A_742 = arith.constant 32 : index
        %get3A_743 = tpu.vector_load %arg10[%get3A_741, %get3A_742] {strides = array<i32>} : memref<200x128xf32, #tpu.memory_space<vmem>>, vector<1x16xf32>,
        %get3A_744 = vector.shape_cast %get3A_743 : vector<1x16xf32> to vector<16xf32>
        %mul3A_745 = arith.constant 11.3137083 : f32
        %mul3A_746 = vector.broadcast %mul3A_745 : f32 to vector<16xf32>
        %mul3A_747 = arith.mulf %get3A_744, %mul3A_746 : vector<16xf32>
        %get3A_748 = arith.index_cast %scan3A_708 : i32 to index
        %get3A_749 = arith.constant 32 : index
        %get3A_750 = tpu.vector_load %arg7[%get3A_748, %get3A_749] {strides = array<i32>} : memref<200x128xf32, #tpu.memory_space<vmem>>, vector<1x16xf32>,
        %get3A_751 = vector.shape_cast %get3A_750 : vector<1x16xf32> to vector<16xf32>
        %add3A_752 = arith.addf %mul3A_747, %get3A_751 : vector<16xf32>
        %swap3A_753 = arith.index_cast %scan3A_708 : i32 to index
        %swap3A_754 = arith.constant 32 : index
        %swap3A_755 = tpu.vector_load %arg10[%swap3A_753, %swap3A_754] {strides = array<i32>} : memref<200x128xf32, #tpu.memory_space<vmem>>, vector<1x16xf32>,
        %swap3A_756 = vector.shape_cast %swap3A_755 : vector<1x16xf32> to vector<16xf32>
        %swap3A_757 = vector.shape_cast %add3A_752 : vector<16xf32> to vector<1x16xf32>
        tpu.vector_store %arg10[%swap3A_753, %swap3A_754], %swap3A_757 {strides = array<i32>} : memref<200x128xf32, #tpu.memory_space<vmem>>, vector<1x16xf32>,
        %get3A_758 = arith.index_cast %scan3A_708 : i32 to index
        %get3A_759 = arith.constant 48 : index
        %get3A_760 = tpu.vector_load %arg10[%get3A_758, %get3A_759] {strides = array<i32>} : memref<200x128xf32, #tpu.memory_space<vmem>>, vector<1x16xf32>,
        %get3A_761 = vector.shape_cast %get3A_760 : vector<1x16xf32> to vector<16xf32>
        %mul3A_762 = arith.constant 11.3137083 : f32
        %mul3A_763 = vector.broadcast %mul3A_762 : f32 to vector<16xf32>
        %mul3A_764 = arith.mulf %get3A_761, %mul3A_763 : vector<16xf32>
        %get3A_765 = arith.index_cast %scan3A_708 : i32 to index
        %get3A_766 = arith.constant 48 : index
        %get3A_767 = tpu.vector_load %arg7[%get3A_765, %get3A_766] {strides = array<i32>} : memref<200x128xf32, #tpu.memory_space<vmem>>, vector<1x16xf32>,
        %get3A_768 = vector.shape_cast %get3A_767 : vector<1x16xf32> to vector<16xf32>
        %add3A_769 = arith.addf %mul3A_764, %get3A_768 : vector<16xf32>
        %swap3A_770 = arith.index_cast %scan3A_708 : i32 to index
        %swap3A_771 = arith.constant 48 : index
        %swap3A_772 = tpu.vector_load %arg10[%swap3A_770, %swap3A_771] {strides = array<i32>} : memref<200x128xf32, #tpu.memory_space<vmem>>, vector<1x16xf32>,
        %swap3A_773 = vector.shape_cast %swap3A_772 : vector<1x16xf32> to vector<16xf32>
        %swap3A_774 = vector.shape_cast %add3A_769 : vector<16xf32> to vector<1x16xf32>
        tpu.vector_store %arg10[%swap3A_770, %swap3A_771], %swap3A_774 {strides = array<i32>} : memref<200x128xf32, #tpu.memory_space<vmem>>, vector<1x16xf32>,
        %get3A_775 = arith.index_cast %scan3A_708 : i32 to index
        %get3A_776 = arith.constant 64 : index
        %get3A_777 = tpu.vector_load %arg10[%get3A_775, %get3A_776] {strides = array<i32>} : memref<200x128xf32, #tpu.memory_space<vmem>>, vector<1x16xf32>,
        %get3A_778 = vector.shape_cast %get3A_777 : vector<1x16xf32> to vector<16xf32>
        %mul3A_779 = arith.constant 11.3137083 : f32
        %mul3A_780 = vector.broadcast %mul3A_779 : f32 to vector<16xf32>
        %mul3A_781 = arith.mulf %get3A_778, %mul3A_780 : vector<16xf32>
        %get3A_782 = arith.index_cast %scan3A_708 : i32 to index
        %get3A_783 = arith.constant 64 : index
        %get3A_784 = tpu.vector_load %arg7[%get3A_782, %get3A_783] {strides = array<i32>} : memref<200x128xf32, #tpu.memory_space<vmem>>, vector<1x16xf32>,
        %get3A_785 = vector.shape_cast %get3A_784 : vector<1x16xf32> to vector<16xf32>
        %add3A_786 = arith.addf %mul3A_781, %get3A_785 : vector<16xf32>
        %swap3A_787 = arith.index_cast %scan3A_708 : i32 to index
        %swap3A_788 = arith.constant 64 : index
        %swap3A_789 = tpu.vector_load %arg10[%swap3A_787, %swap3A_788] {strides = array<i32>} : memref<200x128xf32, #tpu.memory_space<vmem>>, vector<1x16xf32>,
        %swap3A_790 = vector.shape_cast %swap3A_789 : vector<1x16xf32> to vector<16xf32>
        %swap3A_791 = vector.shape_cast %add3A_786 : vector<16xf32> to vector<1x16xf32>
        tpu.vector_store %arg10[%swap3A_787, %swap3A_788], %swap3A_791 {strides = array<i32>} : memref<200x128xf32, #tpu.memory_space<vmem>>, vector<1x16xf32>,
        %get3A_792 = arith.index_cast %scan3A_708 : i32 to index
        %get3A_793 = arith.constant 80 : index
        %get3A_794 = tpu.vector_load %arg10[%get3A_792, %get3A_793] {strides = array<i32>} : memref<200x128xf32, #tpu.memory_space<vmem>>, vector<1x16xf32>,
        %get3A_795 = vector.shape_cast %get3A_794 : vector<1x16xf32> to vector<16xf32>
        %mul3A_796 = arith.constant 11.3137083 : f32
        %mul3A_797 = vector.broadcast %mul3A_796 : f32 to vector<16xf32>
        %mul3A_798 = arith.mulf %get3A_795, %mul3A_797 : vector<16xf32>
        %get3A_799 = arith.index_cast %scan3A_708 : i32 to index
        %get3A_800 = arith.constant 80 : index
        %get3A_801 = tpu.vector_load %arg7[%get3A_799, %get3A_800] {strides = array<i32>} : memref<200x128xf32, #tpu.memory_space<vmem>>, vector<1x16xf32>,
        %get3A_802 = vector.shape_cast %get3A_801 : vector<1x16xf32> to vector<16xf32>
        %add3A_803 = arith.addf %mul3A_798, %get3A_802 : vector<16xf32>
        %swap3A_804 = arith.index_cast %scan3A_708 : i32 to index
        %swap3A_805 = arith.constant 80 : index
        %swap3A_806 = tpu.vector_load %arg10[%swap3A_804, %swap3A_805] {strides = array<i32>} : memref<200x128xf32, #tpu.memory_space<vmem>>, vector<1x16xf32>,
        %swap3A_807 = vector.shape_cast %swap3A_806 : vector<1x16xf32> to vector<16xf32>
        %swap3A_808 = vector.shape_cast %add3A_803 : vector<16xf32> to vector<1x16xf32>
        tpu.vector_store %arg10[%swap3A_804, %swap3A_805], %swap3A_808 {strides = array<i32>} : memref<200x128xf32, #tpu.memory_space<vmem>>, vector<1x16xf32>,
        %get3A_809 = arith.index_cast %scan3A_708 : i32 to index
        %get3A_810 = arith.constant 96 : index
        %get3A_811 = tpu.vector_load %arg10[%get3A_809, %get3A_810] {strides = array<i32>} : memref<200x128xf32, #tpu.memory_space<vmem>>, vector<1x16xf32>,
        %get3A_812 = vector.shape_cast %get3A_811 : vector<1x16xf32> to vector<16xf32>
        %mul3A_813 = arith.constant 11.3137083 : f32
        %mul3A_814 = vector.broadcast %mul3A_813 : f32 to vector<16xf32>
        %mul3A_815 = arith.mulf %get3A_812, %mul3A_814 : vector<16xf32>
        %get3A_816 = arith.index_cast %scan3A_708 : i32 to index
        %get3A_817 = arith.constant 96 : index
        %get3A_818 = tpu.vector_load %arg7[%get3A_816, %get3A_817] {strides = array<i32>} : memref<200x128xf32, #tpu.memory_space<vmem>>, vector<1x16xf32>,
        %get3A_819 = vector.shape_cast %get3A_818 : vector<1x16xf32> to vector<16xf32>
        %add3A_820 = arith.addf %mul3A_815, %get3A_819 : vector<16xf32>
        %swap3A_821 = arith.index_cast %scan3A_708 : i32 to index
        %swap3A_822 = arith.constant 96 : index
        %swap3A_823 = tpu.vector_load %arg10[%swap3A_821, %swap3A_822] {strides = array<i32>} : memref<200x128xf32, #tpu.memory_space<vmem>>, vector<1x16xf32>,
        %swap3A_824 = vector.shape_cast %swap3A_823 : vector<1x16xf32> to vector<16xf32>
        %swap3A_825 = vector.shape_cast %add3A_820 : vector<16xf32> to vector<1x16xf32>
        tpu.vector_store %arg10[%swap3A_821, %swap3A_822], %swap3A_825 {strides = array<i32>} : memref<200x128xf32, #tpu.memory_space<vmem>>, vector<1x16xf32>,
        %mul3A_826 = arith.constant 2 : i32
        %mul3A_827 = arith.muli %mul3A_826, %scan3A_708 : i32
        %add3A_828 = arith.constant 2 : i32
        %add3A_829 = arith.addi %mul3A_827, %add3A_828 : i32
        %get3A_830 = arith.index_cast %add3A_829 : i32 to index
        %get3A_831 = tpu.vector_load %arg16[%get3A_830] {strides = array<i32>} : memref<416xf32, #tpu.memory_space<vmem>>, vector<16xf32>,
        %get3A_832 = vector.shape_cast %get3A_831 : vector<16xf32> to vector<16xf32>
        %jit3A = arith.constant 0.000000e+00 : f32
        %broadcast_in_dim3A = vector.broadcast %jit3A : f32 to vector<16xf32>
        %select_n3A = arith.select %ge3A_2, %get3A_832, %broadcast_in_dim3A : vector<16xi1>, vector<16xf32>
        %get3A_833 = arith.index_cast %scan3A_708 : i32 to index
        %get3A_834 = arith.constant 112 : index
        %get3A_835 = tpu.vector_load %arg10[%get3A_833, %get3A_834] {strides = array<i32>} : memref<200x128xf32, #tpu.memory_space<vmem>>, vector<1x16xf32>,
        %get3A_836 = vector.shape_cast %get3A_835 : vector<1x16xf32> to vector<16xf32>
        %add3A_837 = arith.addf %get3A_836, %select_n3A : vector<16xf32>
        %mul3A_838 = arith.constant 11.3137083 : f32
        %mul3A_839 = vector.broadcast %mul3A_838 : f32 to vector<16xf32>
        %mul3A_840 = arith.mulf %add3A_837, %mul3A_839 : vector<16xf32>
        %get3A_841 = arith.index_cast %scan3A_708 : i32 to index
        %get3A_842 = arith.constant 112 : index
        %get3A_843 = tpu.vector_load %arg7[%get3A_841, %get3A_842] {strides = array<i32>} : memref<200x128xf32, #tpu.memory_space<vmem>>, vector<1x16xf32>,
        %get3A_844 = vector.shape_cast %get3A_843 : vector<1x16xf32> to vector<16xf32>
        %add3A_845 = arith.addf %mul3A_840, %get3A_844 : vector<16xf32>
        %swap3A_846 = arith.index_cast %scan3A_708 : i32 to index
        %swap3A_847 = arith.constant 112 : index
        %swap3A_848 = tpu.vector_load %arg10[%swap3A_846, %swap3A_847] {strides = array<i32>} : memref<200x128xf32, #tpu.memory_space<vmem>>, vector<1x16xf32>,
        %swap3A_849 = vector.shape_cast %swap3A_848 : vector<1x16xf32> to vector<16xf32>
        %swap3A_850 = vector.shape_cast %add3A_845 : vector<16xf32> to vector<1x16xf32>
        tpu.vector_store %arg10[%swap3A_846, %swap3A_847], %swap3A_850 {strides = array<i32>} : memref<200x128xf32, #tpu.memory_space<vmem>>, vector<1x16xf32>,
      }
      %scan3A_557 = arith.constant 200 : i32
      %mul3A_558 = arith.constant 32 : i32
      %mul3A_559 = arith.muli %add3A, %mul3A_558 : i32
      %add3A_560 = arith.addi %mul3A_559, %add3A_435 : i32
      %dma_start3A_561 = arith.constant 0 : i32
      %dma_start3A_562 = arith.constant 0 : i32
      %dma_start3A_563 = tpu.memref_slice %arg6[%add3A_560, %dma_start3A_561, %dma_start3A_562] : memref<1024x200x128xf32, #tpu.memory_space<hbm>> -> memref<1x200x128xf32, #tpu.memory_space<hbm>>
      %dma_start3A_564 = tpu.memref_squeeze %dma_start3A_563 : memref<1x200x128xf32, #tpu.memory_space<hbm>> -> memref<200x128xf32, #tpu.memory_space<hbm>>
      %dma_start3A_565 = arith.constant 0 : i32
      %dma_start3A_566 = arith.constant 0 : i32
      %dma_start3A_567 = tpu.memref_slice %arg6[%add3A_560, %dma_start3A_565, %dma_start3A_566] : memref<1024x200x128xf32, #tpu.memory_space<hbm>> -> memref<1x200x128xf32, #tpu.memory_space<hbm>>
      %dma_start3A_568 = tpu.memref_squeeze %dma_start3A_567 : memref<1x200x128xf32, #tpu.memory_space<hbm>> -> memref<200x128xf32, #tpu.memory_space<hbm>>
      tpu.enqueue_dma source(%arg10 : memref<200x128xf32, #tpu.memory_space<vmem>>) target(%dma_start3A_568 : memref<200x128xf32, #tpu.memory_space<hbm>>) target_semaphore(%arg22 : memref<!tpu.dma_semaphore, #tpu.memory_space<semaphore_mem>>)
      %mul3A_569 = arith.constant 3 : i32
      %mul3A_570 = arith.muli %mul3A_569, %scan3A_293 : i32
      %add3A_571 = arith.constant 2 : i32
      %add3A_572 = arith.addi %mul3A_570, %add3A_571 : i32
      %add3A_573 = arith.constant 1 : i32
      %add3A_574 = arith.addi %add3A_572, %add3A_573 : i32
      %ge3A_575 = arith.constant 2 : i32
      %ge3A_576 = arith.cmpi sge, %add3A_574, %ge3A_575 : i32
      %convert_element_type3A_577 = arith.extui %ge3A_576 : i1 to i32
      %cond3A_578 = arith.constant 0 : i32
      %cond3A_579 = arith.cmpi ne, %convert_element_type3A_577, %cond3A_578 : i32
      scf.if %cond3A_579 {
        %sub3A = arith.constant 2 : i32
        %sub3A_708 = arith.subi %add3A_574, %sub3A : i32
        %mul3A_709 = arith.constant 32 : i32
        %mul3A_710 = arith.muli %add3A, %mul3A_709 : i32
        %add3A_711 = arith.addi %mul3A_710, %sub3A_708 : i32
        %dma_wait3A_712 = arith.constant 0 : i32
        %dma_wait3A_713 = arith.constant 0 : i32
        %dma_wait3A_714 = tpu.memref_slice %arg6[%add3A_711, %dma_wait3A_712, %dma_wait3A_713] : memref<1024x200x128xf32, #tpu.memory_space<hbm>> -> memref<1x200x128xf32, #tpu.memory_space<hbm>>
        %dma_wait3A_715 = tpu.memref_squeeze %dma_wait3A_714 : memref<1x200x128xf32, #tpu.memory_space<hbm>> -> memref<200x128xf32, #tpu.memory_space<hbm>>
        %dma_wait3A_716 = arith.constant 0 : i32
        %dma_wait3A_717 = arith.constant 0 : i32
        %dma_wait3A_718 = tpu.memref_slice %arg6[%add3A_711, %dma_wait3A_716, %dma_wait3A_717] : memref<1024x200x128xf32, #tpu.memory_space<hbm>> -> memref<1x200x128xf32, #tpu.memory_space<hbm>>
        %dma_wait3A_719 = tpu.memref_squeeze %dma_wait3A_718 : memref<1x200x128xf32, #tpu.memory_space<hbm>> -> memref<200x128xf32, #tpu.memory_space<hbm>>
        tpu.wait_dma2 semaphore(%arg21 : memref<!tpu.dma_semaphore, #tpu.memory_space<semaphore_mem>>) src(%arg9 : memref<200x128xf32, #tpu.memory_space<vmem>>) dst(%dma_wait3A_719 : memref<200x128xf32, #tpu.memory_space<hbm>>)
      } else {
      }
      %add3A_580 = arith.constant 1 : i32
      %add3A_581 = arith.addi %add3A_574, %add3A_580 : i32
      %dma_wait3A_582 = arith.constant 0 : i32
      %dma_wait3A_583 = arith.constant 0 : i32
      %dma_wait3A_584 = tpu.memref_slice %arg3[%add3A, %add3A_581, %dma_wait3A_582, %dma_wait3A_583] : memref<32x32x4x50xi32, #tpu.memory_space<hbm>> -> memref<1x1x4x50xi32, #tpu.memory_space<hbm>>
      %dma_wait3A_585 = tpu.memref_squeeze %dma_wait3A_584 : memref<1x1x4x50xi32, #tpu.memory_space<hbm>> -> memref<4x50xi32, #tpu.memory_space<hbm>>
      %dma_wait3A_586 = arith.constant 0 : i32
      %dma_wait3A_587 = arith.constant 0 : i32
      %dma_wait3A_588 = tpu.memref_slice %arg3[%add3A, %add3A_581, %dma_wait3A_586, %dma_wait3A_587] : memref<32x32x4x50xi32, #tpu.memory_space<hbm>> -> memref<1x1x4x50xi32, #tpu.memory_space<hbm>>
      %dma_wait3A_589 = tpu.memref_squeeze %dma_wait3A_588 : memref<1x1x4x50xi32, #tpu.memory_space<hbm>> -> memref<4x50xi32, #tpu.memory_space<hbm>>
      tpu.wait_dma2 semaphore(%arg24 : memref<!tpu.dma_semaphore, #tpu.memory_space<semaphore_mem>>) src(%dma_wait3A_589 : memref<4x50xi32, #tpu.memory_space<hbm>>) dst(%arg12 : memref<4x50xi32, #tpu.memory_space<vmem>>)
      %add3A_590 = arith.constant 1 : i32
      %add3A_591 = arith.addi %add3A_574, %add3A_590 : i32
      %dma_start3A_592 = arith.constant 0 : i32
      %dma_start3A_593 = arith.constant 0 : i32
      %dma_start3A_594 = arith.constant 0 : i32
      %dma_start3A_595 = tpu.memref_slice %arg9[%dma_start3A_593, %dma_start3A_594] : memref<200x128xf32, #tpu.memory_space<vmem>> -> memref<50x128xf32, #tpu.memory_space<vmem>>
      %dma_start3A_596 = arith.constant 0 : i32
      %dma_start3A_597 = tpu.memref_slice %arg12[%dma_start3A_592, %dma_start3A_596] : memref<4x50xi32, #tpu.memory_space<vmem>> -> memref<1x50xi32, #tpu.memory_space<vmem>>
      %dma_start3A_598 = tpu.memref_squeeze %dma_start3A_597 : memref<1x50xi32, #tpu.memory_space<vmem>> -> memref<50xi32, #tpu.memory_space<vmem>>
      %dma_start3A_599 = arith.constant 0 : i32
      %dma_start3A_600 = arith.constant 0 : i32
      %dma_start3A_601 = tpu.memref_slice %arg2[%dma_start3A_599, %dma_start3A_600] : memref<100000x128xf32, #tpu.memory_space<hbm>> -> memref<100000x128xf32, #tpu.memory_space<hbm>>
      tpu.enqueue_indirect_dma source(%dma_start3A_601 : memref<100000x128xf32, #tpu.memory_space<hbm>>) target(%dma_start3A_595 : memref<50x128xf32, #tpu.memory_space<vmem>>) offsets(%dma_start3A_598 : memref<50xi32, #tpu.memory_space<vmem>>) semaphore(%arg18 : memref<!tpu.dma_semaphore, #tpu.memory_space<semaphore_mem>>)
      %dma_start3A_602 = arith.constant 1 : i32
      %dma_start3A_603 = arith.constant 50 : i32
      %dma_start3A_604 = arith.constant 0 : i32
      %dma_start3A_605 = tpu.memref_slice %arg9[%dma_start3A_603, %dma_start3A_604] : memref<200x128xf32, #tpu.memory_space<vmem>> -> memref<50x128xf32, #tpu.memory_space<vmem>>
      %dma_start3A_606 = arith.constant 0 : i32
      %dma_start3A_607 = tpu.memref_slice %arg12[%dma_start3A_602, %dma_start3A_606] : memref<4x50xi32, #tpu.memory_space<vmem>> -> memref<1x50xi32, #tpu.memory_space<vmem>>
      %dma_start3A_608 = tpu.memref_squeeze %dma_start3A_607 : memref<1x50xi32, #tpu.memory_space<vmem>> -> memref<50xi32, #tpu.memory_space<vmem>>
      %dma_start3A_609 = arith.constant 0 : i32
      %dma_start3A_610 = arith.constant 0 : i32
      %dma_start3A_611 = tpu.memref_slice %arg2[%dma_start3A_609, %dma_start3A_610] : memref<100000x128xf32, #tpu.memory_space<hbm>> -> memref<100000x128xf32, #tpu.memory_space<hbm>>
      tpu.enqueue_indirect_dma source(%dma_start3A_611 : memref<100000x128xf32, #tpu.memory_space<hbm>>) target(%dma_start3A_605 : memref<50x128xf32, #tpu.memory_space<vmem>>) offsets(%dma_start3A_608 : memref<50xi32, #tpu.memory_space<vmem>>) semaphore(%arg18 : memref<!tpu.dma_semaphore, #tpu.memory_space<semaphore_mem>>)
      %dma_start3A_612 = arith.constant 2 : i32
      %dma_start3A_613 = arith.constant 100 : i32
      %dma_start3A_614 = arith.constant 0 : i32
      %dma_start3A_615 = tpu.memref_slice %arg9[%dma_start3A_613, %dma_start3A_614] : memref<200x128xf32, #tpu.memory_space<vmem>> -> memref<50x128xf32, #tpu.memory_space<vmem>>
      %dma_start3A_616 = arith.constant 0 : i32
      %dma_start3A_617 = tpu.memref_slice %arg12[%dma_start3A_612, %dma_start3A_616] : memref<4x50xi32, #tpu.memory_space<vmem>> -> memref<1x50xi32, #tpu.memory_space<vmem>>
      %dma_start3A_618 = tpu.memref_squeeze %dma_start3A_617 : memref<1x50xi32, #tpu.memory_space<vmem>> -> memref<50xi32, #tpu.memory_space<vmem>>
      %dma_start3A_619 = arith.constant 0 : i32
      %dma_start3A_620 = arith.constant 0 : i32
      %dma_start3A_621 = tpu.memref_slice %arg2[%dma_start3A_619, %dma_start3A_620] : memref<100000x128xf32, #tpu.memory_space<hbm>> -> memref<100000x128xf32, #tpu.memory_space<hbm>>
      tpu.enqueue_indirect_dma source(%dma_start3A_621 : memref<100000x128xf32, #tpu.memory_space<hbm>>) target(%dma_start3A_615 : memref<50x128xf32, #tpu.memory_space<vmem>>) offsets(%dma_start3A_618 : memref<50xi32, #tpu.memory_space<vmem>>) semaphore(%arg18 : memref<!tpu.dma_semaphore, #tpu.memory_space<semaphore_mem>>)
      %dma_start3A_622 = arith.constant 3 : i32
      %dma_start3A_623 = arith.constant 150 : i32
      %dma_start3A_624 = arith.constant 0 : i32
      %dma_start3A_625 = tpu.memref_slice %arg9[%dma_start3A_623, %dma_start3A_624] : memref<200x128xf32, #tpu.memory_space<vmem>> -> memref<50x128xf32, #tpu.memory_space<vmem>>
      %dma_start3A_626 = arith.constant 0 : i32
      %dma_start3A_627 = tpu.memref_slice %arg12[%dma_start3A_622, %dma_start3A_626] : memref<4x50xi32, #tpu.memory_space<vmem>> -> memref<1x50xi32, #tpu.memory_space<vmem>>
      %dma_start3A_628 = tpu.memref_squeeze %dma_start3A_627 : memref<1x50xi32, #tpu.memory_space<vmem>> -> memref<50xi32, #tpu.memory_space<vmem>>
      %dma_start3A_629 = arith.constant 0 : i32
      %dma_start3A_630 = arith.constant 0 : i32
      %dma_start3A_631 = tpu.memref_slice %arg2[%dma_start3A_629, %dma_start3A_630] : memref<100000x128xf32, #tpu.memory_space<hbm>> -> memref<100000x128xf32, #tpu.memory_space<hbm>>
      tpu.enqueue_indirect_dma source(%dma_start3A_631 : memref<100000x128xf32, #tpu.memory_space<hbm>>) target(%dma_start3A_625 : memref<50x128xf32, #tpu.memory_space<vmem>>) offsets(%dma_start3A_628 : memref<50xi32, #tpu.memory_space<vmem>>) semaphore(%arg18 : memref<!tpu.dma_semaphore, #tpu.memory_space<semaphore_mem>>)
      %dma_start3A_632 = arith.constant 0 : i32
      %dma_start3A_633 = tpu.memref_slice %arg4[%add3A, %add3A_591, %dma_start3A_632] : memref<32x32x416xf32, #tpu.memory_space<hbm>> -> memref<1x1x416xf32, #tpu.memory_space<hbm>>
      %dma_start3A_634 = tpu.memref_squeeze %dma_start3A_633 : memref<1x1x416xf32, #tpu.memory_space<hbm>> -> memref<416xf32, #tpu.memory_space<hbm>>
      %dma_start3A_635 = arith.constant 0 : i32
      %dma_start3A_636 = tpu.memref_slice %arg4[%add3A, %add3A_591, %dma_start3A_635] : memref<32x32x416xf32, #tpu.memory_space<hbm>> -> memref<1x1x416xf32, #tpu.memory_space<hbm>>
      %dma_start3A_637 = tpu.memref_squeeze %dma_start3A_636 : memref<1x1x416xf32, #tpu.memory_space<hbm>> -> memref<416xf32, #tpu.memory_space<hbm>>
      tpu.enqueue_dma source(%dma_start3A_637 : memref<416xf32, #tpu.memory_space<hbm>>) target(%arg15 : memref<416xf32, #tpu.memory_space<vmem>>) target_semaphore(%arg18 : memref<!tpu.dma_semaphore, #tpu.memory_space<semaphore_mem>>)
      %add3A_638 = arith.constant 2 : i32
      %add3A_639 = arith.addi %add3A_574, %add3A_638 : i32
      %lt3A_640 = arith.constant 32 : i32
      %lt3A_641 = arith.cmpi slt, %add3A_639, %lt3A_640 : i32
      %convert_element_type3A_642 = arith.extui %lt3A_641 : i1 to i32
      %cond3A_643 = arith.constant 0 : i32
      %cond3A_644 = arith.cmpi ne, %convert_element_type3A_642, %cond3A_643 : i32
      scf.if %cond3A_644 {
        %add3A_708 = arith.constant 2 : i32
        %add3A_709 = arith.addi %add3A_574, %add3A_708 : i32
        %dma_start3A_710 = arith.constant 0 : i32
        %dma_start3A_711 = arith.constant 0 : i32
        %dma_start3A_712 = tpu.memref_slice %arg3[%add3A, %add3A_709, %dma_start3A_710, %dma_start3A_711] : memref<32x32x4x50xi32, #tpu.memory_space<hbm>> -> memref<1x1x4x50xi32, #tpu.memory_space<hbm>>
        %dma_start3A_713 = tpu.memref_squeeze %dma_start3A_712 : memref<1x1x4x50xi32, #tpu.memory_space<hbm>> -> memref<4x50xi32, #tpu.memory_space<hbm>>
        %dma_start3A_714 = arith.constant 0 : i32
        %dma_start3A_715 = arith.constant 0 : i32
        %dma_start3A_716 = tpu.memref_slice %arg3[%add3A, %add3A_709, %dma_start3A_714, %dma_start3A_715] : memref<32x32x4x50xi32, #tpu.memory_space<hbm>> -> memref<1x1x4x50xi32, #tpu.memory_space<hbm>>
        %dma_start3A_717 = tpu.memref_squeeze %dma_start3A_716 : memref<1x1x4x50xi32, #tpu.memory_space<hbm>> -> memref<4x50xi32, #tpu.memory_space<hbm>>
        tpu.enqueue_dma source(%dma_start3A_717 : memref<4x50xi32, #tpu.memory_space<hbm>>) target(%arg13 : memref<4x50xi32, #tpu.memory_space<vmem>>) target_semaphore(%arg25 : memref<!tpu.dma_semaphore, #tpu.memory_space<semaphore_mem>>)
      } else {
      }
      %dma_wait3A_645 = arith.constant 0 : i32
      %dma_wait3A_646 = arith.constant 0 : i32
      %dma_wait3A_647 = arith.constant 0 : i32
      %dma_wait3A_648 = tpu.memref_slice %arg8[%dma_wait3A_646, %dma_wait3A_647] : memref<200x128xf32, #tpu.memory_space<vmem>> -> memref<50x128xf32, #tpu.memory_space<vmem>>
      %dma_wait3A_649 = arith.constant 0 : i32
      %dma_wait3A_650 = tpu.memref_slice %arg11[%dma_wait3A_645, %dma_wait3A_649] : memref<4x50xi32, #tpu.memory_space<vmem>> -> memref<1x50xi32, #tpu.memory_space<vmem>>
      %dma_wait3A_651 = tpu.memref_squeeze %dma_wait3A_650 : memref<1x50xi32, #tpu.memory_space<vmem>> -> memref<50xi32, #tpu.memory_space<vmem>>
      %dma_wait3A_652 = arith.constant 0 : i32
      %dma_wait3A_653 = arith.constant 0 : i32
      %dma_wait3A_654 = tpu.memref_slice %arg2[%dma_wait3A_652, %dma_wait3A_653] : memref<100000x128xf32, #tpu.memory_space<hbm>> -> memref<100000x128xf32, #tpu.memory_space<hbm>>
      tpu.wait_indirect_dma semaphore(%arg17 : memref<!tpu.dma_semaphore, #tpu.memory_space<semaphore_mem>>) src(%dma_wait3A_654 : memref<100000x128xf32, #tpu.memory_space<hbm>>) dst(%dma_wait3A_648 : memref<50x128xf32, #tpu.memory_space<vmem>>)
      %dma_wait3A_655 = arith.constant 1 : i32
      %dma_wait3A_656 = arith.constant 50 : i32
      %dma_wait3A_657 = arith.constant 0 : i32
      %dma_wait3A_658 = tpu.memref_slice %arg8[%dma_wait3A_656, %dma_wait3A_657] : memref<200x128xf32, #tpu.memory_space<vmem>> -> memref<50x128xf32, #tpu.memory_space<vmem>>
      %dma_wait3A_659 = arith.constant 0 : i32
      %dma_wait3A_660 = tpu.memref_slice %arg11[%dma_wait3A_655, %dma_wait3A_659] : memref<4x50xi32, #tpu.memory_space<vmem>> -> memref<1x50xi32, #tpu.memory_space<vmem>>
      %dma_wait3A_661 = tpu.memref_squeeze %dma_wait3A_660 : memref<1x50xi32, #tpu.memory_space<vmem>> -> memref<50xi32, #tpu.memory_space<vmem>>
      %dma_wait3A_662 = arith.constant 0 : i32
      %dma_wait3A_663 = arith.constant 0 : i32
      %dma_wait3A_664 = tpu.memref_slice %arg2[%dma_wait3A_662, %dma_wait3A_663] : memref<100000x128xf32, #tpu.memory_space<hbm>> -> memref<100000x128xf32, #tpu.memory_space<hbm>>
      tpu.wait_indirect_dma semaphore(%arg17 : memref<!tpu.dma_semaphore, #tpu.memory_space<semaphore_mem>>) src(%dma_wait3A_664 : memref<100000x128xf32, #tpu.memory_space<hbm>>) dst(%dma_wait3A_658 : memref<50x128xf32, #tpu.memory_space<vmem>>)
      %dma_wait3A_665 = arith.constant 2 : i32
      %dma_wait3A_666 = arith.constant 100 : i32
      %dma_wait3A_667 = arith.constant 0 : i32
      %dma_wait3A_668 = tpu.memref_slice %arg8[%dma_wait3A_666, %dma_wait3A_667] : memref<200x128xf32, #tpu.memory_space<vmem>> -> memref<50x128xf32, #tpu.memory_space<vmem>>
      %dma_wait3A_669 = arith.constant 0 : i32
      %dma_wait3A_670 = tpu.memref_slice %arg11[%dma_wait3A_665, %dma_wait3A_669] : memref<4x50xi32, #tpu.memory_space<vmem>> -> memref<1x50xi32, #tpu.memory_space<vmem>>
      %dma_wait3A_671 = tpu.memref_squeeze %dma_wait3A_670 : memref<1x50xi32, #tpu.memory_space<vmem>> -> memref<50xi32, #tpu.memory_space<vmem>>
      %dma_wait3A_672 = arith.constant 0 : i32
      %dma_wait3A_673 = arith.constant 0 : i32
      %dma_wait3A_674 = tpu.memref_slice %arg2[%dma_wait3A_672, %dma_wait3A_673] : memref<100000x128xf32, #tpu.memory_space<hbm>> -> memref<100000x128xf32, #tpu.memory_space<hbm>>
      tpu.wait_indirect_dma semaphore(%arg17 : memref<!tpu.dma_semaphore, #tpu.memory_space<semaphore_mem>>) src(%dma_wait3A_674 : memref<100000x128xf32, #tpu.memory_space<hbm>>) dst(%dma_wait3A_668 : memref<50x128xf32, #tpu.memory_space<vmem>>)
      %dma_wait3A_675 = arith.constant 3 : i32
      %dma_wait3A_676 = arith.constant 150 : i32
      %dma_wait3A_677 = arith.constant 0 : i32
      %dma_wait3A_678 = tpu.memref_slice %arg8[%dma_wait3A_676, %dma_wait3A_677] : memref<200x128xf32, #tpu.memory_space<vmem>> -> memref<50x128xf32, #tpu.memory_space<vmem>>
      %dma_wait3A_679 = arith.constant 0 : i32
      %dma_wait3A_680 = tpu.memref_slice %arg11[%dma_wait3A_675, %dma_wait3A_679] : memref<4x50xi32, #tpu.memory_space<vmem>> -> memref<1x50xi32, #tpu.memory_space<vmem>>
      %dma_wait3A_681 = tpu.memref_squeeze %dma_wait3A_680 : memref<1x50xi32, #tpu.memory_space<vmem>> -> memref<50xi32, #tpu.memory_space<vmem>>
      %dma_wait3A_682 = arith.constant 0 : i32
      %dma_wait3A_683 = arith.constant 0 : i32
      %dma_wait3A_684 = tpu.memref_slice %arg2[%dma_wait3A_682, %dma_wait3A_683] : memref<100000x128xf32, #tpu.memory_space<hbm>> -> memref<100000x128xf32, #tpu.memory_space<hbm>>
      tpu.wait_indirect_dma semaphore(%arg17 : memref<!tpu.dma_semaphore, #tpu.memory_space<semaphore_mem>>) src(%dma_wait3A_684 : memref<100000x128xf32, #tpu.memory_space<hbm>>) dst(%dma_wait3A_678 : memref<50x128xf32, #tpu.memory_space<vmem>>)
      %dma_wait3A_685 = arith.constant 0 : i32
      %dma_wait3A_686 = tpu.memref_slice %arg4[%add3A, %add3A_574, %dma_wait3A_685] : memref<32x32x416xf32, #tpu.memory_space<hbm>> -> memref<1x1x416xf32, #tpu.memory_space<hbm>>
      %dma_wait3A_687 = tpu.memref_squeeze %dma_wait3A_686 : memref<1x1x416xf32, #tpu.memory_space<hbm>> -> memref<416xf32, #tpu.memory_space<hbm>>
      %dma_wait3A_688 = arith.constant 0 : i32
      %dma_wait3A_689 = tpu.memref_slice %arg4[%add3A, %add3A_574, %dma_wait3A_688] : memref<32x32x416xf32, #tpu.memory_space<hbm>> -> memref<1x1x416xf32, #tpu.memory_space<hbm>>
      %dma_wait3A_690 = tpu.memref_squeeze %dma_wait3A_689 : memref<1x1x416xf32, #tpu.memory_space<hbm>> -> memref<416xf32, #tpu.memory_space<hbm>>
      tpu.wait_dma2 semaphore(%arg17 : memref<!tpu.dma_semaphore, #tpu.memory_space<semaphore_mem>>) src(%dma_wait3A_690 : memref<416xf32, #tpu.memory_space<hbm>>) dst(%arg14 : memref<416xf32, #tpu.memory_space<vmem>>)
      %scan3A_691 = arith.constant 0 : i32
      %scan3A_692 = arith.constant 0 : i32
      %scan3A_693 = arith.constant 200 : i32
      %scan3A_694 = arith.addi %scan3A_692, %scan3A_693 : i32
      %scan3A_695 = arith.constant 1 : i32
      scf.for %scan3A_708 = %scan3A_692 to %scan3A_694 step %scan3A_695  : i32 {
        %get3A = arith.index_cast %scan3A_708 : i32 to index
        %get3A_709 = arith.constant 0 : index
        %get3A_710 = tpu.vector_load %arg8[%get3A, %get3A_709] {strides = array<i32>} : memref<200x128xf32, #tpu.memory_space<vmem>>, vector<1x16xf32>,
        %get3A_711 = vector.shape_cast %get3A_710 : vector<1x16xf32> to vector<16xf32>
        %mul3A_712 = arith.constant 11.3137083 : f32
        %mul3A_713 = vector.broadcast %mul3A_712 : f32 to vector<16xf32>
        %mul3A_714 = arith.mulf %get3A_711, %mul3A_713 : vector<16xf32>
        %get3A_715 = arith.index_cast %scan3A_708 : i32 to index
        %get3A_716 = arith.constant 0 : index
        %get3A_717 = tpu.vector_load %arg7[%get3A_715, %get3A_716] {strides = array<i32>} : memref<200x128xf32, #tpu.memory_space<vmem>>, vector<1x16xf32>,
        %get3A_718 = vector.shape_cast %get3A_717 : vector<1x16xf32> to vector<16xf32>
        %add3A_719 = arith.addf %mul3A_714, %get3A_718 : vector<16xf32>
        %swap3A = arith.index_cast %scan3A_708 : i32 to index
        %swap3A_720 = arith.constant 0 : index
        %swap3A_721 = tpu.vector_load %arg8[%swap3A, %swap3A_720] {strides = array<i32>} : memref<200x128xf32, #tpu.memory_space<vmem>>, vector<1x16xf32>,
        %swap3A_722 = vector.shape_cast %swap3A_721 : vector<1x16xf32> to vector<16xf32>
        %swap3A_723 = vector.shape_cast %add3A_719 : vector<16xf32> to vector<1x16xf32>
        tpu.vector_store %arg8[%swap3A, %swap3A_720], %swap3A_723 {strides = array<i32>} : memref<200x128xf32, #tpu.memory_space<vmem>>, vector<1x16xf32>,
        %get3A_724 = arith.index_cast %scan3A_708 : i32 to index
        %get3A_725 = arith.constant 16 : index
        %get3A_726 = tpu.vector_load %arg8[%get3A_724, %get3A_725] {strides = array<i32>} : memref<200x128xf32, #tpu.memory_space<vmem>>, vector<1x16xf32>,
        %get3A_727 = vector.shape_cast %get3A_726 : vector<1x16xf32> to vector<16xf32>
        %mul3A_728 = arith.constant 11.3137083 : f32
        %mul3A_729 = vector.broadcast %mul3A_728 : f32 to vector<16xf32>
        %mul3A_730 = arith.mulf %get3A_727, %mul3A_729 : vector<16xf32>
        %get3A_731 = arith.index_cast %scan3A_708 : i32 to index
        %get3A_732 = arith.constant 16 : index
        %get3A_733 = tpu.vector_load %arg7[%get3A_731, %get3A_732] {strides = array<i32>} : memref<200x128xf32, #tpu.memory_space<vmem>>, vector<1x16xf32>,
        %get3A_734 = vector.shape_cast %get3A_733 : vector<1x16xf32> to vector<16xf32>
        %add3A_735 = arith.addf %mul3A_730, %get3A_734 : vector<16xf32>
        %swap3A_736 = arith.index_cast %scan3A_708 : i32 to index
        %swap3A_737 = arith.constant 16 : index
        %swap3A_738 = tpu.vector_load %arg8[%swap3A_736, %swap3A_737] {strides = array<i32>} : memref<200x128xf32, #tpu.memory_space<vmem>>, vector<1x16xf32>,
        %swap3A_739 = vector.shape_cast %swap3A_738 : vector<1x16xf32> to vector<16xf32>
        %swap3A_740 = vector.shape_cast %add3A_735 : vector<16xf32> to vector<1x16xf32>
        tpu.vector_store %arg8[%swap3A_736, %swap3A_737], %swap3A_740 {strides = array<i32>} : memref<200x128xf32, #tpu.memory_space<vmem>>, vector<1x16xf32>,
        %get3A_741 = arith.index_cast %scan3A_708 : i32 to index
        %get3A_742 = arith.constant 32 : index
        %get3A_743 = tpu.vector_load %arg8[%get3A_741, %get3A_742] {strides = array<i32>} : memref<200x128xf32, #tpu.memory_space<vmem>>, vector<1x16xf32>,
        %get3A_744 = vector.shape_cast %get3A_743 : vector<1x16xf32> to vector<16xf32>
        %mul3A_745 = arith.constant 11.3137083 : f32
        %mul3A_746 = vector.broadcast %mul3A_745 : f32 to vector<16xf32>
        %mul3A_747 = arith.mulf %get3A_744, %mul3A_746 : vector<16xf32>
        %get3A_748 = arith.index_cast %scan3A_708 : i32 to index
        %get3A_749 = arith.constant 32 : index
        %get3A_750 = tpu.vector_load %arg7[%get3A_748, %get3A_749] {strides = array<i32>} : memref<200x128xf32, #tpu.memory_space<vmem>>, vector<1x16xf32>,
        %get3A_751 = vector.shape_cast %get3A_750 : vector<1x16xf32> to vector<16xf32>
        %add3A_752 = arith.addf %mul3A_747, %get3A_751 : vector<16xf32>
        %swap3A_753 = arith.index_cast %scan3A_708 : i32 to index
        %swap3A_754 = arith.constant 32 : index
        %swap3A_755 = tpu.vector_load %arg8[%swap3A_753, %swap3A_754] {strides = array<i32>} : memref<200x128xf32, #tpu.memory_space<vmem>>, vector<1x16xf32>,
        %swap3A_756 = vector.shape_cast %swap3A_755 : vector<1x16xf32> to vector<16xf32>
        %swap3A_757 = vector.shape_cast %add3A_752 : vector<16xf32> to vector<1x16xf32>
        tpu.vector_store %arg8[%swap3A_753, %swap3A_754], %swap3A_757 {strides = array<i32>} : memref<200x128xf32, #tpu.memory_space<vmem>>, vector<1x16xf32>,
        %get3A_758 = arith.index_cast %scan3A_708 : i32 to index
        %get3A_759 = arith.constant 48 : index
        %get3A_760 = tpu.vector_load %arg8[%get3A_758, %get3A_759] {strides = array<i32>} : memref<200x128xf32, #tpu.memory_space<vmem>>, vector<1x16xf32>,
        %get3A_761 = vector.shape_cast %get3A_760 : vector<1x16xf32> to vector<16xf32>
        %mul3A_762 = arith.constant 11.3137083 : f32
        %mul3A_763 = vector.broadcast %mul3A_762 : f32 to vector<16xf32>
        %mul3A_764 = arith.mulf %get3A_761, %mul3A_763 : vector<16xf32>
        %get3A_765 = arith.index_cast %scan3A_708 : i32 to index
        %get3A_766 = arith.constant 48 : index
        %get3A_767 = tpu.vector_load %arg7[%get3A_765, %get3A_766] {strides = array<i32>} : memref<200x128xf32, #tpu.memory_space<vmem>>, vector<1x16xf32>,
        %get3A_768 = vector.shape_cast %get3A_767 : vector<1x16xf32> to vector<16xf32>
        %add3A_769 = arith.addf %mul3A_764, %get3A_768 : vector<16xf32>
        %swap3A_770 = arith.index_cast %scan3A_708 : i32 to index
        %swap3A_771 = arith.constant 48 : index
        %swap3A_772 = tpu.vector_load %arg8[%swap3A_770, %swap3A_771] {strides = array<i32>} : memref<200x128xf32, #tpu.memory_space<vmem>>, vector<1x16xf32>,
        %swap3A_773 = vector.shape_cast %swap3A_772 : vector<1x16xf32> to vector<16xf32>
        %swap3A_774 = vector.shape_cast %add3A_769 : vector<16xf32> to vector<1x16xf32>
        tpu.vector_store %arg8[%swap3A_770, %swap3A_771], %swap3A_774 {strides = array<i32>} : memref<200x128xf32, #tpu.memory_space<vmem>>, vector<1x16xf32>,
        %get3A_775 = arith.index_cast %scan3A_708 : i32 to index
        %get3A_776 = arith.constant 64 : index
        %get3A_777 = tpu.vector_load %arg8[%get3A_775, %get3A_776] {strides = array<i32>} : memref<200x128xf32, #tpu.memory_space<vmem>>, vector<1x16xf32>,
        %get3A_778 = vector.shape_cast %get3A_777 : vector<1x16xf32> to vector<16xf32>
        %mul3A_779 = arith.constant 11.3137083 : f32
        %mul3A_780 = vector.broadcast %mul3A_779 : f32 to vector<16xf32>
        %mul3A_781 = arith.mulf %get3A_778, %mul3A_780 : vector<16xf32>
        %get3A_782 = arith.index_cast %scan3A_708 : i32 to index
        %get3A_783 = arith.constant 64 : index
        %get3A_784 = tpu.vector_load %arg7[%get3A_782, %get3A_783] {strides = array<i32>} : memref<200x128xf32, #tpu.memory_space<vmem>>, vector<1x16xf32>,
        %get3A_785 = vector.shape_cast %get3A_784 : vector<1x16xf32> to vector<16xf32>
        %add3A_786 = arith.addf %mul3A_781, %get3A_785 : vector<16xf32>
        %swap3A_787 = arith.index_cast %scan3A_708 : i32 to index
        %swap3A_788 = arith.constant 64 : index
        %swap3A_789 = tpu.vector_load %arg8[%swap3A_787, %swap3A_788] {strides = array<i32>} : memref<200x128xf32, #tpu.memory_space<vmem>>, vector<1x16xf32>,
        %swap3A_790 = vector.shape_cast %swap3A_789 : vector<1x16xf32> to vector<16xf32>
        %swap3A_791 = vector.shape_cast %add3A_786 : vector<16xf32> to vector<1x16xf32>
        tpu.vector_store %arg8[%swap3A_787, %swap3A_788], %swap3A_791 {strides = array<i32>} : memref<200x128xf32, #tpu.memory_space<vmem>>, vector<1x16xf32>,
        %get3A_792 = arith.index_cast %scan3A_708 : i32 to index
        %get3A_793 = arith.constant 80 : index
        %get3A_794 = tpu.vector_load %arg8[%get3A_792, %get3A_793] {strides = array<i32>} : memref<200x128xf32, #tpu.memory_space<vmem>>, vector<1x16xf32>,
        %get3A_795 = vector.shape_cast %get3A_794 : vector<1x16xf32> to vector<16xf32>
        %mul3A_796 = arith.constant 11.3137083 : f32
        %mul3A_797 = vector.broadcast %mul3A_796 : f32 to vector<16xf32>
        %mul3A_798 = arith.mulf %get3A_795, %mul3A_797 : vector<16xf32>
        %get3A_799 = arith.index_cast %scan3A_708 : i32 to index
        %get3A_800 = arith.constant 80 : index
        %get3A_801 = tpu.vector_load %arg7[%get3A_799, %get3A_800] {strides = array<i32>} : memref<200x128xf32, #tpu.memory_space<vmem>>, vector<1x16xf32>,
        %get3A_802 = vector.shape_cast %get3A_801 : vector<1x16xf32> to vector<16xf32>
        %add3A_803 = arith.addf %mul3A_798, %get3A_802 : vector<16xf32>
        %swap3A_804 = arith.index_cast %scan3A_708 : i32 to index
        %swap3A_805 = arith.constant 80 : index
        %swap3A_806 = tpu.vector_load %arg8[%swap3A_804, %swap3A_805] {strides = array<i32>} : memref<200x128xf32, #tpu.memory_space<vmem>>, vector<1x16xf32>,
        %swap3A_807 = vector.shape_cast %swap3A_806 : vector<1x16xf32> to vector<16xf32>
        %swap3A_808 = vector.shape_cast %add3A_803 : vector<16xf32> to vector<1x16xf32>
        tpu.vector_store %arg8[%swap3A_804, %swap3A_805], %swap3A_808 {strides = array<i32>} : memref<200x128xf32, #tpu.memory_space<vmem>>, vector<1x16xf32>,
        %get3A_809 = arith.index_cast %scan3A_708 : i32 to index
        %get3A_810 = arith.constant 96 : index
        %get3A_811 = tpu.vector_load %arg8[%get3A_809, %get3A_810] {strides = array<i32>} : memref<200x128xf32, #tpu.memory_space<vmem>>, vector<1x16xf32>,
        %get3A_812 = vector.shape_cast %get3A_811 : vector<1x16xf32> to vector<16xf32>
        %mul3A_813 = arith.constant 11.3137083 : f32
        %mul3A_814 = vector.broadcast %mul3A_813 : f32 to vector<16xf32>
        %mul3A_815 = arith.mulf %get3A_812, %mul3A_814 : vector<16xf32>
        %get3A_816 = arith.index_cast %scan3A_708 : i32 to index
        %get3A_817 = arith.constant 96 : index
        %get3A_818 = tpu.vector_load %arg7[%get3A_816, %get3A_817] {strides = array<i32>} : memref<200x128xf32, #tpu.memory_space<vmem>>, vector<1x16xf32>,
        %get3A_819 = vector.shape_cast %get3A_818 : vector<1x16xf32> to vector<16xf32>
        %add3A_820 = arith.addf %mul3A_815, %get3A_819 : vector<16xf32>
        %swap3A_821 = arith.index_cast %scan3A_708 : i32 to index
        %swap3A_822 = arith.constant 96 : index
        %swap3A_823 = tpu.vector_load %arg8[%swap3A_821, %swap3A_822] {strides = array<i32>} : memref<200x128xf32, #tpu.memory_space<vmem>>, vector<1x16xf32>,
        %swap3A_824 = vector.shape_cast %swap3A_823 : vector<1x16xf32> to vector<16xf32>
        %swap3A_825 = vector.shape_cast %add3A_820 : vector<16xf32> to vector<1x16xf32>
        tpu.vector_store %arg8[%swap3A_821, %swap3A_822], %swap3A_825 {strides = array<i32>} : memref<200x128xf32, #tpu.memory_space<vmem>>, vector<1x16xf32>,
        %mul3A_826 = arith.constant 2 : i32
        %mul3A_827 = arith.muli %mul3A_826, %scan3A_708 : i32
        %add3A_828 = arith.constant 2 : i32
        %add3A_829 = arith.addi %mul3A_827, %add3A_828 : i32
        %get3A_830 = arith.index_cast %add3A_829 : i32 to index
        %get3A_831 = tpu.vector_load %arg14[%get3A_830] {strides = array<i32>} : memref<416xf32, #tpu.memory_space<vmem>>, vector<16xf32>,
        %get3A_832 = vector.shape_cast %get3A_831 : vector<16xf32> to vector<16xf32>
        %jit3A = arith.constant 0.000000e+00 : f32
        %broadcast_in_dim3A = vector.broadcast %jit3A : f32 to vector<16xf32>
        %select_n3A = arith.select %ge3A_2, %get3A_832, %broadcast_in_dim3A : vector<16xi1>, vector<16xf32>
        %get3A_833 = arith.index_cast %scan3A_708 : i32 to index
        %get3A_834 = arith.constant 112 : index
        %get3A_835 = tpu.vector_load %arg8[%get3A_833, %get3A_834] {strides = array<i32>} : memref<200x128xf32, #tpu.memory_space<vmem>>, vector<1x16xf32>,
        %get3A_836 = vector.shape_cast %get3A_835 : vector<1x16xf32> to vector<16xf32>
        %add3A_837 = arith.addf %get3A_836, %select_n3A : vector<16xf32>
        %mul3A_838 = arith.constant 11.3137083 : f32
        %mul3A_839 = vector.broadcast %mul3A_838 : f32 to vector<16xf32>
        %mul3A_840 = arith.mulf %add3A_837, %mul3A_839 : vector<16xf32>
        %get3A_841 = arith.index_cast %scan3A_708 : i32 to index
        %get3A_842 = arith.constant 112 : index
        %get3A_843 = tpu.vector_load %arg7[%get3A_841, %get3A_842] {strides = array<i32>} : memref<200x128xf32, #tpu.memory_space<vmem>>, vector<1x16xf32>,
        %get3A_844 = vector.shape_cast %get3A_843 : vector<1x16xf32> to vector<16xf32>
        %add3A_845 = arith.addf %mul3A_840, %get3A_844 : vector<16xf32>
        %swap3A_846 = arith.index_cast %scan3A_708 : i32 to index
        %swap3A_847 = arith.constant 112 : index
        %swap3A_848 = tpu.vector_load %arg8[%swap3A_846, %swap3A_847] {strides = array<i32>} : memref<200x128xf32, #tpu.memory_space<vmem>>, vector<1x16xf32>,
        %swap3A_849 = vector.shape_cast %swap3A_848 : vector<1x16xf32> to vector<16xf32>
        %swap3A_850 = vector.shape_cast %add3A_845 : vector<16xf32> to vector<1x16xf32>
        tpu.vector_store %arg8[%swap3A_846, %swap3A_847], %swap3A_850 {strides = array<i32>} : memref<200x128xf32, #tpu.memory_space<vmem>>, vector<1x16xf32>,
      }
      %scan3A_696 = arith.constant 200 : i32
      %mul3A_697 = arith.constant 32 : i32
      %mul3A_698 = arith.muli %add3A, %mul3A_697 : i32
      %add3A_699 = arith.addi %mul3A_698, %add3A_574 : i32
      %dma_start3A_700 = arith.constant 0 : i32
      %dma_start3A_701 = arith.constant 0 : i32
      %dma_start3A_702 = tpu.memref_slice %arg6[%add3A_699, %dma_start3A_700, %dma_start3A_701] : memref<1024x200x128xf32, #tpu.memory_space<hbm>> -> memref<1x200x128xf32, #tpu.memory_space<hbm>>
      %dma_start3A_703 = tpu.memref_squeeze %dma_start3A_702 : memref<1x200x128xf32, #tpu.memory_space<hbm>> -> memref<200x128xf32, #tpu.memory_space<hbm>>
      %dma_start3A_704 = arith.constant 0 : i32
      %dma_start3A_705 = arith.constant 0 : i32
      %dma_start3A_706 = tpu.memref_slice %arg6[%add3A_699, %dma_start3A_704, %dma_start3A_705] : memref<1024x200x128xf32, #tpu.memory_space<hbm>> -> memref<1x200x128xf32, #tpu.memory_space<hbm>>
      %dma_start3A_707 = tpu.memref_squeeze %dma_start3A_706 : memref<1x200x128xf32, #tpu.memory_space<hbm>> -> memref<200x128xf32, #tpu.memory_space<hbm>>
      tpu.enqueue_dma source(%arg8 : memref<200x128xf32, #tpu.memory_space<vmem>>) target(%dma_start3A_707 : memref<200x128xf32, #tpu.memory_space<hbm>>) target_semaphore(%arg20 : memref<!tpu.dma_semaphore, #tpu.memory_space<semaphore_mem>>)
    }
    %scan3A_191 = arith.constant 10 : i32
    %mul3A_192 = arith.constant 32 : i32
    %mul3A_193 = arith.muli %add3A, %mul3A_192 : i32
    %add3A_194 = arith.constant 29 : i32
    %add3A_195 = arith.addi %mul3A_193, %add3A_194 : i32
    %dma_wait3A_196 = arith.constant 0 : i32
    %dma_wait3A_197 = arith.constant 0 : i32
    %dma_wait3A_198 = tpu.memref_slice %arg6[%add3A_195, %dma_wait3A_196, %dma_wait3A_197] : memref<1024x200x128xf32, #tpu.memory_space<hbm>> -> memref<1x200x128xf32, #tpu.memory_space<hbm>>
    %dma_wait3A_199 = tpu.memref_squeeze %dma_wait3A_198 : memref<1x200x128xf32, #tpu.memory_space<hbm>> -> memref<200x128xf32, #tpu.memory_space<hbm>>
    %dma_wait3A_200 = arith.constant 0 : i32
    %dma_wait3A_201 = arith.constant 0 : i32
    %dma_wait3A_202 = tpu.memref_slice %arg6[%add3A_195, %dma_wait3A_200, %dma_wait3A_201] : memref<1024x200x128xf32, #tpu.memory_space<hbm>> -> memref<1x200x128xf32, #tpu.memory_space<hbm>>
    %dma_wait3A_203 = tpu.memref_squeeze %dma_wait3A_202 : memref<1x200x128xf32, #tpu.memory_space<hbm>> -> memref<200x128xf32, #tpu.memory_space<hbm>>
    tpu.wait_dma2 semaphore(%arg22 : memref<!tpu.dma_semaphore, #tpu.memory_space<semaphore_mem>>) src(%arg10 : memref<200x128xf32, #tpu.memory_space<vmem>>) dst(%dma_wait3A_203 : memref<200x128xf32, #tpu.memory_space<hbm>>)
    %dma_wait3A_204 = arith.constant 0 : i32
    %dma_wait3A_205 = arith.constant 0 : i32
    %dma_wait3A_206 = arith.constant 0 : i32
    %dma_wait3A_207 = tpu.memref_slice %arg9[%dma_wait3A_205, %dma_wait3A_206] : memref<200x128xf32, #tpu.memory_space<vmem>> -> memref<50x128xf32, #tpu.memory_space<vmem>>
    %dma_wait3A_208 = arith.constant 0 : i32
    %dma_wait3A_209 = tpu.memref_slice %arg12[%dma_wait3A_204, %dma_wait3A_208] : memref<4x50xi32, #tpu.memory_space<vmem>> -> memref<1x50xi32, #tpu.memory_space<vmem>>
    %dma_wait3A_210 = tpu.memref_squeeze %dma_wait3A_209 : memref<1x50xi32, #tpu.memory_space<vmem>> -> memref<50xi32, #tpu.memory_space<vmem>>
    %dma_wait3A_211 = arith.constant 0 : i32
    %dma_wait3A_212 = arith.constant 0 : i32
    %dma_wait3A_213 = tpu.memref_slice %arg2[%dma_wait3A_211, %dma_wait3A_212] : memref<100000x128xf32, #tpu.memory_space<hbm>> -> memref<100000x128xf32, #tpu.memory_space<hbm>>
    tpu.wait_indirect_dma semaphore(%arg18 : memref<!tpu.dma_semaphore, #tpu.memory_space<semaphore_mem>>) src(%dma_wait3A_213 : memref<100000x128xf32, #tpu.memory_space<hbm>>) dst(%dma_wait3A_207 : memref<50x128xf32, #tpu.memory_space<vmem>>)
    %dma_wait3A_214 = arith.constant 1 : i32
    %dma_wait3A_215 = arith.constant 50 : i32
    %dma_wait3A_216 = arith.constant 0 : i32
    %dma_wait3A_217 = tpu.memref_slice %arg9[%dma_wait3A_215, %dma_wait3A_216] : memref<200x128xf32, #tpu.memory_space<vmem>> -> memref<50x128xf32, #tpu.memory_space<vmem>>
    %dma_wait3A_218 = arith.constant 0 : i32
    %dma_wait3A_219 = tpu.memref_slice %arg12[%dma_wait3A_214, %dma_wait3A_218] : memref<4x50xi32, #tpu.memory_space<vmem>> -> memref<1x50xi32, #tpu.memory_space<vmem>>
    %dma_wait3A_220 = tpu.memref_squeeze %dma_wait3A_219 : memref<1x50xi32, #tpu.memory_space<vmem>> -> memref<50xi32, #tpu.memory_space<vmem>>
    %dma_wait3A_221 = arith.constant 0 : i32
    %dma_wait3A_222 = arith.constant 0 : i32
    %dma_wait3A_223 = tpu.memref_slice %arg2[%dma_wait3A_221, %dma_wait3A_222] : memref<100000x128xf32, #tpu.memory_space<hbm>> -> memref<100000x128xf32, #tpu.memory_space<hbm>>
    tpu.wait_indirect_dma semaphore(%arg18 : memref<!tpu.dma_semaphore, #tpu.memory_space<semaphore_mem>>) src(%dma_wait3A_223 : memref<100000x128xf32, #tpu.memory_space<hbm>>) dst(%dma_wait3A_217 : memref<50x128xf32, #tpu.memory_space<vmem>>)
    %dma_wait3A_224 = arith.constant 2 : i32
    %dma_wait3A_225 = arith.constant 100 : i32
    %dma_wait3A_226 = arith.constant 0 : i32
    %dma_wait3A_227 = tpu.memref_slice %arg9[%dma_wait3A_225, %dma_wait3A_226] : memref<200x128xf32, #tpu.memory_space<vmem>> -> memref<50x128xf32, #tpu.memory_space<vmem>>
    %dma_wait3A_228 = arith.constant 0 : i32
    %dma_wait3A_229 = tpu.memref_slice %arg12[%dma_wait3A_224, %dma_wait3A_228] : memref<4x50xi32, #tpu.memory_space<vmem>> -> memref<1x50xi32, #tpu.memory_space<vmem>>
    %dma_wait3A_230 = tpu.memref_squeeze %dma_wait3A_229 : memref<1x50xi32, #tpu.memory_space<vmem>> -> memref<50xi32, #tpu.memory_space<vmem>>
    %dma_wait3A_231 = arith.constant 0 : i32
    %dma_wait3A_232 = arith.constant 0 : i32
    %dma_wait3A_233 = tpu.memref_slice %arg2[%dma_wait3A_231, %dma_wait3A_232] : memref<100000x128xf32, #tpu.memory_space<hbm>> -> memref<100000x128xf32, #tpu.memory_space<hbm>>
    tpu.wait_indirect_dma semaphore(%arg18 : memref<!tpu.dma_semaphore, #tpu.memory_space<semaphore_mem>>) src(%dma_wait3A_233 : memref<100000x128xf32, #tpu.memory_space<hbm>>) dst(%dma_wait3A_227 : memref<50x128xf32, #tpu.memory_space<vmem>>)
    %dma_wait3A_234 = arith.constant 3 : i32
    %dma_wait3A_235 = arith.constant 150 : i32
    %dma_wait3A_236 = arith.constant 0 : i32
    %dma_wait3A_237 = tpu.memref_slice %arg9[%dma_wait3A_235, %dma_wait3A_236] : memref<200x128xf32, #tpu.memory_space<vmem>> -> memref<50x128xf32, #tpu.memory_space<vmem>>
    %dma_wait3A_238 = arith.constant 0 : i32
    %dma_wait3A_239 = tpu.memref_slice %arg12[%dma_wait3A_234, %dma_wait3A_238] : memref<4x50xi32, #tpu.memory_space<vmem>> -> memref<1x50xi32, #tpu.memory_space<vmem>>
    %dma_wait3A_240 = tpu.memref_squeeze %dma_wait3A_239 : memref<1x50xi32, #tpu.memory_space<vmem>> -> memref<50xi32, #tpu.memory_space<vmem>>
    %dma_wait3A_241 = arith.constant 0 : i32
    %dma_wait3A_242 = arith.constant 0 : i32
    %dma_wait3A_243 = tpu.memref_slice %arg2[%dma_wait3A_241, %dma_wait3A_242] : memref<100000x128xf32, #tpu.memory_space<hbm>> -> memref<100000x128xf32, #tpu.memory_space<hbm>>
    tpu.wait_indirect_dma semaphore(%arg18 : memref<!tpu.dma_semaphore, #tpu.memory_space<semaphore_mem>>) src(%dma_wait3A_243 : memref<100000x128xf32, #tpu.memory_space<hbm>>) dst(%dma_wait3A_237 : memref<50x128xf32, #tpu.memory_space<vmem>>)
    %dma_wait3A_244 = arith.constant 31 : i32
    %dma_wait3A_245 = arith.constant 0 : i32
    %dma_wait3A_246 = tpu.memref_slice %arg4[%add3A, %dma_wait3A_244, %dma_wait3A_245] : memref<32x32x416xf32, #tpu.memory_space<hbm>> -> memref<1x1x416xf32, #tpu.memory_space<hbm>>
    %dma_wait3A_247 = tpu.memref_squeeze %dma_wait3A_246 : memref<1x1x416xf32, #tpu.memory_space<hbm>> -> memref<416xf32, #tpu.memory_space<hbm>>
    %dma_wait3A_248 = arith.constant 0 : i32
    %dma_wait3A_249 = tpu.memref_slice %arg4[%add3A, %dma_wait3A_244, %dma_wait3A_248] : memref<32x32x416xf32, #tpu.memory_space<hbm>> -> memref<1x1x416xf32, #tpu.memory_space<hbm>>
    %dma_wait3A_250 = tpu.memref_squeeze %dma_wait3A_249 : memref<1x1x416xf32, #tpu.memory_space<hbm>> -> memref<416xf32, #tpu.memory_space<hbm>>
    tpu.wait_dma2 semaphore(%arg18 : memref<!tpu.dma_semaphore, #tpu.memory_space<semaphore_mem>>) src(%dma_wait3A_250 : memref<416xf32, #tpu.memory_space<hbm>>) dst(%arg15 : memref<416xf32, #tpu.memory_space<vmem>>)
    %scan3A_251 = arith.constant 0 : i32
    %scan3A_252 = arith.constant 0 : i32
    %scan3A_253 = arith.constant 200 : i32
    %scan3A_254 = arith.addi %scan3A_252, %scan3A_253 : i32
    %scan3A_255 = arith.constant 1 : i32
    scf.for %scan3A_293 = %scan3A_252 to %scan3A_254 step %scan3A_255  : i32 {
      %get3A = arith.index_cast %scan3A_293 : i32 to index
      %get3A_294 = arith.constant 0 : index
      %get3A_295 = tpu.vector_load %arg9[%get3A, %get3A_294] {strides = array<i32>} : memref<200x128xf32, #tpu.memory_space<vmem>>, vector<1x16xf32>,
      %get3A_296 = vector.shape_cast %get3A_295 : vector<1x16xf32> to vector<16xf32>
      %mul3A_297 = arith.constant 11.3137083 : f32
      %mul3A_298 = vector.broadcast %mul3A_297 : f32 to vector<16xf32>
      %mul3A_299 = arith.mulf %get3A_296, %mul3A_298 : vector<16xf32>
      %get3A_300 = arith.index_cast %scan3A_293 : i32 to index
      %get3A_301 = arith.constant 0 : index
      %get3A_302 = tpu.vector_load %arg7[%get3A_300, %get3A_301] {strides = array<i32>} : memref<200x128xf32, #tpu.memory_space<vmem>>, vector<1x16xf32>,
      %get3A_303 = vector.shape_cast %get3A_302 : vector<1x16xf32> to vector<16xf32>
      %add3A_304 = arith.addf %mul3A_299, %get3A_303 : vector<16xf32>
      %swap3A = arith.index_cast %scan3A_293 : i32 to index
      %swap3A_305 = arith.constant 0 : index
      %swap3A_306 = tpu.vector_load %arg9[%swap3A, %swap3A_305] {strides = array<i32>} : memref<200x128xf32, #tpu.memory_space<vmem>>, vector<1x16xf32>,
      %swap3A_307 = vector.shape_cast %swap3A_306 : vector<1x16xf32> to vector<16xf32>
      %swap3A_308 = vector.shape_cast %add3A_304 : vector<16xf32> to vector<1x16xf32>
      tpu.vector_store %arg9[%swap3A, %swap3A_305], %swap3A_308 {strides = array<i32>} : memref<200x128xf32, #tpu.memory_space<vmem>>, vector<1x16xf32>,
      %get3A_309 = arith.index_cast %scan3A_293 : i32 to index
      %get3A_310 = arith.constant 16 : index
      %get3A_311 = tpu.vector_load %arg9[%get3A_309, %get3A_310] {strides = array<i32>} : memref<200x128xf32, #tpu.memory_space<vmem>>, vector<1x16xf32>,
      %get3A_312 = vector.shape_cast %get3A_311 : vector<1x16xf32> to vector<16xf32>
      %mul3A_313 = arith.constant 11.3137083 : f32
      %mul3A_314 = vector.broadcast %mul3A_313 : f32 to vector<16xf32>
      %mul3A_315 = arith.mulf %get3A_312, %mul3A_314 : vector<16xf32>
      %get3A_316 = arith.index_cast %scan3A_293 : i32 to index
      %get3A_317 = arith.constant 16 : index
      %get3A_318 = tpu.vector_load %arg7[%get3A_316, %get3A_317] {strides = array<i32>} : memref<200x128xf32, #tpu.memory_space<vmem>>, vector<1x16xf32>,
      %get3A_319 = vector.shape_cast %get3A_318 : vector<1x16xf32> to vector<16xf32>
      %add3A_320 = arith.addf %mul3A_315, %get3A_319 : vector<16xf32>
      %swap3A_321 = arith.index_cast %scan3A_293 : i32 to index
      %swap3A_322 = arith.constant 16 : index
      %swap3A_323 = tpu.vector_load %arg9[%swap3A_321, %swap3A_322] {strides = array<i32>} : memref<200x128xf32, #tpu.memory_space<vmem>>, vector<1x16xf32>,
      %swap3A_324 = vector.shape_cast %swap3A_323 : vector<1x16xf32> to vector<16xf32>
      %swap3A_325 = vector.shape_cast %add3A_320 : vector<16xf32> to vector<1x16xf32>
      tpu.vector_store %arg9[%swap3A_321, %swap3A_322], %swap3A_325 {strides = array<i32>} : memref<200x128xf32, #tpu.memory_space<vmem>>, vector<1x16xf32>,
      %get3A_326 = arith.index_cast %scan3A_293 : i32 to index
      %get3A_327 = arith.constant 32 : index
      %get3A_328 = tpu.vector_load %arg9[%get3A_326, %get3A_327] {strides = array<i32>} : memref<200x128xf32, #tpu.memory_space<vmem>>, vector<1x16xf32>,
      %get3A_329 = vector.shape_cast %get3A_328 : vector<1x16xf32> to vector<16xf32>
      %mul3A_330 = arith.constant 11.3137083 : f32
      %mul3A_331 = vector.broadcast %mul3A_330 : f32 to vector<16xf32>
      %mul3A_332 = arith.mulf %get3A_329, %mul3A_331 : vector<16xf32>
      %get3A_333 = arith.index_cast %scan3A_293 : i32 to index
      %get3A_334 = arith.constant 32 : index
      %get3A_335 = tpu.vector_load %arg7[%get3A_333, %get3A_334] {strides = array<i32>} : memref<200x128xf32, #tpu.memory_space<vmem>>, vector<1x16xf32>,
      %get3A_336 = vector.shape_cast %get3A_335 : vector<1x16xf32> to vector<16xf32>
      %add3A_337 = arith.addf %mul3A_332, %get3A_336 : vector<16xf32>
      %swap3A_338 = arith.index_cast %scan3A_293 : i32 to index
      %swap3A_339 = arith.constant 32 : index
      %swap3A_340 = tpu.vector_load %arg9[%swap3A_338, %swap3A_339] {strides = array<i32>} : memref<200x128xf32, #tpu.memory_space<vmem>>, vector<1x16xf32>,
      %swap3A_341 = vector.shape_cast %swap3A_340 : vector<1x16xf32> to vector<16xf32>
      %swap3A_342 = vector.shape_cast %add3A_337 : vector<16xf32> to vector<1x16xf32>
      tpu.vector_store %arg9[%swap3A_338, %swap3A_339], %swap3A_342 {strides = array<i32>} : memref<200x128xf32, #tpu.memory_space<vmem>>, vector<1x16xf32>,
      %get3A_343 = arith.index_cast %scan3A_293 : i32 to index
      %get3A_344 = arith.constant 48 : index
      %get3A_345 = tpu.vector_load %arg9[%get3A_343, %get3A_344] {strides = array<i32>} : memref<200x128xf32, #tpu.memory_space<vmem>>, vector<1x16xf32>,
      %get3A_346 = vector.shape_cast %get3A_345 : vector<1x16xf32> to vector<16xf32>
      %mul3A_347 = arith.constant 11.3137083 : f32
      %mul3A_348 = vector.broadcast %mul3A_347 : f32 to vector<16xf32>
      %mul3A_349 = arith.mulf %get3A_346, %mul3A_348 : vector<16xf32>
      %get3A_350 = arith.index_cast %scan3A_293 : i32 to index
      %get3A_351 = arith.constant 48 : index
      %get3A_352 = tpu.vector_load %arg7[%get3A_350, %get3A_351] {strides = array<i32>} : memref<200x128xf32, #tpu.memory_space<vmem>>, vector<1x16xf32>,
      %get3A_353 = vector.shape_cast %get3A_352 : vector<1x16xf32> to vector<16xf32>
      %add3A_354 = arith.addf %mul3A_349, %get3A_353 : vector<16xf32>
      %swap3A_355 = arith.index_cast %scan3A_293 : i32 to index
      %swap3A_356 = arith.constant 48 : index
      %swap3A_357 = tpu.vector_load %arg9[%swap3A_355, %swap3A_356] {strides = array<i32>} : memref<200x128xf32, #tpu.memory_space<vmem>>, vector<1x16xf32>,
      %swap3A_358 = vector.shape_cast %swap3A_357 : vector<1x16xf32> to vector<16xf32>
      %swap3A_359 = vector.shape_cast %add3A_354 : vector<16xf32> to vector<1x16xf32>
      tpu.vector_store %arg9[%swap3A_355, %swap3A_356], %swap3A_359 {strides = array<i32>} : memref<200x128xf32, #tpu.memory_space<vmem>>, vector<1x16xf32>,
      %get3A_360 = arith.index_cast %scan3A_293 : i32 to index
      %get3A_361 = arith.constant 64 : index
      %get3A_362 = tpu.vector_load %arg9[%get3A_360, %get3A_361] {strides = array<i32>} : memref<200x128xf32, #tpu.memory_space<vmem>>, vector<1x16xf32>,
      %get3A_363 = vector.shape_cast %get3A_362 : vector<1x16xf32> to vector<16xf32>
      %mul3A_364 = arith.constant 11.3137083 : f32
      %mul3A_365 = vector.broadcast %mul3A_364 : f32 to vector<16xf32>
      %mul3A_366 = arith.mulf %get3A_363, %mul3A_365 : vector<16xf32>
      %get3A_367 = arith.index_cast %scan3A_293 : i32 to index
      %get3A_368 = arith.constant 64 : index
      %get3A_369 = tpu.vector_load %arg7[%get3A_367, %get3A_368] {strides = array<i32>} : memref<200x128xf32, #tpu.memory_space<vmem>>, vector<1x16xf32>,
      %get3A_370 = vector.shape_cast %get3A_369 : vector<1x16xf32> to vector<16xf32>
      %add3A_371 = arith.addf %mul3A_366, %get3A_370 : vector<16xf32>
      %swap3A_372 = arith.index_cast %scan3A_293 : i32 to index
      %swap3A_373 = arith.constant 64 : index
      %swap3A_374 = tpu.vector_load %arg9[%swap3A_372, %swap3A_373] {strides = array<i32>} : memref<200x128xf32, #tpu.memory_space<vmem>>, vector<1x16xf32>,
      %swap3A_375 = vector.shape_cast %swap3A_374 : vector<1x16xf32> to vector<16xf32>
      %swap3A_376 = vector.shape_cast %add3A_371 : vector<16xf32> to vector<1x16xf32>
      tpu.vector_store %arg9[%swap3A_372, %swap3A_373], %swap3A_376 {strides = array<i32>} : memref<200x128xf32, #tpu.memory_space<vmem>>, vector<1x16xf32>,
      %get3A_377 = arith.index_cast %scan3A_293 : i32 to index
      %get3A_378 = arith.constant 80 : index
      %get3A_379 = tpu.vector_load %arg9[%get3A_377, %get3A_378] {strides = array<i32>} : memref<200x128xf32, #tpu.memory_space<vmem>>, vector<1x16xf32>,
      %get3A_380 = vector.shape_cast %get3A_379 : vector<1x16xf32> to vector<16xf32>
      %mul3A_381 = arith.constant 11.3137083 : f32
      %mul3A_382 = vector.broadcast %mul3A_381 : f32 to vector<16xf32>
      %mul3A_383 = arith.mulf %get3A_380, %mul3A_382 : vector<16xf32>
      %get3A_384 = arith.index_cast %scan3A_293 : i32 to index
      %get3A_385 = arith.constant 80 : index
      %get3A_386 = tpu.vector_load %arg7[%get3A_384, %get3A_385] {strides = array<i32>} : memref<200x128xf32, #tpu.memory_space<vmem>>, vector<1x16xf32>,
      %get3A_387 = vector.shape_cast %get3A_386 : vector<1x16xf32> to vector<16xf32>
      %add3A_388 = arith.addf %mul3A_383, %get3A_387 : vector<16xf32>
      %swap3A_389 = arith.index_cast %scan3A_293 : i32 to index
      %swap3A_390 = arith.constant 80 : index
      %swap3A_391 = tpu.vector_load %arg9[%swap3A_389, %swap3A_390] {strides = array<i32>} : memref<200x128xf32, #tpu.memory_space<vmem>>, vector<1x16xf32>,
      %swap3A_392 = vector.shape_cast %swap3A_391 : vector<1x16xf32> to vector<16xf32>
      %swap3A_393 = vector.shape_cast %add3A_388 : vector<16xf32> to vector<1x16xf32>
      tpu.vector_store %arg9[%swap3A_389, %swap3A_390], %swap3A_393 {strides = array<i32>} : memref<200x128xf32, #tpu.memory_space<vmem>>, vector<1x16xf32>,
      %get3A_394 = arith.index_cast %scan3A_293 : i32 to index
      %get3A_395 = arith.constant 96 : index
      %get3A_396 = tpu.vector_load %arg9[%get3A_394, %get3A_395] {strides = array<i32>} : memref<200x128xf32, #tpu.memory_space<vmem>>, vector<1x16xf32>,
      %get3A_397 = vector.shape_cast %get3A_396 : vector<1x16xf32> to vector<16xf32>
      %mul3A_398 = arith.constant 11.3137083 : f32
      %mul3A_399 = vector.broadcast %mul3A_398 : f32 to vector<16xf32>
      %mul3A_400 = arith.mulf %get3A_397, %mul3A_399 : vector<16xf32>
      %get3A_401 = arith.index_cast %scan3A_293 : i32 to index
      %get3A_402 = arith.constant 96 : index
      %get3A_403 = tpu.vector_load %arg7[%get3A_401, %get3A_402] {strides = array<i32>} : memref<200x128xf32, #tpu.memory_space<vmem>>, vector<1x16xf32>,
      %get3A_404 = vector.shape_cast %get3A_403 : vector<1x16xf32> to vector<16xf32>
      %add3A_405 = arith.addf %mul3A_400, %get3A_404 : vector<16xf32>
      %swap3A_406 = arith.index_cast %scan3A_293 : i32 to index
      %swap3A_407 = arith.constant 96 : index
      %swap3A_408 = tpu.vector_load %arg9[%swap3A_406, %swap3A_407] {strides = array<i32>} : memref<200x128xf32, #tpu.memory_space<vmem>>, vector<1x16xf32>,
      %swap3A_409 = vector.shape_cast %swap3A_408 : vector<1x16xf32> to vector<16xf32>
      %swap3A_410 = vector.shape_cast %add3A_405 : vector<16xf32> to vector<1x16xf32>
      tpu.vector_store %arg9[%swap3A_406, %swap3A_407], %swap3A_410 {strides = array<i32>} : memref<200x128xf32, #tpu.memory_space<vmem>>, vector<1x16xf32>,
      %mul3A_411 = arith.constant 2 : i32
      %mul3A_412 = arith.muli %mul3A_411, %scan3A_293 : i32
      %add3A_413 = arith.constant 2 : i32
      %add3A_414 = arith.addi %mul3A_412, %add3A_413 : i32
      %get3A_415 = arith.index_cast %add3A_414 : i32 to index
      %get3A_416 = tpu.vector_load %arg15[%get3A_415] {strides = array<i32>} : memref<416xf32, #tpu.memory_space<vmem>>, vector<16xf32>,
      %get3A_417 = vector.shape_cast %get3A_416 : vector<16xf32> to vector<16xf32>
      %jit3A = arith.constant 0.000000e+00 : f32
      %broadcast_in_dim3A = vector.broadcast %jit3A : f32 to vector<16xf32>
      %select_n3A = arith.select %ge3A_2, %get3A_417, %broadcast_in_dim3A : vector<16xi1>, vector<16xf32>
      %get3A_418 = arith.index_cast %scan3A_293 : i32 to index
      %get3A_419 = arith.constant 112 : index
      %get3A_420 = tpu.vector_load %arg9[%get3A_418, %get3A_419] {strides = array<i32>} : memref<200x128xf32, #tpu.memory_space<vmem>>, vector<1x16xf32>,
      %get3A_421 = vector.shape_cast %get3A_420 : vector<1x16xf32> to vector<16xf32>
      %add3A_422 = arith.addf %get3A_421, %select_n3A : vector<16xf32>
      %mul3A_423 = arith.constant 11.3137083 : f32
      %mul3A_424 = vector.broadcast %mul3A_423 : f32 to vector<16xf32>
      %mul3A_425 = arith.mulf %add3A_422, %mul3A_424 : vector<16xf32>
      %get3A_426 = arith.index_cast %scan3A_293 : i32 to index
      %get3A_427 = arith.constant 112 : index
      %get3A_428 = tpu.vector_load %arg7[%get3A_426, %get3A_427] {strides = array<i32>} : memref<200x128xf32, #tpu.memory_space<vmem>>, vector<1x16xf32>,
      %get3A_429 = vector.shape_cast %get3A_428 : vector<1x16xf32> to vector<16xf32>
      %add3A_430 = arith.addf %mul3A_425, %get3A_429 : vector<16xf32>
      %swap3A_431 = arith.index_cast %scan3A_293 : i32 to index
      %swap3A_432 = arith.constant 112 : index
      %swap3A_433 = tpu.vector_load %arg9[%swap3A_431, %swap3A_432] {strides = array<i32>} : memref<200x128xf32, #tpu.memory_space<vmem>>, vector<1x16xf32>,
      %swap3A_434 = vector.shape_cast %swap3A_433 : vector<1x16xf32> to vector<16xf32>
      %swap3A_435 = vector.shape_cast %add3A_430 : vector<16xf32> to vector<1x16xf32>
      tpu.vector_store %arg9[%swap3A_431, %swap3A_432], %swap3A_435 {strides = array<i32>} : memref<200x128xf32, #tpu.memory_space<vmem>>, vector<1x16xf32>,
    }
    %scan3A_256 = arith.constant 200 : i32
    %mul3A_257 = arith.constant 32 : i32
    %mul3A_258 = arith.muli %add3A, %mul3A_257 : i32
    %add3A_259 = arith.constant 31 : i32
    %add3A_260 = arith.addi %mul3A_258, %add3A_259 : i32
    %dma_start3A_261 = arith.constant 0 : i32
    %dma_start3A_262 = arith.constant 0 : i32
    %dma_start3A_263 = tpu.memref_slice %arg6[%add3A_260, %dma_start3A_261, %dma_start3A_262] : memref<1024x200x128xf32, #tpu.memory_space<hbm>> -> memref<1x200x128xf32, #tpu.memory_space<hbm>>
    %dma_start3A_264 = tpu.memref_squeeze %dma_start3A_263 : memref<1x200x128xf32, #tpu.memory_space<hbm>> -> memref<200x128xf32, #tpu.memory_space<hbm>>
    %dma_start3A_265 = arith.constant 0 : i32
    %dma_start3A_266 = arith.constant 0 : i32
    %dma_start3A_267 = tpu.memref_slice %arg6[%add3A_260, %dma_start3A_265, %dma_start3A_266] : memref<1024x200x128xf32, #tpu.memory_space<hbm>> -> memref<1x200x128xf32, #tpu.memory_space<hbm>>
    %dma_start3A_268 = tpu.memref_squeeze %dma_start3A_267 : memref<1x200x128xf32, #tpu.memory_space<hbm>> -> memref<200x128xf32, #tpu.memory_space<hbm>>
    tpu.enqueue_dma source(%arg9 : memref<200x128xf32, #tpu.memory_space<vmem>>) target(%dma_start3A_268 : memref<200x128xf32, #tpu.memory_space<hbm>>) target_semaphore(%arg21 : memref<!tpu.dma_semaphore, #tpu.memory_space<semaphore_mem>>)
    %mul3A_269 = arith.constant 32 : i32
    %mul3A_270 = arith.muli %add3A, %mul3A_269 : i32
    %add3A_271 = arith.constant 30 : i32
    %add3A_272 = arith.addi %mul3A_270, %add3A_271 : i32
    %dma_wait3A_273 = arith.constant 0 : i32
    %dma_wait3A_274 = arith.constant 0 : i32
    %dma_wait3A_275 = tpu.memref_slice %arg6[%add3A_272, %dma_wait3A_273, %dma_wait3A_274] : memref<1024x200x128xf32, #tpu.memory_space<hbm>> -> memref<1x200x128xf32, #tpu.memory_space<hbm>>
    %dma_wait3A_276 = tpu.memref_squeeze %dma_wait3A_275 : memref<1x200x128xf32, #tpu.memory_space<hbm>> -> memref<200x128xf32, #tpu.memory_space<hbm>>
    %dma_wait3A_277 = arith.constant 0 : i32
    %dma_wait3A_278 = arith.constant 0 : i32
    %dma_wait3A_279 = tpu.memref_slice %arg6[%add3A_272, %dma_wait3A_277, %dma_wait3A_278] : memref<1024x200x128xf32, #tpu.memory_space<hbm>> -> memref<1x200x128xf32, #tpu.memory_space<hbm>>
    %dma_wait3A_280 = tpu.memref_squeeze %dma_wait3A_279 : memref<1x200x128xf32, #tpu.memory_space<hbm>> -> memref<200x128xf32, #tpu.memory_space<hbm>>
    tpu.wait_dma2 semaphore(%arg20 : memref<!tpu.dma_semaphore, #tpu.memory_space<semaphore_mem>>) src(%arg8 : memref<200x128xf32, #tpu.memory_space<vmem>>) dst(%dma_wait3A_280 : memref<200x128xf32, #tpu.memory_space<hbm>>)
    %mul3A_281 = arith.constant 32 : i32
    %mul3A_282 = arith.muli %add3A, %mul3A_281 : i32
    %add3A_283 = arith.constant 31 : i32
    %add3A_284 = arith.addi %mul3A_282, %add3A_283 : i32
    %dma_wait3A_285 = arith.constant 0 : i32
    %dma_wait3A_286 = arith.constant 0 : i32
    %dma_wait3A_287 = tpu.memref_slice %arg6[%add3A_284, %dma_wait3A_285, %dma_wait3A_286] : memref<1024x200x128xf32, #tpu.memory_space<hbm>> -> memref<1x200x128xf32, #tpu.memory_space<hbm>>
    %dma_wait3A_288 = tpu.memref_squeeze %dma_wait3A_287 : memref<1x200x128xf32, #tpu.memory_space<hbm>> -> memref<200x128xf32, #tpu.memory_space<hbm>>
    %dma_wait3A_289 = arith.constant 0 : i32
    %dma_wait3A_290 = arith.constant 0 : i32
    %dma_wait3A_291 = tpu.memref_slice %arg6[%add3A_284, %dma_wait3A_289, %dma_wait3A_290] : memref<1024x200x128xf32, #tpu.memory_space<hbm>> -> memref<1x200x128xf32, #tpu.memory_space<hbm>>
    %dma_wait3A_292 = tpu.memref_squeeze %dma_wait3A_291 : memref<1x200x128xf32, #tpu.memory_space<hbm>> -> memref<200x128xf32, #tpu.memory_space<hbm>>
    tpu.wait_dma2 semaphore(%arg21 : memref<!tpu.dma_semaphore, #tpu.memory_space<semaphore_mem>>) src(%arg9 : memref<200x128xf32, #tpu.memory_space<vmem>>) dst(%dma_wait3A_292 : memref<200x128xf32, #tpu.memory_space<hbm>>)
    return
  }
}

</mosaic_0001>

<sc_bundles>
// kernel: kernel.3.cloned.1.call-start
scs
__scs_entry_jumppad:
0x0: {  	(pc) =	sbr.rel $0x88, $3  }
0x1: {  	(tag) =	ssettag $0x0;
	lr =	simm.s32 $0x1  }
0x2: {  	[smem:$0x3F9F] =	sst lr;
	_ =	strace $0xD0000000  }
0x3: {  	_ = 	snop  }
0x4: {  	_ = 	snop  }
0x5: {  	_ = 	snop  }
0x6: {  	_ = 	snop  }
0x7: {  	_ = 	snop  }
__scs_overlays_trampoline_lowered:
0x8: {  	[smem:$0x3FAE] =	sst s0  }
0x9: {  	[smem:$0x3FAF] =	sst s1  }
0xa: {  	[smem:$0x3FB0] =	sst s2  }
0xb: {  	[smem:$0x3FB1] =	sst s3  }
0xc: {  	[smem:$0x3FB2] =	sst s4  }
0xd: {  	[smem:$0x3FB3] =	sst s5  }
0xe: {  	[smem:$0x3FB4] =	sst s6  }
0xf: {  	[smem:$0x3FB5] =	sst s7  }
0x10: {  	[smem:$0x3FB6] =	sst s8  }
0x11: {  	[smem:$0x3FB7] =	sst s9;
	s0 =	simm.s32 @!p0 $0x0  }
0x12: {  	s1 =	sld [smem:$0x3F9D];
	s0 =	simm.s32 @p0 $0x1  }
0x13: {  	[smem:$0x3FB8] =	sst s0;
	s0 =	simm.s32 @!p1 $0x0  }
0x14: {  	s2 =	sld [smem:$0x3F9C];
	s0 =	simm.s32 @p1 $0x1  }
0x15: {  	[smem:$0x3FB9] =	sst s0;
	s0 =	simm.s32 @!p2 $0x0  }
0x16: {  	s3 =	sld [smem:$0x3FDB];
	s0 =	simm.s32 @p2 $0x1  }
0x17: {  	s4 =	simm.s32 $0x1BF5;
	[smem:$0x3FBB] =	sst s0  }
0x18: {  	s0 =	sld [smem:$0x3F9E];
	_ =	swait.ge [sflag:s4], $0x0  }
0x19: {  	s7 =	sld [smem:$0x3F9F]  }
0x1a: {  	s8 =	sadd.s32 $0xFFFFE003, lr  }
0x1b: {  	s9 =	sadd.s32 $0xFFFFFEF7, lr;
	s5 =	simm.s32 $0xFFFFFFFF;
	p2 =	slt.u32 s8, $0xFFFFF086  }
0x1c: {  	p1 =	slt.u32 s9, $0xF7A;
	s5 =	simm.s32 @!p2 $0x0  }
0x1d: {  	s5 =	simm.s32 @p1 $0x1;
	p0 =	seq.s32 s7, s2  }
0x1e: {  	s7 =	smul.u32 @!p0 $0xF7A, s2;
	p2 =	seq.s32 @!p0 s5, $0x0  }
0x1f: {  	s9 =	smul.u32 $0xF7A, s1;
	s8 =	simm.s32 @!p0 $0x1BF5;
	p2 =	por !p2, p0  }
0x20: {  	[sflag:s8] =	ssyncset.s32 @!p0 $0xFFFFF086;
	s6 =	sadd.s32 @!p0 s3, s7;
	s7 =	simm.s32 @!p0 $0x108  }
0x21: {  	s3 =	sadd.s32 s3, s9;
	s6 =	sadd.s32 @!p0 $0x88, s6;
	s7 =	simm.s32 @p2 $0x1082  }
0x22: {  	[simem:s7], [sflag:s8] =	dma.local @!p0 [hbm:s6], $0xF7A  }
0x23: {  	s9 =	sor.u32 $0xD0000000, s2;
	s6 =	simm.s32 $0x108;
	_ =	swait.ge @!p0 [sflag:s8], $0x0  }
0x24: {  	s3 =	sadd.s32 $0x88, s3;
	s6 =	simm.s32 @!p1 $0x1082;
	[sflag:s4] =	ssyncset.s32 $0xFFFFF086  }
0x25: {  	[simem:s6], [sflag:s4] =	dma.local [hbm:s3], $0xF7A  }
0x26: {  	[smem:$0x3F9F] =	sst s1;
	(tag) =	ssettag s2;
	_ =	strace s9  }
0x27: {  	s1 =	sld [smem:$0x3FAF]  }
0x28: {  	s2 =	sld [smem:$0x3FB0]  }
0x29: {  	s4 =	sld [smem:$0x3FB2]  }
0x2a: {  	p0 =	seq.s32 s5, $0x0;
	s5 =	sld [smem:$0x3FB3]  }
0x2b: {  	s6 =	sld [smem:$0x3FB4]  }
0x2c: {  	s7 =	sld [smem:$0x3FB5]  }
0x2d: {  	s3 =	simm.s32 $0x108;
	s8 =	sld [smem:$0x3FB6]  }
0x2e: {  	s3 =	simm.s32 @!p0 $0x1082;
	s9 =	sld [smem:$0x3FB7]  }
0x2f: {  	lr =	sadd.s32 s0, s3;
	s0 =	sld [smem:$0x3FAE]  }
0x30: {  	s3 =	sld [smem:$0x3FB1]  }
0x31: {  	[smem:$0x3FBA] =	sst s10  }
0x32: {  	s10 =	sld [smem:$0x3FB8];
	_ =	sdelay $0x3  }
0x33: {  	p0 =	seq.s32 s10, $0x1;
	s10 =	sld [smem:$0x3FBA];
	_ =	sdelay $0x3  }
0x34: {  	[smem:$0x3FBA] =	sst s10  }
0x35: {  	s10 =	sld [smem:$0x3FB9];
	_ =	sdelay $0x3  }
0x36: {  	p1 =	seq.s32 s10, $0x1;
	s10 =	sld [smem:$0x3FBA];
	_ =	sdelay $0x3  }
0x37: {  	[smem:$0x3FBA] =	sst s10  }
0x38: {  	s10 =	sld [smem:$0x3FBB]  }
0x39: {  	_ = 	snop;
	(pc) =	sbr.ind lr, $3  }
0x3a: {  	_ = 	snop  }
0x3b: {  	_ = 	snop  }
0x3c: {  	p2 =	seq.s32 s10, $0x1;
	s10 =	sld [smem:$0x3FBA]  }
0x3d: {  	_ =	shalt  }
0x3e: {  	_ =	shalt  }
0x3f: {  	_ =	shalt  }
0x40: {  	_ =	shalt  }
0x41: {  	_ =	shalt  }
0x42: {  	_ =	shalt  }
0x43: {  	_ =	shalt  }
0x44: {  	_ =	shalt  }
0x45: {  	_ =	shalt  }
0x46: {  	_ =	shalt  }
0x47: {  	_ =	shalt  }
0x48: {  	_ =	shalt  }
0x49: {  	_ =	shalt  }
0x4a: {  	_ =	shalt  }
0x4b: {  	_ =	shalt  }
0x4c: {  	_ =	shalt  }
0x4d: {  	_ =	shalt  }
0x4e: {  	_ =	shalt  }
0x4f: {  	_ =	shalt  }
0x50: {  	_ =	shalt  }
0x51: {  	_ =	shalt  }
0x52: {  	_ =	shalt  }
0x53: {  	_ =	shalt  }
0x54: {  	_ =	shalt  }
0x55: {  	_ =	shalt  }
0x56: {  	_ =	shalt  }
0x57: {  	_ =	shalt  }
0x58: {  	_ =	shalt  }
0x59: {  	_ =	shalt  }
0x5a: {  	_ =	shalt  }
0x5b: {  	_ =	shalt  }
0x5c: {  	_ =	shalt  }
0x5d: {  	_ =	shalt  }
0x5e: {  	_ =	shalt  }
0x5f: {  	_ =	shalt  }
0x60: {  	_ =	shalt  }
0x61: {  	_ =	shalt  }
0x62: {  	_ =	shalt  }
0x63: {  	_ =	shalt  }
0x64: {  	_ =	shalt  }
0x65: {  	_ =	shalt  }
0x66: {  	_ =	shalt  }
0x67: {  	_ =	shalt  }
0x68: {  	_ =	shalt  }
0x69: {  	_ =	shalt  }
0x6a: {  	_ =	shalt  }
0x6b: {  	_ =	shalt  }
0x6c: {  	_ =	shalt  }
0x6d: {  	_ =	shalt  }
0x6e: {  	_ =	shalt  }
0x6f: {  	_ =	shalt  }
0x70: {  	_ =	shalt  }
0x71: {  	_ =	shalt  }
0x72: {  	_ =	shalt  }
0x73: {  	_ =	shalt  }
0x74: {  	_ =	shalt  }
0x75: {  	_ =	shalt  }
0x76: {  	_ =	shalt  }
0x77: {  	_ =	shalt  }
0x78: {  	_ =	shalt  }
0x79: {  	_ =	shalt  }
0x7a: {  	_ =	shalt  }
0x7b: {  	_ =	shalt  }
0x7c: {  	_ =	shalt  }
0x7d: {  	_ =	shalt  }
0x7e: {  	_ =	shalt  }
0x7f: {  	_ =	shalt  }
0x80: {  	_ =	shalt  }
0x81: {  	_ =	shalt  }
0x82: {  	_ =	shalt  }
0x83: {  	_ =	shalt  }
0x84: {  	_ =	shalt  }
0x85: {  	_ =	shalt  }
0x86: {  	_ =	shalt  }
0x87: {  	_ =	shalt  }
.Lfunc_end0:
.L_simem_size_0:
called_computation_lowered:
.L_overlay_start_0:
0x88: {  	s2 =	sld [smem:$0x3FD9]  }
0x89: {  	s3 =	sld [smem:$0x3FFE];
	_ =	sdelay $0x1  }
0x8a: {  	s1 =	srdreg.scid  }
0x8b: {  	s0 =	sand.u32 $0x1, s1  }
0x8c: {  	s17 =	sshll.u32 s0, $0xA;
	s2 =	sadd.s32 s3, s2  }
0x8d: {  	s2 =	sadd.s32 s2, s17  }
0x8e: {  	[smem:$0x3FC6] =	sst s2  }
0x8f: {  	_ = 	snop  }
0x90: {  	s2 =	sld [smem:$0x3FD0];
	(tm) =	ssettm $0x1  }
0x91: {  	s18 =	sld [smem:$0x3FFB];
	_ =	sdelay $0x3  }
0x92: {  	_ =	strace s18  }
0x93: {  	s3 =	sld [smem:$0x3FFC];
	_ =	sdelay $0x3  }
0x94: {  	_ =	strace s3  }
0x95: {  	s3 =	sld [smem:$0x3FFD];
	_ =	sdelay $0x3  }
0x96: {  	_ =	strace s3  }
0x97: {  	_ =	strace $0x8FFFFFFF  }
0x98: {  	s19 =	sld [smem:$0x3FDB];
	_ =	sdelay $0x1  }
0x99: {  	s4 =	simm.s32 $_scs_section_size  }
0x9a: {  	s5 =	simm.s32 $_size__tile_overlayer_lowered;
	s6 =	simm.s32 $_tile_overlayer_lowered  }
0x9b: {  	s22 =	simm.s32 $0x1BFF;
	s21 =	sshll.u32 s6, $0x1;
	s3 =	sadd.s32 s4, s19  }
0x9c: {  	s7 =	simm.s32 $0x0;
	s20 =	sshll.u32 s5, $0x1;
	s5 =	sadd.s32 s21, s3  }
0x9d: {  	[timem:s7], [sflag:s22] =	dma.local [hbm:s5], s20  }
0x9e: {  	_ =	swait.ge [sflag:s22], s20  }
0x9f: {  	s4 =	ssub.s32 $0x0, s20;
	[sflag:s22] =	ssyncset.done $0x0  }
0xa0: {  	[sflag:s22] =	ssyncadd.s32 s4;
	_ =	sdelay $0x1  }
0xa1: {  	s23 =	simm.s32 $0x1B8B  }
0xa2: {  	_ =	swait.ge [sflag:s23], $0x1  }
0xa3: {  	[sflag:s23] =	ssyncset.done $0x0  }
0xa4: {  	s25 =	simm.s32 $0x1B8E;
	s24 =	sld [smem:$0x3FFE];
	[sflag:s23] =	ssyncadd.s32 $0xFFFFFFFF  }
0xa5: {  	s26 =	simm.s32 $execute0_lowered;
	[smem:$0x3FD2] =	sst s25  }
0xa6: {  	s5 =	sshll.u32 s26, $0x1;
	_ =	strace $0x80000046;
	[dreg:$0x1] =	wrdreg $0xFFFFFFFF  }
0xa7: {  	s28 =	simm.s32 $_size_execute0_lowered;
	s3 =	sadd.s32 s3, s5;
	[dreg:$0x0] =	wrdreg $0x0  }
0xa8: {  	s5 =	sshll.u32 s28, $0x1;
	[dreg:$0x2] =	wrdreg s3  }
0xa9: {  	[dreg:$0x3] =	wrdreg s5  }
0xaa: {  	[dreg:$0x4] =	wrdreg $0xC0  }
0xab: {  	_ =	task [dreg:s7], $0x5FFFF  }
0xac: {  	[dreg:$0x1] =	wrdreg $0xFFFFFFFF  }
0xad: {  	[dreg:$0x0] =	wrdreg $0x60  }
0xae: {  	[dreg:$0x2] =	wrdreg s24  }
0xaf: {  	[dreg:$0x3] =	wrdreg s2  }
0xb0: {  	[dreg:$0x4] =	wrdreg $0x9  }
0xb1: {  	_ =	task.clear_ibuf [dreg:s7], $0x5FFFF;
	_ =	strace $0x90000046  }
0xb2: {  	s29 =	simm.s32 $0x9;
	_ =	strace $0x80000048  }
0xb3: {  	_ =	swait.ge [sflag:s29], $0x1  }
0xb4: {  	[sflag:s29] =	ssyncadd.s32 $0xFFFFFFFF  }
0xb5: {  	_ =	strace $0x90000048  }
0xb6: {  	_ =	sfence  }
0xb7: {  	s30 =	sld [smem:$0x0];
	_ =	sdelay $0x2  }
0xb8: {  	s31 =	sshll.u32 s1, $0xD;
	s1 =	sshrl.u32 s1, $0x2  }
0xb9: {  	s3 =	sand.u32 $0x4000, s31;
	s1 =	sadd.s32 s1, s30  }
0xba: {  	s0 =	sor.u32 s3, s0;
	s1 =	sshll.u32 s1, $0x11  }
0xbb: {  	s0 =	sor.u32 s1, s0  }
0xbc: {  	s0 =	sadd.s32 $0x8F2B, s0  }
0xbd: {  	[sflag:s0] =	ssyncadd.remote.s32 $0x1  }
0xbe: {  	_ =	sfence.sel $0xFFFF  }
0xbf: {  	[dreg:$0x0] =	wrdreg $0xFFFFFFFF;
	(pc) =	sbr.abs _section_cstart, $3  }
0xc0: {  	[dreg:$0x1] =	wrdreg $0xFFFFFFFF  }
0xc1: {  	_ =	task.clear_ibuf [dreg:s7], $0x2FFFF;
	_ =	strace $0x9FFFFFFF  }
0xc2: {  	(tm) =	ssettm $0x7FFFFFFF  }
0xc3: {  	_ =	shalt  }
tec
execute0_lowered:
.L_overlay_start_1:
0x0: {  	(tag) =	ssettag $0x1  }
0x1: {  	s0 =	rddreg [dreg:$0x0]  }
0x2: {  	s1 =	rddreg [dreg:$0x1];
	s2 =	simm.s32 $0x0;
	s3 =	srdreg.scid  }
0x3: {  	s6 =	stileid.u32;
	s12 =	simm.s32 $0xC800;
	s28 =	simm.s32 $0x9  }
0x4: {  	s30 =	simm.s32 $0x2;
	s31 =	simm.s32 $0x4;
	s13 =	simm.s32 $0x3  }
0x5: {  	s15 =	simm.s32 $0x5;
	[smem:$0x7FF] =	sst s2;
	s4 =	sadd.s32 $0x20A00, s0  }
0x6: {  	s5 =	sadd.s32 $0xA00, s0;
	s8 =	sshll.u32 s6, $0x1;
	s6 =	sadd.s32 $0x10A00, s0  }
0x7: {  	s3 =	sand.u32 $0x1, s3;
	s0 =	sadd.s32 $0x1A7400, s0;
	_ =	strace $0x80000047  }
0x8: {  	s7 =	ssub.s32 $0x2, s3;
	s3 =	sor.u32 s3, s8;
	[dreg:$0x3] =	wrdreg s0  }
0x9: {  	s9 =	sshrl.u32 s7, $0x1;
	s20 =	sshll.u32 s3, $0xB;
	s21 =	smul.u32 $0xC8000, s3  }
0xa: {  	s8 =	sshll.u32 s3, $0xE;
	s23 =	smul.u32 $0x19000, s3;
	s22 =	sadd.s32 s6, s20  }
0xb: {  	s14 =	sshll.u32 s3, $0x5;
	s10 =	sadd.s32 s5, s20;
	[dreg:$0x6] =	wrdreg s22  }
0xc: {  	s19 =	ssub.s32 s7, s9;
	s26 =	sor.u32 $0x1, s14;
	[dreg:$0x4] =	wrdreg s10  }
0xd: {  	s29 =	sor.u32 $0xA00, s8;
	s7 =	simm.s32 $0x7;
	[dreg:$0xa] =	wrdreg s26  }
0xe: {  	s11 =	sadd.s32 $0x40, s10;
	s10 =	sadd.s32 $0x80, s10;
	[dreg:$0xb] =	wrdreg s29  }
0xf: {  	s9 =	sshrl.u32 s21, $0x3;
	s24 =	sadd.s32 s1, s23;
	[dreg:$0x5] =	wrdreg s11  }
0x10: {  	s0 =	smax.u32 s19, $0x1;
	s23 =	simm.s32 $0x32;
	[dreg:$0x8] =	wrdreg s10  }
0x11: {  	s26 =	simm.s32 $0x1;
	s21 =	simm.s32 $0x12C00;
	[dreg:$0x9] =	wrdreg s24  }
0x12: {  	s11 =	sadd.s32 $0x10, s22;
	s25 =	sadd.s32 s1, s9;
	[dreg:$0xd] =	wrdreg s0  }
0x13: {  	s0 =	simm.s32 $0x80;
	s10 =	simm.s32 $0x8;
	s22 =	simm.s32 $0x19000  }
0x14: {  	s24 =	simm.s32 $0x19200;
	[dreg:$0x7] =	wrdreg s11;
	s3 =	sadd.s32 $0x18380, s25  }
0x15: {  	vm0 =	vmmov $0x3fff;
	s11 =	simm.s32 $0x0;
	[dreg:$0xc] =	wrdreg s3;
	s3 =	simm.s32 $0x400  }
.LBB2_1:
0x16: {  	[dreg:$0xe] =	wrdreg s11  }
0x17: {  	s9 =	rddreg [dreg:$0x3];
	s25 =	simm.s32 $0xA  }
0x18: {  	[tilespmem:s2], [sflag:$0xA] =	stream.linear.gather [hbm4b:s9+s2], $0x6400, $0x38;
	[tilespmem:$0x19C00] =	vst v63  }
0x19: {  	_ =	swait.ge [sflag:s25], $0x6400  }
0x1a: {  	[sflag:s25] =	ssyncset.done $0x0  }
0x1b: {  	s16 =	simm.s32 $0x19000;
	s29 =	rddreg [dreg:$0x4];
	[sflag:s25] =	ssyncadd.s32 $0xFFFF9C00  }
0x1c: {  	[tilespmem:s16], [sflag:$0xA] =	stream.linear.gather [hbm4b:s29+s2], $0x200, $0x38;
	[tilespmem:$0x19C00] =	vst v63  }
0x1d: {  	_ =	swait.ge [sflag:s25], $0x200  }
0x1e: {  	[sflag:s25] =	ssyncset.done $0x0  }
0x1f: {  	s11 =	simm.s32 $0x19200;
	s17 =	rddreg [dreg:$0x5];
	[sflag:s25] =	ssyncadd.s32 $0xFFFFFE00  }
0x20: {  	[tilespmem:s11], [sflag:$0x8] =	stream.linear.gather [hbm4b:s17+s2], $0x200, $0x38;
	[tilespmem:$0x19C00] =	vst v63  }
0x21: {  	s18 =	simm.s32 $0x6400  }
0x22: {  	[tilespmem:s18], [sflag:$0x1] =	stream.indirect.gather [hbm4b:s4+s23], $0x80, s16, s23, $0xb8;
	[tilespmem:$0x19C00] =	vst v63  }
0x23: {  	s19 =	simm.s32 $0x19080;
	s20 =	simm.s32 $0x7D00  }
0x24: {  	[tilespmem:s20], [sflag:$0x1] =	stream.indirect.gather [hbm4b:s4+s23], $0x80, s19, s23, $0xb8;
	[tilespmem:$0x19C00] =	vst v63  }
0x25: {  	s29 =	simm.s32 $0x9600;
	s25 =	simm.s32 $0x19100  }
0x26: {  	[tilespmem:s29], [sflag:$0x1] =	stream.indirect.gather [hbm4b:s4+s23], $0x80, s25, s23, $0xb8;
	[tilespmem:$0x19C00] =	vst v63  }
0x27: {  	s17 =	simm.s32 $0x19180;
	s18 =	simm.s32 $0xAF00  }
0x28: {  	[tilespmem:s18], [sflag:$0x1] =	stream.indirect.gather [hbm4b:s4+s23], $0x80, s17, s23, $0xb8;
	[tilespmem:$0x19C00] =	vst v63  }
0x29: {  	s19 =	rddreg [dreg:$0x6];
	s20 =	simm.s32 $0x19600  }
0x2a: {  	[tilespmem:s20], [sflag:$0x1] =	stream.strided.gather [hbm4b:s19+s0], $0x200, s3, s0, $0x38;
	[tilespmem:$0x19C00] =	vst v63  }
0x2b: {  	_ =	swait.ge [sflag:s10], $0x200  }
0x2c: {  	[sflag:s10] =	ssyncset.done $0x0  }
0x2d: {  	[sflag:s10] =	ssyncadd.s32 $0xFFFFFE00  }
0x2e: {  	[tilespmem:s12], [sflag:$0x2] =	stream.indirect.gather [hbm4b:s4+s23], $0x80, s11, s23, $0xb8;
	[tilespmem:$0x19C00] =	vst v63  }
0x2f: {  	s25 =	simm.s32 $0x19280;
	s29 =	simm.s32 $0xE100  }
0x30: {  	[tilespmem:s29], [sflag:$0x2] =	stream.indirect.gather [hbm4b:s4+s23], $0x80, s25, s23, $0xb8;
	[tilespmem:$0x19C00] =	vst v63  }
0x31: {  	s16 =	simm.s32 $0xFA00;
	s11 =	simm.s32 $0x19300  }
0x32: {  	[tilespmem:s16], [sflag:$0x2] =	stream.indirect.gather [hbm4b:s4+s23], $0x80, s11, s23, $0xb8;
	[tilespmem:$0x19C00] =	vst v63  }
0x33: {  	s17 =	simm.s32 $0x19380;
	s18 =	simm.s32 $0x11300  }
0x34: {  	[tilespmem:s18], [sflag:$0x2] =	stream.indirect.gather [hbm4b:s4+s23], $0x80, s17, s23, $0xb8;
	[tilespmem:$0x19C00] =	vst v63  }
0x35: {  	s20 =	simm.s32 $0x19800;
	s19 =	rddreg [dreg:$0x7]  }
0x36: {  	[tilespmem:s20], [sflag:$0x2] =	stream.strided.gather [hbm4b:s19+s0], $0x200, s3, s0, $0x38;
	[tilespmem:$0x19C00] =	vst v63  }
0x37: {  	s25 =	rddreg [dreg:$0x8];
	s29 =	simm.s32 $0x19400  }
0x38: {  	[tilespmem:s29], [sflag:$0x9] =	stream.linear.gather [hbm4b:s25+s2], $0x200, $0x38;
	[tilespmem:$0x19C00] =	vst v63  }
0x39: {  	_ =	swait.ge [sflag:s26], $0x1900  }
0x3a: {  	[sflag:s26] =	ssyncset.done $0x0  }
0x3b: {  	[sflag:s26] =	ssyncadd.s32 $0xFFFFE700  }
0x3c: {  	_ =	swait.ge [sflag:s26], $0x1900  }
0x3d: {  	[sflag:s26] =	ssyncset.done $0x0  }
0x3e: {  	[sflag:s26] =	ssyncadd.s32 $0xFFFFE700  }
0x3f: {  	_ =	swait.ge [sflag:s26], $0x1900  }
0x40: {  	[sflag:s26] =	ssyncset.done $0x0  }
0x41: {  	[sflag:s26] =	ssyncadd.s32 $0xFFFFE700  }
0x42: {  	_ =	swait.ge [sflag:s26], $0x1900  }
0x43: {  	[sflag:s26] =	ssyncset.done $0x0  }
0x44: {  	[sflag:s26] =	ssyncadd.s32 $0xFFFFE700  }
0x45: {  	_ =	swait.ge [sflag:s26], $0x200  }
0x46: {  	[sflag:s26] =	ssyncset.done $0x0  }
0x47: {  	s9 =	simm.s32 $0x0;
	[sflag:s26] =	ssyncadd.s32 $0xFFFFFE00  }
0x48: {  	v0 =	vld [tilespmem:s9+$0x10]  }
0x49: {  	v1 =	vld [tilespmem:s9+$0x20]  }
0x4a: {  	v4 =	vld [tilespmem:s9+$0x6410]  }
0x4b: {  	v5 =	vld [tilespmem:s9+$0x6420]  }
0x4c: {  	v2 =	vld [tilespmem:s9+$0x30]  }
0x4d: {  	v6 =	vld [tilespmem:s9+$0x6430]  }
0x4e: {  	v3 =	vld [tilespmem:s9+$0x40]  }
0x4f: {  	v8 =	vld [tilespmem:s9+$0x6440]  }
0x50: {  	v7 =	vld [tilespmem:s9+$0x50];
	v4 =	vmul.f32 $1.131370830e+01, v4;
	v5 =	vmul.f32 $1.131370830e+01, v5  }
0x51: {  	v9 =	vld [tilespmem:s9+$0x6450]  }
0x52: {  	v10 =	vld [tilespmem:s9+$0x6460];
	v0 =	vadd.f32 v0, v4;
	v1 =	vadd.f32 v1, v5;
	v4 =	vmul.f32 $1.131370830e+01, v6  }
0x53: {  	v11 =	vld [tilespmem:s9+$0x6400]  }
0x54: {  	v12 =	vld [tilespmem:s9+$0x60];
	[tilespmem:s9+$0x6420] =	vst v1;
	v1 =	vadd.f32 v2, v4;
	v4 =	vmul.f32 $1.131370830e+01, v8  }
0x55: {  	s11 =	simm.s32 $0x80;
	v5 =	vld [tilespmem:s9+$0x0];
	[tilespmem:s9+$0x6410] =	vst v0  }
0x56: {  	v2 =	vld [tilespmem:s11+$0x10];
	[tilespmem:s9+$0x6430] =	vst v1;
	v1 =	vmul.f32 $1.131370830e+01, v9;
	v6 =	vadd.f32 v3, v4  }
0x57: {  	v8 =	vmul.f32 $1.131370830e+01, v10;
	v4 =	vld [tilespmem:s11+$0x20]  }
0x58: {  	v3 =	vld [tilespmem:s11+$0x30];
	v7 =	vadd.f32 v7, v1;
	[tilespmem:s9+$0x6440] =	vst v6;
	v6 =	vmul.f32 $1.131370830e+01, v11  }
0x59: {  	v0 =	vld [tilespmem:s9+$0x70];
	v8 =	vadd.f32 v12, v8  }
0x5a: {  	v1 =	vld [tilespmem:s11+$0x40];
	[tilespmem:s9+$0x6450] =	vst v7;
	v5 =	vadd.f32 v5, v6  }
0x5b: {  	v10 =	vld [tilespmem:s11+$0x6410];
	[tilespmem:s9+$0x6460] =	vst v8  }
0x5c: {  	s16 =	simm.s32 $0x19602;
	v6 =	vld [tilespmem:s11+$0x6420];
	[tilespmem:s9+$0x6400] =	vst v5  }
0x5d: {  	v11 =	vld [tilespmem:s16+$0x0]  }
0x5e: {  	v12 =	vld [tilespmem:s9+$0x6470]  }
0x5f: {  	v9 =	vld [tilespmem:s11+$0x6430]  }
0x60: {  	v5 =	vld [tilespmem:s11+$0x50]  }
0x61: {  	v8 =	vld [tilespmem:s11+$0x6440]  }
0x62: {  	v7 =	vld [tilespmem:s11+$0x6450];
	v13 =	vsel vm0, $0x0, v11;
	v11 =	vmul.f32 $1.131370830e+01, v10  }
0x63: {  	s17 =	simm.s32 $0x400;
	v10 =	vmul.f32 $1.131370830e+01, v6;
	v6 =	vld [tilespmem:s11+$0x6460];
	v12 =	vadd.f32 v13, v12  }
.LBB2_2:
0x64: {  	p0 =	sne.s32 s17, $0x18E00;
	v13 =	vld [tilespmem:s11+$0x6400];
	v2 =	vadd.f32 v2, v11;
	v9 =	vmul.f32 $1.131370830e+01, v9  }
0x65: {  	v4 =	vadd.f32 v4, v10;
	v10 =	vld [tilespmem:s11+$0x60];
	v11 =	vmul.f32 $1.131370830e+01, v12  }
0x66: {  	v12 =	vld [tilespmem:s11+$0x0];
	[tilespmem:s11+$0x6410] =	vst v2;
	v3 =	vadd.f32 v3, v9;
	v8 =	vmul.f32 $1.131370830e+01, v8  }
0x67: {  	s18 =	sshra.s32 s17, $0x2;
	[tilespmem:s11+$0x6420] =	vst v4;
	v7 =	vmul.f32 $1.131370830e+01, v7;
	v9 =	vadd.f32 v11, v0;
	v0 =	vld [tilespmem:s11+$0x70]  }
0x68: {  	v2 =	vld [tilespmem:s18+$0x10];
	[tilespmem:s11+$0x6430] =	vst v3;
	v1 =	vadd.f32 v1, v8;
	v6 =	vmul.f32 $1.131370830e+01, v6  }
0x69: {  	v4 =	vld [tilespmem:s18+$0x20];
	v8 =	vmul.f32 $1.131370830e+01, v13;
	v5 =	vadd.f32 v5, v7;
	[tilespmem:s9+$0x6470] =	vst v9;
	s9 =	smov.u32 s11;
	s11 =	smov.u32 s18  }
0x6a: {  	v3 =	vld [tilespmem:s11+$0x30];
	[tilespmem:s9+$0x6440] =	vst v1;
	v6 =	vadd.f32 v10, v6  }
0x6b: {  	v1 =	vld [tilespmem:s11+$0x40];
	v7 =	vadd.f32 v12, v8;
	[tilespmem:s9+$0x6450] =	vst v5  }
0x6c: {  	v10 =	vld [tilespmem:s11+$0x6410];
	[tilespmem:s9+$0x6460] =	vst v6  }
0x6d: {  	s16 =	sadd.s32 $0x2, s16;
	v6 =	vld [tilespmem:s11+$0x6420];
	[tilespmem:s9+$0x6400] =	vst v7  }
0x6e: {  	v12 =	vld [tilespmem:s16+$0x0]  }
0x6f: {  	v13 =	vld [tilespmem:s9+$0x6470]  }
.Ltmp0:
0x70: {  	v9 =	vld [tilespmem:s11+$0x6430];
	(pc) =	sbr.rel @p0 .LBB2_2-.Ltmp0, $4  }
0x71: {  	v5 =	vld [tilespmem:s11+$0x50]  }
0x72: {  	v8 =	vld [tilespmem:s11+$0x6440]  }
0x73: {  	v11 =	vmul.f32 $1.131370830e+01, v10;
	v7 =	vld [tilespmem:s11+$0x6450];
	v12 =	vsel vm0, $0x0, v12  }
0x74: {  	s17 =	sadd.s32 $0x200, s17;
	v10 =	vmul.f32 $1.131370830e+01, v6;
	v6 =	vld [tilespmem:s11+$0x6460];
	v12 =	vadd.f32 v12, v13  }
0x75: {  	v13 =	vld [tilespmem:s11+$0x6400];
	v2 =	vadd.f32 v2, v11;
	v9 =	vmul.f32 $1.131370830e+01, v9  }
0x76: {  	v53 =	vld [tilespmem:s11+$0x60];
	v4 =	vadd.f32 v4, v10;
	v12 =	vmul.f32 $1.131370830e+01, v12  }
0x77: {  	v54 =	vld [tilespmem:s11+$0x0];
	[tilespmem:s11+$0x6410] =	vst v2;
	v55 =	vadd.f32 v3, v9;
	v56 =	vmul.f32 $1.131370830e+01, v8  }
0x78: {  	[tilespmem:s11+$0x6420] =	vst v4;
	v57 =	vmul.f32 $1.131370830e+01, v7;
	v0 =	vadd.f32 v12, v0  }
0x79: {  	[tilespmem:s11+$0x6430] =	vst v55;
	v1 =	vadd.f32 v1, v56;
	v59 =	vmul.f32 $1.131370830e+01, v6  }
0x7a: {  	v58 =	vld [tilespmem:s11+$0x70];
	v60 =	vmul.f32 $1.131370830e+01, v13;
	v4 =	vadd.f32 v5, v57;
	[tilespmem:s9+$0x6470] =	vst v0  }
0x7b: {  	[tilespmem:s11+$0x6440] =	vst v1;
	v61 =	vadd.f32 v53, v59  }
0x7c: {  	v62 =	vadd.f32 v54, v60;
	[tilespmem:s11+$0x6450] =	vst v4  }
0x7d: {  	[tilespmem:s11+$0x6460] =	vst v61  }
0x7e: {  	s19 =	sadd.s32 $0x2, s16;
	[tilespmem:s11+$0x6400] =	vst v62  }
0x7f: {  	v0 =	vld [tilespmem:s19+$0x0]  }
0x80: {  	v63 =	vld [tilespmem:s11+$0x6470];
	_ =	sdelay $0x3  }
0x81: {  	v0 =	vsel vm0, $0x0, v0  }
0x82: {  	v0 =	vadd.f32 v0, v63;
	_ =	sdelay $0x1  }
0x83: {  	v0 =	vmul.f32 $1.131370830e+01, v0;
	_ =	sdelay $0x1  }
0x84: {  	v0 =	vadd.f32 v0, v58  }
0x85: {  	s20 =	simm.s32 $0x0  }
0x86: {  	s25 =	rddreg [dreg:$0x9];
	s29 =	simm.s32 $0x6400;
	s19 =	simm.s32 $0x0;
	[tilespmem:s11+$0x6470] =	vst v0  }
0x87: {  	[hbm4b:s25+s20] =	stream.linear.scatter [tilespmem:s29], [sflag:$0x4], $0x6400, $0x38;
	[tilespmem:$0x19C00] =	vst v63  }
.LBB2_4:
0x88: {  	p0 =	seq.s32 s19, $0x0  }
0x89: {  	s9 =	simm.s32 @!p0 $0x6  }
0x8a: {  	_ =	swait.ge @!p0 [sflag:s9], $0x6400  }
0x8b: {  	[sflag:s9] =	ssyncset.done @!p0 $0x0  }
0x8c: {  	[sflag:s9] =	ssyncadd.s32 @!p0 $0xFFFF9C00  }
0x8d: {  	_ =	swait.ge [sflag:s28], $0x200  }
0x8e: {  	[sflag:s28] =	ssyncset.done $0x0  }
0x8f: {  	s16 =	simm.s32 $0x19400;
	[sflag:s28] =	ssyncadd.s32 $0xFFFFFE00  }
0x90: {  	[tilespmem:s21], [sflag:$0x3] =	stream.indirect.gather [hbm4b:s4+s23], $0x80, s16, s23, $0xb8;
	[tilespmem:$0x19C00] =	vst v63  }
0x91: {  	s17 =	simm.s32 $0x19480;
	s11 =	simm.s32 $0x14500  }
0x92: {  	[tilespmem:s11], [sflag:$0x3] =	stream.indirect.gather [hbm4b:s4+s23], $0x80, s17, s23, $0xb8;
	[tilespmem:$0x19C00] =	vst v63  }
0x93: {  	s20 =	smul.u32 $0x3, s19;
	s18 =	simm.s32 $0x19500;
	s21 =	simm.s32 $0x15E00  }
0x94: {  	[tilespmem:s21], [sflag:$0x3] =	stream.indirect.gather [hbm4b:s4+s23], $0x80, s18, s23, $0xb8;
	[tilespmem:$0x19C00] =	vst v63  }
0x95: {  	s25 =	simm.s32 $0x19580;
	s9 =	sadd.s32 $0x2, s20;
	s16 =	simm.s32 $0x17700  }
0x96: {  	[tilespmem:s16], [sflag:$0x3] =	stream.indirect.gather [hbm4b:s4+s23], $0x80, s25, s23, $0xb8;
	[tilespmem:$0x19C00] =	vst v63  }
0x97: {  	s16 =	sshll.u32 s9, $0x9  }
0x98: {  	s17 =	sshll.u32 s9, $0x7;
	s11 =	sand.u32 $0xF000, s16  }
0x99: {  	s16 =	sand.u32 $0x380, s17;
	s11 =	sadd.s32 s8, s11  }
0x9a: {  	s11 =	sor.u32 s16, s11  }
0x9b: {  	s11 =	sshrl.u32 s11, $0x3  }
0x9c: {  	s18 =	simm.s32 $0x19A00;
	s11 =	sadd.s32 s6, s11  }
0x9d: {  	[tilespmem:s18], [sflag:$0x3] =	stream.strided.gather [hbm4b:s11+s0], $0x200, s3, s0, $0x38;
	[tilespmem:$0x19C00] =	vst v63  }
0x9e: {  	s11 =	sadd.s32 $0x3, s20  }
0x9f: {  	s25 =	sshll.u32 s11, $0x9  }
0xa0: {  	s21 =	sadd.s32 s8, s25  }
0xa1: {  	s16 =	sshrl.u32 s21, $0x3  }
0xa2: {  	s17 =	simm.s32 $0x0;
	s16 =	sadd.s32 s5, s16  }
0xa3: {  	[tilespmem:s22], [sflag:$0x7] =	stream.linear.gather [hbm4b:s16+s17], $0x200, $0x38;
	[tilespmem:$0x19C00] =	vst v63  }
0xa4: {  	_ =	swait.ge [sflag:s30], $0x1900  }
0xa5: {  	[sflag:s30] =	ssyncset.done $0x0  }
0xa6: {  	[sflag:s30] =	ssyncadd.s32 $0xFFFFE700  }
0xa7: {  	_ =	swait.ge [sflag:s30], $0x1900  }
0xa8: {  	[sflag:s30] =	ssyncset.done $0x0  }
0xa9: {  	[sflag:s30] =	ssyncadd.s32 $0xFFFFE700  }
0xaa: {  	_ =	swait.ge [sflag:s30], $0x1900  }
0xab: {  	[sflag:s30] =	ssyncset.done $0x0  }
0xac: {  	[sflag:s30] =	ssyncadd.s32 $0xFFFFE700  }
0xad: {  	_ =	swait.ge [sflag:s30], $0x1900  }
0xae: {  	[sflag:s30] =	ssyncset.done $0x0  }
0xaf: {  	[sflag:s30] =	ssyncadd.s32 $0xFFFFE700  }
0xb0: {  	_ =	swait.ge [sflag:s30], $0x200  }
0xb1: {  	[sflag:s30] =	ssyncset.done $0x0  }
0xb2: {  	s18 =	simm.s32 $0x0;
	[sflag:s30] =	ssyncadd.s32 $0xFFFFFE00  }
0xb3: {  	v0 =	vld [tilespmem:s18+$0x10]  }
0xb4: {  	v1 =	vld [tilespmem:s18+$0x20]  }
0xb5: {  	v4 =	vld [tilespmem:s18+$0xC810]  }
0xb6: {  	v5 =	vld [tilespmem:s18+$0xC820]  }
0xb7: {  	v2 =	vld [tilespmem:s18+$0x30]  }
0xb8: {  	v6 =	vld [tilespmem:s18+$0xC830]  }
0xb9: {  	v3 =	vld [tilespmem:s18+$0x40]  }
0xba: {  	v8 =	vld [tilespmem:s18+$0xC840]  }
0xbb: {  	v7 =	vld [tilespmem:s18+$0x50];
	v4 =	vmul.f32 $1.131370830e+01, v4;
	v5 =	vmul.f32 $1.131370830e+01, v5  }
0xbc: {  	v9 =	vld [tilespmem:s18+$0xC850]  }
0xbd: {  	v10 =	vld [tilespmem:s18+$0xC860];
	v0 =	vadd.f32 v0, v4;
	v1 =	vadd.f32 v1, v5;
	v4 =	vmul.f32 $1.131370830e+01, v6  }
0xbe: {  	v11 =	vld [tilespmem:s18+$0xC800]  }
0xbf: {  	v12 =	vld [tilespmem:s18+$0x60];
	[tilespmem:s18+$0xC820] =	vst v1;
	v1 =	vadd.f32 v2, v4;
	v4 =	vmul.f32 $1.131370830e+01, v8  }
0xc0: {  	s16 =	simm.s32 $0x80;
	v5 =	vld [tilespmem:s18+$0x0];
	[tilespmem:s18+$0xC810] =	vst v0  }
0xc1: {  	v2 =	vld [tilespmem:s16+$0x10];
	[tilespmem:s18+$0xC830] =	vst v1;
	v1 =	vmul.f32 $1.131370830e+01, v9;
	v6 =	vadd.f32 v3, v4  }
0xc2: {  	v8 =	vmul.f32 $1.131370830e+01, v10;
	v4 =	vld [tilespmem:s16+$0x20]  }
0xc3: {  	v3 =	vld [tilespmem:s16+$0x30];
	v7 =	vadd.f32 v7, v1;
	[tilespmem:s18+$0xC840] =	vst v6;
	v6 =	vmul.f32 $1.131370830e+01, v11  }
0xc4: {  	v0 =	vld [tilespmem:s18+$0x70];
	v8 =	vadd.f32 v12, v8  }
0xc5: {  	v1 =	vld [tilespmem:s16+$0x40];
	[tilespmem:s18+$0xC850] =	vst v7;
	v5 =	vadd.f32 v5, v6  }
0xc6: {  	v10 =	vld [tilespmem:s16+$0xC810];
	[tilespmem:s18+$0xC860] =	vst v8  }
0xc7: {  	s17 =	simm.s32 $0x19802;
	v6 =	vld [tilespmem:s16+$0xC820];
	[tilespmem:s18+$0xC800] =	vst v5  }
0xc8: {  	v11 =	vld [tilespmem:s17+$0x0]  }
0xc9: {  	v12 =	vld [tilespmem:s18+$0xC870]  }
0xca: {  	v9 =	vld [tilespmem:s16+$0xC830]  }
0xcb: {  	v5 =	vld [tilespmem:s16+$0x50]  }
0xcc: {  	v8 =	vld [tilespmem:s16+$0xC840]  }
0xcd: {  	v7 =	vld [tilespmem:s16+$0xC850];
	v13 =	vsel vm0, $0x0, v11;
	v11 =	vmul.f32 $1.131370830e+01, v10  }
0xce: {  	s29 =	simm.s32 $0x400;
	v10 =	vmul.f32 $1.131370830e+01, v6;
	v6 =	vld [tilespmem:s16+$0xC860];
	v12 =	vadd.f32 v13, v12  }
.LBB2_5:
0xcf: {  	p0 =	sne.s32 s29, $0x18E00;
	v13 =	vld [tilespmem:s16+$0xC800];
	v2 =	vadd.f32 v2, v11;
	v9 =	vmul.f32 $1.131370830e+01, v9  }
0xd0: {  	v4 =	vadd.f32 v4, v10;
	v10 =	vld [tilespmem:s16+$0x60];
	v11 =	vmul.f32 $1.131370830e+01, v12  }
0xd1: {  	v12 =	vld [tilespmem:s16+$0x0];
	[tilespmem:s16+$0xC810] =	vst v2;
	v3 =	vadd.f32 v3, v9;
	v8 =	vmul.f32 $1.131370830e+01, v8  }
0xd2: {  	s21 =	sshra.s32 s29, $0x2;
	[tilespmem:s16+$0xC820] =	vst v4;
	v7 =	vmul.f32 $1.131370830e+01, v7;
	v9 =	vadd.f32 v11, v0;
	v0 =	vld [tilespmem:s16+$0x70]  }
0xd3: {  	v2 =	vld [tilespmem:s21+$0x10];
	[tilespmem:s16+$0xC830] =	vst v3;
	v1 =	vadd.f32 v1, v8;
	v6 =	vmul.f32 $1.131370830e+01, v6  }
0xd4: {  	v4 =	vld [tilespmem:s21+$0x20];
	v8 =	vmul.f32 $1.131370830e+01, v13;
	v5 =	vadd.f32 v5, v7;
	[tilespmem:s18+$0xC870] =	vst v9;
	s18 =	smov.u32 s16;
	s16 =	smov.u32 s21  }
0xd5: {  	v3 =	vld [tilespmem:s16+$0x30];
	[tilespmem:s18+$0xC840] =	vst v1;
	v6 =	vadd.f32 v10, v6  }
0xd6: {  	v1 =	vld [tilespmem:s16+$0x40];
	v7 =	vadd.f32 v12, v8;
	[tilespmem:s18+$0xC850] =	vst v5  }
0xd7: {  	v10 =	vld [tilespmem:s16+$0xC810];
	[tilespmem:s18+$0xC860] =	vst v6  }
0xd8: {  	s17 =	sadd.s32 $0x2, s17;
	v6 =	vld [tilespmem:s16+$0xC820];
	[tilespmem:s18+$0xC800] =	vst v7  }
0xd9: {  	v12 =	vld [tilespmem:s17+$0x0]  }
0xda: {  	v13 =	vld [tilespmem:s18+$0xC870]  }
.Ltmp1:
0xdb: {  	v9 =	vld [tilespmem:s16+$0xC830];
	(pc) =	sbr.rel @p0 .LBB2_5-.Ltmp1, $4  }
0xdc: {  	v5 =	vld [tilespmem:s16+$0x50]  }
0xdd: {  	v8 =	vld [tilespmem:s16+$0xC840]  }
0xde: {  	v11 =	vmul.f32 $1.131370830e+01, v10;
	v7 =	vld [tilespmem:s16+$0xC850];
	v12 =	vsel vm0, $0x0, v12  }
0xdf: {  	s29 =	sadd.s32 $0x200, s29;
	v10 =	vmul.f32 $1.131370830e+01, v6;
	v6 =	vld [tilespmem:s16+$0xC860];
	v12 =	vadd.f32 v12, v13  }
0xe0: {  	v13 =	vld [tilespmem:s16+$0xC800];
	v2 =	vadd.f32 v2, v11;
	v9 =	vmul.f32 $1.131370830e+01, v9  }
0xe1: {  	v11 =	vld [tilespmem:s16+$0x60];
	v4 =	vadd.f32 v4, v10;
	v12 =	vmul.f32 $1.131370830e+01, v12  }
0xe2: {  	v10 =	vld [tilespmem:s16+$0x0];
	[tilespmem:s16+$0xC810] =	vst v2;
	v2 =	vadd.f32 v3, v9;
	v3 =	vmul.f32 $1.131370830e+01, v8  }
0xe3: {  	[tilespmem:s16+$0xC820] =	vst v4;
	v4 =	vmul.f32 $1.131370830e+01, v7;
	v0 =	vadd.f32 v12, v0  }
0xe4: {  	[tilespmem:s16+$0xC830] =	vst v2;
	v1 =	vadd.f32 v1, v3;
	v2 =	vmul.f32 $1.131370830e+01, v6  }
0xe5: {  	v7 =	vld [tilespmem:s16+$0x70];
	v3 =	vmul.f32 $1.131370830e+01, v13;
	v4 =	vadd.f32 v5, v4;
	[tilespmem:s18+$0xC870] =	vst v0  }
0xe6: {  	[tilespmem:s16+$0xC840] =	vst v1;
	v0 =	vadd.f32 v11, v2  }
0xe7: {  	v1 =	vadd.f32 v10, v3;
	[tilespmem:s16+$0xC850] =	vst v4  }
0xe8: {  	[tilespmem:s16+$0xC860] =	vst v0  }
0xe9: {  	s17 =	sadd.s32 $0x2, s17;
	[tilespmem:s16+$0xC800] =	vst v1  }
0xea: {  	v0 =	vld [tilespmem:s17+$0x0]  }
0xeb: {  	v1 =	vld [tilespmem:s16+$0xC870];
	_ =	sdelay $0x3  }
0xec: {  	v0 =	vsel vm0, $0x0, v0  }
0xed: {  	v0 =	vadd.f32 v0, v1;
	_ =	sdelay $0x1  }
0xee: {  	s21 =	rddreg [dreg:$0xa];
	v0 =	vmul.f32 $1.131370830e+01, v0  }
0xef: {  	s17 =	sadd.s32 s20, s21  }
0xf0: {  	s17 =	smul.u32 $0xC80, s17;
	v0 =	vadd.f32 v0, v7;
	_ =	sdelay $0x1  }
0xf1: {  	s18 =	sadd.s32 s1, s17;
	s17 =	simm.s32 $0x0;
	[tilespmem:s16+$0xC870] =	vst v0  }
0xf2: {  	[hbm4b:s18+s17] =	stream.linear.scatter [tilespmem:s12], [sflag:$0x5], $0x6400, $0x38;
	[tilespmem:$0x19C00] =	vst v63  }
0xf3: {  	_ =	swait.ge [sflag:s31], $0x6400  }
0xf4: {  	[sflag:s31] =	ssyncset.done $0x0  }
0xf5: {  	[sflag:s31] =	ssyncadd.s32 $0xFFFF9C00  }
0xf6: {  	_ =	swait.ge [sflag:s7], $0x200  }
0xf7: {  	[sflag:s7] =	ssyncset.done $0x0  }
0xf8: {  	s21 =	simm.s32 $0x6400;
	[sflag:s7] =	ssyncadd.s32 $0xFFFFFE00  }
0xf9: {  	[tilespmem:s21], [sflag:$0x1] =	stream.indirect.gather [hbm4b:s4+s23], $0x80, s22, s23, $0xb8;
	[tilespmem:$0x19C00] =	vst v63  }
0xfa: {  	s18 =	simm.s32 $0x19080;
	s21 =	simm.s32 $0x7D00  }
0xfb: {  	[tilespmem:s21], [sflag:$0x1] =	stream.indirect.gather [hbm4b:s4+s23], $0x80, s18, s23, $0xb8;
	[tilespmem:$0x19C00] =	vst v63  }
0xfc: {  	s18 =	simm.s32 $0x19100;
	s21 =	simm.s32 $0x9600  }
0xfd: {  	[tilespmem:s21], [sflag:$0x1] =	stream.indirect.gather [hbm4b:s4+s23], $0x80, s18, s23, $0xb8;
	[tilespmem:$0x19C00] =	vst v63  }
0xfe: {  	s18 =	simm.s32 $0x19180;
	s21 =	simm.s32 $0xAF00  }
0xff: {  	[tilespmem:s21], [sflag:$0x1] =	stream.indirect.gather [hbm4b:s4+s23], $0x80, s18, s23, $0xb8;
	[tilespmem:$0x19C00] =	vst v63  }
0x100: {  	s18 =	sand.u32 $0xF000, s25;
	s21 =	sshll.u32 s11, $0x7  }
0x101: {  	s16 =	sadd.s32 s8, s18;
	s18 =	sand.u32 $0x380, s21  }
0x102: {  	s16 =	sor.u32 s18, s16  }
0x103: {  	s16 =	sshrl.u32 s16, $0x3  }
0x104: {  	s20 =	sadd.s32 $0x4, s20;
	s25 =	simm.s32 $0x19600;
	s16 =	sadd.s32 s6, s16  }
0x105: {  	[tilespmem:s25], [sflag:$0x1] =	stream.strided.gather [hbm4b:s16+s0], $0x200, s3, s0, $0x38;
	[tilespmem:$0x19C00] =	vst v63  }
0x106: {  	s25 =	sshll.u32 s20, $0x9  }
0x107: {  	s21 =	sadd.s32 s8, s25  }
0x108: {  	s16 =	sshrl.u32 s21, $0x3  }
0x109: {  	s16 =	sadd.s32 s5, s16  }
0x10a: {  	[tilespmem:s24], [sflag:$0x8] =	stream.linear.gather [hbm4b:s16+s17], $0x200, $0x38;
	[tilespmem:$0x19C00] =	vst v63  }
0x10b: {  	_ =	swait.ge [sflag:s13], $0x1900  }
0x10c: {  	[sflag:s13] =	ssyncset.done $0x0  }
0x10d: {  	[sflag:s13] =	ssyncadd.s32 $0xFFFFE700  }
0x10e: {  	_ =	swait.ge [sflag:s13], $0x1900  }
0x10f: {  	[sflag:s13] =	ssyncset.done $0x0  }
0x110: {  	[sflag:s13] =	ssyncadd.s32 $0xFFFFE700  }
0x111: {  	_ =	swait.ge [sflag:s13], $0x1900  }
0x112: {  	[sflag:s13] =	ssyncset.done $0x0  }
0x113: {  	[sflag:s13] =	ssyncadd.s32 $0xFFFFE700  }
0x114: {  	_ =	swait.ge [sflag:s13], $0x1900  }
0x115: {  	[sflag:s13] =	ssyncset.done $0x0  }
0x116: {  	[sflag:s13] =	ssyncadd.s32 $0xFFFFE700  }
0x117: {  	_ =	swait.ge [sflag:s13], $0x200  }
0x118: {  	[sflag:s13] =	ssyncset.done $0x0  }
0x119: {  	s18 =	simm.s32 $0x0;
	[sflag:s13] =	ssyncadd.s32 $0xFFFFFE00  }
0x11a: {  	v0 =	vld [tilespmem:s18+$0x10]  }
0x11b: {  	v1 =	vld [tilespmem:s18+$0x20]  }
0x11c: {  	v4 =	vld [tilespmem:s18+$0x12C10]  }
0x11d: {  	v5 =	vld [tilespmem:s18+$0x12C20]  }
0x11e: {  	v2 =	vld [tilespmem:s18+$0x30]  }
0x11f: {  	v6 =	vld [tilespmem:s18+$0x12C30]  }
0x120: {  	v3 =	vld [tilespmem:s18+$0x40]  }
0x121: {  	v8 =	vld [tilespmem:s18+$0x12C40]  }
0x122: {  	v7 =	vld [tilespmem:s18+$0x50];
	v4 =	vmul.f32 $1.131370830e+01, v4;
	v5 =	vmul.f32 $1.131370830e+01, v5  }
0x123: {  	v9 =	vld [tilespmem:s18+$0x12C50]  }
0x124: {  	v10 =	vld [tilespmem:s18+$0x12C60];
	v0 =	vadd.f32 v0, v4;
	v1 =	vadd.f32 v1, v5;
	v4 =	vmul.f32 $1.131370830e+01, v6  }
0x125: {  	v11 =	vld [tilespmem:s18+$0x12C00]  }
0x126: {  	v12 =	vld [tilespmem:s18+$0x60];
	[tilespmem:s18+$0x12C20] =	vst v1;
	v1 =	vadd.f32 v2, v4;
	v4 =	vmul.f32 $1.131370830e+01, v8  }
0x127: {  	s16 =	simm.s32 $0x80;
	v5 =	vld [tilespmem:s18+$0x0];
	[tilespmem:s18+$0x12C10] =	vst v0  }
0x128: {  	v2 =	vld [tilespmem:s16+$0x10];
	[tilespmem:s18+$0x12C30] =	vst v1;
	v1 =	vmul.f32 $1.131370830e+01, v9;
	v6 =	vadd.f32 v3, v4  }
0x129: {  	v8 =	vmul.f32 $1.131370830e+01, v10;
	v4 =	vld [tilespmem:s16+$0x20]  }
0x12a: {  	v3 =	vld [tilespmem:s16+$0x30];
	v7 =	vadd.f32 v7, v1;
	[tilespmem:s18+$0x12C40] =	vst v6;
	v6 =	vmul.f32 $1.131370830e+01, v11  }
0x12b: {  	v0 =	vld [tilespmem:s18+$0x70];
	v8 =	vadd.f32 v12, v8  }
0x12c: {  	v1 =	vld [tilespmem:s16+$0x40];
	[tilespmem:s18+$0x12C50] =	vst v7;
	v5 =	vadd.f32 v5, v6  }
0x12d: {  	v10 =	vld [tilespmem:s16+$0x12C10];
	[tilespmem:s18+$0x12C60] =	vst v8  }
0x12e: {  	s17 =	simm.s32 $0x19A02;
	v6 =	vld [tilespmem:s16+$0x12C20];
	[tilespmem:s18+$0x12C00] =	vst v5  }
0x12f: {  	v11 =	vld [tilespmem:s17+$0x0]  }
0x130: {  	v12 =	vld [tilespmem:s18+$0x12C70]  }
0x131: {  	v9 =	vld [tilespmem:s16+$0x12C30]  }
0x132: {  	v5 =	vld [tilespmem:s16+$0x50]  }
0x133: {  	v8 =	vld [tilespmem:s16+$0x12C40]  }
0x134: {  	v7 =	vld [tilespmem:s16+$0x12C50];
	v13 =	vsel vm0, $0x0, v11;
	v11 =	vmul.f32 $1.131370830e+01, v10  }
0x135: {  	s29 =	simm.s32 $0x400;
	v10 =	vmul.f32 $1.131370830e+01, v6;
	v6 =	vld [tilespmem:s16+$0x12C60];
	v12 =	vadd.f32 v13, v12  }
.LBB2_7:
0x136: {  	p0 =	sne.s32 s29, $0x18E00;
	v13 =	vld [tilespmem:s16+$0x12C00];
	v2 =	vadd.f32 v2, v11;
	v9 =	vmul.f32 $1.131370830e+01, v9  }
0x137: {  	v4 =	vadd.f32 v4, v10;
	v10 =	vld [tilespmem:s16+$0x60];
	v11 =	vmul.f32 $1.131370830e+01, v12  }
0x138: {  	v12 =	vld [tilespmem:s16+$0x0];
	[tilespmem:s16+$0x12C10] =	vst v2;
	v3 =	vadd.f32 v3, v9;
	v8 =	vmul.f32 $1.131370830e+01, v8  }
0x139: {  	s21 =	sshra.s32 s29, $0x2;
	[tilespmem:s16+$0x12C20] =	vst v4;
	v7 =	vmul.f32 $1.131370830e+01, v7;
	v9 =	vadd.f32 v11, v0;
	v0 =	vld [tilespmem:s16+$0x70]  }
0x13a: {  	v2 =	vld [tilespmem:s21+$0x10];
	[tilespmem:s16+$0x12C30] =	vst v3;
	v1 =	vadd.f32 v1, v8;
	v6 =	vmul.f32 $1.131370830e+01, v6  }
0x13b: {  	v4 =	vld [tilespmem:s21+$0x20];
	v8 =	vmul.f32 $1.131370830e+01, v13;
	v5 =	vadd.f32 v5, v7;
	[tilespmem:s18+$0x12C70] =	vst v9;
	s18 =	smov.u32 s16;
	s16 =	smov.u32 s21  }
0x13c: {  	v3 =	vld [tilespmem:s16+$0x30];
	[tilespmem:s18+$0x12C40] =	vst v1;
	v6 =	vadd.f32 v10, v6  }
0x13d: {  	v1 =	vld [tilespmem:s16+$0x40];
	v7 =	vadd.f32 v12, v8;
	[tilespmem:s18+$0x12C50] =	vst v5  }
0x13e: {  	v10 =	vld [tilespmem:s16+$0x12C10];
	[tilespmem:s18+$0x12C60] =	vst v6  }
0x13f: {  	s17 =	sadd.s32 $0x2, s17;
	v6 =	vld [tilespmem:s16+$0x12C20];
	[tilespmem:s18+$0x12C00] =	vst v7  }
0x140: {  	v12 =	vld [tilespmem:s17+$0x0]  }
0x141: {  	v13 =	vld [tilespmem:s18+$0x12C70]  }
.Ltmp2:
0x142: {  	v9 =	vld [tilespmem:s16+$0x12C30];
	(pc) =	sbr.rel @p0 .LBB2_7-.Ltmp2, $4  }
0x143: {  	v5 =	vld [tilespmem:s16+$0x50]  }
0x144: {  	v8 =	vld [tilespmem:s16+$0x12C40]  }
0x145: {  	v11 =	vmul.f32 $1.131370830e+01, v10;
	v7 =	vld [tilespmem:s16+$0x12C50];
	v12 =	vsel vm0, $0x0, v12  }
0x146: {  	s29 =	sadd.s32 $0x200, s29;
	v10 =	vmul.f32 $1.131370830e+01, v6;
	v6 =	vld [tilespmem:s16+$0x12C60];
	v12 =	vadd.f32 v12, v13  }
0x147: {  	v13 =	vld [tilespmem:s16+$0x12C00];
	v2 =	vadd.f32 v2, v11;
	v9 =	vmul.f32 $1.131370830e+01, v9  }
0x148: {  	v11 =	vld [tilespmem:s16+$0x60];
	v4 =	vadd.f32 v4, v10;
	v12 =	vmul.f32 $1.131370830e+01, v12  }
0x149: {  	v10 =	vld [tilespmem:s16+$0x0];
	[tilespmem:s16+$0x12C10] =	vst v2;
	v2 =	vadd.f32 v3, v9;
	v3 =	vmul.f32 $1.131370830e+01, v8  }
0x14a: {  	[tilespmem:s16+$0x12C20] =	vst v4;
	v4 =	vmul.f32 $1.131370830e+01, v7;
	v0 =	vadd.f32 v12, v0  }
0x14b: {  	[tilespmem:s16+$0x12C30] =	vst v2;
	v1 =	vadd.f32 v1, v3;
	v2 =	vmul.f32 $1.131370830e+01, v6  }
0x14c: {  	v7 =	vld [tilespmem:s16+$0x70];
	[tilespmem:s18+$0x12C70] =	vst v0;
	v0 =	vmul.f32 $1.131370830e+01, v13;
	v3 =	vadd.f32 v5, v4  }
0x14d: {  	[tilespmem:s16+$0x12C40] =	vst v1;
	v1 =	vadd.f32 v11, v2  }
0x14e: {  	v0 =	vadd.f32 v10, v0;
	[tilespmem:s16+$0x12C50] =	vst v3  }
0x14f: {  	[tilespmem:s16+$0x12C60] =	vst v1  }
0x150: {  	s17 =	sadd.s32 $0x2, s17;
	[tilespmem:s16+$0x12C00] =	vst v0  }
0x151: {  	v0 =	vld [tilespmem:s17+$0x0]  }
0x152: {  	v1 =	vld [tilespmem:s16+$0x12C70];
	_ =	sdelay $0x3  }
0x153: {  	v0 =	vsel vm0, $0x0, v0  }
0x154: {  	v0 =	vadd.f32 v0, v1;
	_ =	sdelay $0x1  }
0x155: {  	v0 =	vmul.f32 $1.131370830e+01, v0  }
0x156: {  	s9 =	sadd.s32 s14, s9  }
0x157: {  	s9 =	smul.u32 $0xC80, s9;
	v0 =	vadd.f32 v0, v7;
	_ =	sdelay $0x1  }
0x158: {  	s21 =	simm.s32 $0x12C00;
	s9 =	sadd.s32 s1, s9;
	[tilespmem:s16+$0x12C70] =	vst v0  }
0x159: {  	[hbm4b:s9+s2] =	stream.linear.scatter [tilespmem:s21], [sflag:$0x6], $0x6400, $0x38;
	[tilespmem:$0x19C00] =	vst v63  }
0x15a: {  	_ =	swait.ge [sflag:s15], $0x6400  }
0x15b: {  	[sflag:s15] =	ssyncset.done $0x0  }
0x15c: {  	[sflag:s15] =	ssyncadd.s32 $0xFFFF9C00  }
0x15d: {  	_ =	swait.ge [sflag:s10], $0x200  }
0x15e: {  	[sflag:s10] =	ssyncset.done $0x0  }
0x15f: {  	[sflag:s10] =	ssyncadd.s32 $0xFFFFFE00  }
0x160: {  	[tilespmem:s12], [sflag:$0x2] =	stream.indirect.gather [hbm4b:s4+s23], $0x80, s24, s23, $0xb8;
	[tilespmem:$0x19C00] =	vst v63  }
0x161: {  	s17 =	simm.s32 $0xE100;
	s16 =	simm.s32 $0x19280  }
0x162: {  	[tilespmem:s17], [sflag:$0x2] =	stream.indirect.gather [hbm4b:s4+s23], $0x80, s16, s23, $0xb8;
	[tilespmem:$0x19C00] =	vst v63  }
0x163: {  	s29 =	simm.s32 $0xFA00;
	s18 =	simm.s32 $0x19300;
	s16 =	simm.s32 $0x19380  }
0x164: {  	[tilespmem:s29], [sflag:$0x2] =	stream.indirect.gather [hbm4b:s4+s23], $0x80, s18, s23, $0xb8;
	[tilespmem:$0x19C00] =	vst v63  }
0x165: {  	s17 =	simm.s32 $0x11300;
	s18 =	sand.u32 $0xF000, s25;
	s25 =	sshll.u32 s20, $0x7  }
0x166: {  	[tilespmem:s17], [sflag:$0x2] =	stream.indirect.gather [hbm4b:s4+s23], $0x80, s16, s23, $0xb8;
	[tilespmem:$0x19C00] =	vst v63  }
0x167: {  	s9 =	sadd.s32 s8, s18;
	s16 =	sand.u32 $0x380, s25  }
0x168: {  	s9 =	sor.u32 s16, s9  }
0x169: {  	p0 =	seq.s32 s19, $0x9;
	s9 =	sshrl.u32 s9, $0x3  }
0x16a: {  	s29 =	simm.s32 $0x19800;
	s16 =	smul.u32 @!p0 $0x600, s19;
	s9 =	sadd.s32 s6, s9  }
0x16b: {  	[tilespmem:s29], [sflag:$0x2] =	stream.strided.gather [hbm4b:s9+s0], $0x200, s3, s0, $0x38;
	[tilespmem:$0x19C00] =	vst v63  }
0x16c: {  	s9 =	rddreg [dreg:$0xb]  }
0x16d: {  	s9 =	sadd.s32 @!p0 s16, s9  }
0x16e: {  	s9 =	sshrl.u32 @!p0 s9, $0x3  }
0x16f: {  	s17 =	simm.s32 @!p0 $0x19400;
	s16 =	simm.s32 @!p0 $0x0;
	s9 =	sadd.s32 @!p0 s5, s9  }
0x170: {  	[tilespmem:s17], [sflag:$0x9] =	stream.linear.gather @!p0 [hbm4b:s9+s16], $0x200, $0x38;
	[tilespmem:$0x19C00] =	vst v63  }
0x171: {  	_ =	swait.ge [sflag:s26], $0x1900  }
0x172: {  	[sflag:s26] =	ssyncset.done $0x0  }
0x173: {  	[sflag:s26] =	ssyncadd.s32 $0xFFFFE700  }
0x174: {  	_ =	swait.ge [sflag:s26], $0x1900  }
0x175: {  	[sflag:s26] =	ssyncset.done $0x0  }
0x176: {  	[sflag:s26] =	ssyncadd.s32 $0xFFFFE700  }
0x177: {  	_ =	swait.ge [sflag:s26], $0x1900  }
0x178: {  	[sflag:s26] =	ssyncset.done $0x0  }
0x179: {  	[sflag:s26] =	ssyncadd.s32 $0xFFFFE700  }
0x17a: {  	_ =	swait.ge [sflag:s26], $0x1900  }
0x17b: {  	[sflag:s26] =	ssyncset.done $0x0  }
0x17c: {  	[sflag:s26] =	ssyncadd.s32 $0xFFFFE700  }
0x17d: {  	_ =	swait.ge [sflag:s26], $0x200  }
0x17e: {  	[sflag:s26] =	ssyncset.done $0x0  }
0x17f: {  	s9 =	simm.s32 $0x0;
	[sflag:s26] =	ssyncadd.s32 $0xFFFFFE00  }
0x180: {  	v0 =	vld [tilespmem:s9+$0x10]  }
0x181: {  	v1 =	vld [tilespmem:s9+$0x20]  }
0x182: {  	v4 =	vld [tilespmem:s9+$0x6410]  }
0x183: {  	v5 =	vld [tilespmem:s9+$0x6420]  }
0x184: {  	v2 =	vld [tilespmem:s9+$0x30]  }
0x185: {  	v6 =	vld [tilespmem:s9+$0x6430]  }
0x186: {  	v3 =	vld [tilespmem:s9+$0x40]  }
0x187: {  	v8 =	vld [tilespmem:s9+$0x6440]  }
0x188: {  	v7 =	vld [tilespmem:s9+$0x50];
	v4 =	vmul.f32 $1.131370830e+01, v4;
	v5 =	vmul.f32 $1.131370830e+01, v5  }
0x189: {  	v9 =	vld [tilespmem:s9+$0x6450]  }
0x18a: {  	v10 =	vld [tilespmem:s9+$0x6460];
	v0 =	vadd.f32 v0, v4;
	v1 =	vadd.f32 v1, v5;
	v4 =	vmul.f32 $1.131370830e+01, v6  }
0x18b: {  	v11 =	vld [tilespmem:s9+$0x6400]  }
0x18c: {  	v12 =	vld [tilespmem:s9+$0x60];
	[tilespmem:s9+$0x6420] =	vst v1;
	v1 =	vadd.f32 v2, v4;
	v4 =	vmul.f32 $1.131370830e+01, v8  }
0x18d: {  	s16 =	simm.s32 $0x80;
	v5 =	vld [tilespmem:s9+$0x0];
	[tilespmem:s9+$0x6410] =	vst v0  }
0x18e: {  	v2 =	vld [tilespmem:s16+$0x10];
	[tilespmem:s9+$0x6430] =	vst v1;
	v1 =	vmul.f32 $1.131370830e+01, v9;
	v6 =	vadd.f32 v3, v4  }
0x18f: {  	v8 =	vmul.f32 $1.131370830e+01, v10;
	v4 =	vld [tilespmem:s16+$0x20]  }
0x190: {  	v3 =	vld [tilespmem:s16+$0x30];
	v7 =	vadd.f32 v7, v1;
	[tilespmem:s9+$0x6440] =	vst v6;
	v6 =	vmul.f32 $1.131370830e+01, v11  }
0x191: {  	v0 =	vld [tilespmem:s9+$0x70];
	v8 =	vadd.f32 v12, v8  }
0x192: {  	v1 =	vld [tilespmem:s16+$0x40];
	[tilespmem:s9+$0x6450] =	vst v7;
	v5 =	vadd.f32 v5, v6  }
0x193: {  	v10 =	vld [tilespmem:s16+$0x6410];
	[tilespmem:s9+$0x6460] =	vst v8  }
0x194: {  	s17 =	simm.s32 $0x19602;
	v6 =	vld [tilespmem:s16+$0x6420];
	[tilespmem:s9+$0x6400] =	vst v5  }
0x195: {  	v11 =	vld [tilespmem:s17+$0x0]  }
0x196: {  	v12 =	vld [tilespmem:s9+$0x6470]  }
0x197: {  	v9 =	vld [tilespmem:s16+$0x6430]  }
0x198: {  	v5 =	vld [tilespmem:s16+$0x50]  }
0x199: {  	v8 =	vld [tilespmem:s16+$0x6440]  }
0x19a: {  	v7 =	vld [tilespmem:s16+$0x6450];
	v13 =	vsel vm0, $0x0, v11;
	v11 =	vmul.f32 $1.131370830e+01, v10  }
0x19b: {  	s18 =	simm.s32 $0x400;
	v10 =	vmul.f32 $1.131370830e+01, v6;
	v6 =	vld [tilespmem:s16+$0x6460];
	v12 =	vadd.f32 v13, v12  }
.LBB2_9:
0x19c: {  	p0 =	sne.s32 s18, $0x18E00;
	v13 =	vld [tilespmem:s16+$0x6400];
	v2 =	vadd.f32 v2, v11;
	v9 =	vmul.f32 $1.131370830e+01, v9  }
0x19d: {  	v4 =	vadd.f32 v4, v10;
	v10 =	vld [tilespmem:s16+$0x60];
	v11 =	vmul.f32 $1.131370830e+01, v12  }
0x19e: {  	v12 =	vld [tilespmem:s16+$0x0];
	[tilespmem:s16+$0x6410] =	vst v2;
	v3 =	vadd.f32 v3, v9;
	v8 =	vmul.f32 $1.131370830e+01, v8  }
0x19f: {  	s20 =	sshra.s32 s18, $0x2;
	[tilespmem:s16+$0x6420] =	vst v4;
	v7 =	vmul.f32 $1.131370830e+01, v7;
	v9 =	vadd.f32 v11, v0;
	v0 =	vld [tilespmem:s16+$0x70]  }
0x1a0: {  	v2 =	vld [tilespmem:s20+$0x10];
	[tilespmem:s16+$0x6430] =	vst v3;
	v1 =	vadd.f32 v1, v8;
	v6 =	vmul.f32 $1.131370830e+01, v6  }
0x1a1: {  	v4 =	vld [tilespmem:s20+$0x20];
	v8 =	vmul.f32 $1.131370830e+01, v13;
	v5 =	vadd.f32 v5, v7;
	[tilespmem:s9+$0x6470] =	vst v9;
	s9 =	smov.u32 s16;
	s16 =	smov.u32 s20  }
0x1a2: {  	v3 =	vld [tilespmem:s16+$0x30];
	[tilespmem:s9+$0x6440] =	vst v1;
	v6 =	vadd.f32 v10, v6  }
0x1a3: {  	v1 =	vld [tilespmem:s16+$0x40];
	v7 =	vadd.f32 v12, v8;
	[tilespmem:s9+$0x6450] =	vst v5  }
0x1a4: {  	v10 =	vld [tilespmem:s16+$0x6410];
	[tilespmem:s9+$0x6460] =	vst v6  }
0x1a5: {  	s17 =	sadd.s32 $0x2, s17;
	v6 =	vld [tilespmem:s16+$0x6420];
	[tilespmem:s9+$0x6400] =	vst v7  }
0x1a6: {  	v12 =	vld [tilespmem:s17+$0x0]  }
0x1a7: {  	v13 =	vld [tilespmem:s9+$0x6470]  }
.Ltmp3:
0x1a8: {  	v9 =	vld [tilespmem:s16+$0x6430];
	(pc) =	sbr.rel @p0 .LBB2_9-.Ltmp3, $4  }
0x1a9: {  	v5 =	vld [tilespmem:s16+$0x50]  }
0x1aa: {  	v8 =	vld [tilespmem:s16+$0x6440]  }
0x1ab: {  	v11 =	vmul.f32 $1.131370830e+01, v10;
	v7 =	vld [tilespmem:s16+$0x6450];
	v12 =	vsel vm0, $0x0, v12  }
0x1ac: {  	s18 =	sadd.s32 $0x200, s18;
	v10 =	vmul.f32 $1.131370830e+01, v6;
	v6 =	vld [tilespmem:s16+$0x6460];
	v12 =	vadd.f32 v12, v13  }
0x1ad: {  	v13 =	vld [tilespmem:s16+$0x6400];
	v2 =	vadd.f32 v2, v11;
	v9 =	vmul.f32 $1.131370830e+01, v9  }
0x1ae: {  	v53 =	vld [tilespmem:s16+$0x60];
	v4 =	vadd.f32 v4, v10;
	v12 =	vmul.f32 $1.131370830e+01, v12  }
0x1af: {  	v54 =	vld [tilespmem:s16+$0x0];
	[tilespmem:s16+$0x6410] =	vst v2;
	v55 =	vadd.f32 v3, v9;
	v56 =	vmul.f32 $1.131370830e+01, v8  }
0x1b0: {  	[tilespmem:s16+$0x6420] =	vst v4;
	v57 =	vmul.f32 $1.131370830e+01, v7;
	v0 =	vadd.f32 v12, v0  }
0x1b1: {  	[tilespmem:s16+$0x6430] =	vst v55;
	v1 =	vadd.f32 v1, v56;
	v59 =	vmul.f32 $1.131370830e+01, v6  }
0x1b2: {  	v58 =	vld [tilespmem:s16+$0x70];
	v60 =	vmul.f32 $1.131370830e+01, v13;
	v4 =	vadd.f32 v5, v57;
	[tilespmem:s9+$0x6470] =	vst v0  }
0x1b3: {  	[tilespmem:s16+$0x6440] =	vst v1;
	v61 =	vadd.f32 v53, v59  }
0x1b4: {  	v62 =	vadd.f32 v54, v60;
	[tilespmem:s16+$0x6450] =	vst v4  }
0x1b5: {  	[tilespmem:s16+$0x6460] =	vst v61  }
0x1b6: {  	s20 =	sadd.s32 $0x2, s17;
	[tilespmem:s16+$0x6400] =	vst v62  }
0x1b7: {  	v0 =	vld [tilespmem:s20+$0x0]  }
0x1b8: {  	v63 =	vld [tilespmem:s16+$0x6470];
	_ =	sdelay $0x3  }
0x1b9: {  	v0 =	vsel vm0, $0x0, v0  }
0x1ba: {  	v0 =	vadd.f32 v0, v63  }
0x1bb: {  	s19 =	sadd.s32 $0x1, s19  }
0x1bc: {  	p0 =	sne.s32 s19, $0xA;
	v0 =	vmul.f32 $1.131370830e+01, v0  }
.Ltmp4:
0x1bd: {  	s25 =	sadd.s32 s14, s11;
	(pc) =	sbr.rel @p0 .LBB2_4-.Ltmp4, $3  }
0x1be: {  	s9 =	smul.u32 $0xC80, s25;
	v0 =	vadd.f32 v0, v58;
	_ =	sdelay $0x1  }
0x1bf: {  	s29 =	simm.s32 $0x6400;
	s9 =	sadd.s32 s1, s9;
	[tilespmem:s16+$0x6470] =	vst v0  }
0x1c0: {  	[hbm4b:s9+s2] =	stream.linear.scatter [tilespmem:s29], [sflag:$0x4], $0x6400, $0x38;
	[tilespmem:$0x19C00] =	vst v63  }
0x1c1: {  	s9 =	simm.s32 $0x6  }
0x1c2: {  	_ =	swait.ge [sflag:s9], $0x6400  }
0x1c3: {  	[sflag:s9] =	ssyncset.done $0x0  }
0x1c4: {  	[sflag:s9] =	ssyncadd.s32 $0xFFFF9C00  }
0x1c5: {  	_ =	swait.ge [sflag:s30], $0x1900  }
0x1c6: {  	[sflag:s30] =	ssyncset.done $0x0  }
0x1c7: {  	[sflag:s30] =	ssyncadd.s32 $0xFFFFE700  }
0x1c8: {  	_ =	swait.ge [sflag:s30], $0x1900  }
0x1c9: {  	[sflag:s30] =	ssyncset.done $0x0  }
0x1ca: {  	[sflag:s30] =	ssyncadd.s32 $0xFFFFE700  }
0x1cb: {  	_ =	swait.ge [sflag:s30], $0x1900  }
0x1cc: {  	[sflag:s30] =	ssyncset.done $0x0  }
0x1cd: {  	[sflag:s30] =	ssyncadd.s32 $0xFFFFE700  }
0x1ce: {  	_ =	swait.ge [sflag:s30], $0x1900  }
0x1cf: {  	[sflag:s30] =	ssyncset.done $0x0  }
0x1d0: {  	[sflag:s30] =	ssyncadd.s32 $0xFFFFE700  }
0x1d1: {  	_ =	swait.ge [sflag:s30], $0x200  }
0x1d2: {  	[sflag:s30] =	ssyncset.done $0x0  }
0x1d3: {  	s9 =	simm.s32 $0x0;
	[sflag:s30] =	ssyncadd.s32 $0xFFFFFE00  }
0x1d4: {  	v0 =	vld [tilespmem:s9+$0x10]  }
0x1d5: {  	v1 =	vld [tilespmem:s9+$0x20]  }
0x1d6: {  	v4 =	vld [tilespmem:s9+$0xC810]  }
0x1d7: {  	v5 =	vld [tilespmem:s9+$0xC820]  }
0x1d8: {  	v2 =	vld [tilespmem:s9+$0x30]  }
0x1d9: {  	v6 =	vld [tilespmem:s9+$0xC830]  }
0x1da: {  	v3 =	vld [tilespmem:s9+$0x40]  }
0x1db: {  	v8 =	vld [tilespmem:s9+$0xC840]  }
0x1dc: {  	v7 =	vld [tilespmem:s9+$0x50];
	v4 =	vmul.f32 $1.131370830e+01, v4;
	v5 =	vmul.f32 $1.131370830e+01, v5  }
0x1dd: {  	v9 =	vld [tilespmem:s9+$0xC850]  }
0x1de: {  	v10 =	vld [tilespmem:s9+$0xC860];
	v0 =	vadd.f32 v0, v4;
	v1 =	vadd.f32 v1, v5;
	v4 =	vmul.f32 $1.131370830e+01, v6  }
0x1df: {  	v11 =	vld [tilespmem:s9+$0xC800]  }
0x1e0: {  	v12 =	vld [tilespmem:s9+$0x60];
	[tilespmem:s9+$0xC820] =	vst v1;
	v1 =	vadd.f32 v2, v4;
	v4 =	vmul.f32 $1.131370830e+01, v8  }
0x1e1: {  	s11 =	simm.s32 $0x80;
	v5 =	vld [tilespmem:s9+$0x0];
	[tilespmem:s9+$0xC810] =	vst v0  }
0x1e2: {  	v2 =	vld [tilespmem:s11+$0x10];
	[tilespmem:s9+$0xC830] =	vst v1;
	v1 =	vmul.f32 $1.131370830e+01, v9;
	v6 =	vadd.f32 v3, v4  }
0x1e3: {  	v8 =	vmul.f32 $1.131370830e+01, v10;
	v4 =	vld [tilespmem:s11+$0x20]  }
0x1e4: {  	v3 =	vld [tilespmem:s11+$0x30];
	v7 =	vadd.f32 v7, v1;
	[tilespmem:s9+$0xC840] =	vst v6;
	v6 =	vmul.f32 $1.131370830e+01, v11  }
0x1e5: {  	v0 =	vld [tilespmem:s9+$0x70];
	v8 =	vadd.f32 v12, v8  }
0x1e6: {  	v1 =	vld [tilespmem:s11+$0x40];
	[tilespmem:s9+$0xC850] =	vst v7;
	v5 =	vadd.f32 v5, v6  }
0x1e7: {  	v10 =	vld [tilespmem:s11+$0xC810];
	[tilespmem:s9+$0xC860] =	vst v8  }
0x1e8: {  	s16 =	simm.s32 $0x19802;
	v6 =	vld [tilespmem:s11+$0xC820];
	[tilespmem:s9+$0xC800] =	vst v5  }
0x1e9: {  	v11 =	vld [tilespmem:s16+$0x0]  }
0x1ea: {  	v12 =	vld [tilespmem:s9+$0xC870]  }
0x1eb: {  	v9 =	vld [tilespmem:s11+$0xC830]  }
0x1ec: {  	v5 =	vld [tilespmem:s11+$0x50]  }
0x1ed: {  	v8 =	vld [tilespmem:s11+$0xC840]  }
0x1ee: {  	v7 =	vld [tilespmem:s11+$0xC850];
	v13 =	vsel vm0, $0x0, v11;
	v11 =	vmul.f32 $1.131370830e+01, v10  }
0x1ef: {  	s17 =	simm.s32 $0x400;
	v10 =	vmul.f32 $1.131370830e+01, v6;
	v6 =	vld [tilespmem:s11+$0xC860];
	v12 =	vadd.f32 v13, v12  }
.LBB2_12:
0x1f0: {  	p0 =	sne.s32 s17, $0x18E00;
	v13 =	vld [tilespmem:s11+$0xC800];
	v2 =	vadd.f32 v2, v11;
	v9 =	vmul.f32 $1.131370830e+01, v9  }
0x1f1: {  	v4 =	vadd.f32 v4, v10;
	v10 =	vld [tilespmem:s11+$0x60];
	v11 =	vmul.f32 $1.131370830e+01, v12  }
0x1f2: {  	v12 =	vld [tilespmem:s11+$0x0];
	[tilespmem:s11+$0xC810] =	vst v2;
	v3 =	vadd.f32 v3, v9;
	v8 =	vmul.f32 $1.131370830e+01, v8  }
0x1f3: {  	s18 =	sshra.s32 s17, $0x2;
	[tilespmem:s11+$0xC820] =	vst v4;
	v7 =	vmul.f32 $1.131370830e+01, v7;
	v9 =	vadd.f32 v11, v0;
	v0 =	vld [tilespmem:s11+$0x70]  }
0x1f4: {  	v2 =	vld [tilespmem:s18+$0x10];
	[tilespmem:s11+$0xC830] =	vst v3;
	v1 =	vadd.f32 v1, v8;
	v6 =	vmul.f32 $1.131370830e+01, v6  }
0x1f5: {  	v4 =	vld [tilespmem:s18+$0x20];
	v8 =	vmul.f32 $1.131370830e+01, v13;
	v5 =	vadd.f32 v5, v7;
	[tilespmem:s9+$0xC870] =	vst v9;
	s9 =	smov.u32 s11;
	s11 =	smov.u32 s18  }
0x1f6: {  	v3 =	vld [tilespmem:s11+$0x30];
	[tilespmem:s9+$0xC840] =	vst v1;
	v6 =	vadd.f32 v10, v6  }
0x1f7: {  	v1 =	vld [tilespmem:s11+$0x40];
	v7 =	vadd.f32 v12, v8;
	[tilespmem:s9+$0xC850] =	vst v5  }
0x1f8: {  	v10 =	vld [tilespmem:s11+$0xC810];
	[tilespmem:s9+$0xC860] =	vst v6  }
0x1f9: {  	s16 =	sadd.s32 $0x2, s16;
	v6 =	vld [tilespmem:s11+$0xC820];
	[tilespmem:s9+$0xC800] =	vst v7  }
0x1fa: {  	v12 =	vld [tilespmem:s16+$0x0]  }
0x1fb: {  	v13 =	vld [tilespmem:s9+$0xC870]  }
.Ltmp5:
0x1fc: {  	v9 =	vld [tilespmem:s11+$0xC830];
	(pc) =	sbr.rel @p0 .LBB2_12-.Ltmp5, $4  }
0x1fd: {  	v5 =	vld [tilespmem:s11+$0x50]  }
0x1fe: {  	v8 =	vld [tilespmem:s11+$0xC840]  }
0x1ff: {  	v11 =	vmul.f32 $1.131370830e+01, v10;
	v7 =	vld [tilespmem:s11+$0xC850];
	v12 =	vsel vm0, $0x0, v12  }
0x200: {  	s17 =	sadd.s32 $0x200, s17;
	v10 =	vmul.f32 $1.131370830e+01, v6;
	v6 =	vld [tilespmem:s11+$0xC860];
	v12 =	vadd.f32 v12, v13  }
0x201: {  	v13 =	vld [tilespmem:s11+$0xC800];
	v2 =	vadd.f32 v2, v11;
	v9 =	vmul.f32 $1.131370830e+01, v9  }
0x202: {  	v53 =	vld [tilespmem:s11+$0x60];
	v4 =	vadd.f32 v4, v10;
	v12 =	vmul.f32 $1.131370830e+01, v12  }
0x203: {  	v54 =	vld [tilespmem:s11+$0x0];
	[tilespmem:s11+$0xC810] =	vst v2;
	v55 =	vadd.f32 v3, v9;
	v56 =	vmul.f32 $1.131370830e+01, v8  }
0x204: {  	[tilespmem:s11+$0xC820] =	vst v4;
	v57 =	vmul.f32 $1.131370830e+01, v7;
	v0 =	vadd.f32 v12, v0  }
0x205: {  	[tilespmem:s11+$0xC830] =	vst v55;
	v1 =	vadd.f32 v1, v56;
	v59 =	vmul.f32 $1.131370830e+01, v6  }
0x206: {  	v58 =	vld [tilespmem:s11+$0x70];
	v60 =	vmul.f32 $1.131370830e+01, v13;
	v4 =	vadd.f32 v5, v57;
	[tilespmem:s9+$0xC870] =	vst v0  }
0x207: {  	[tilespmem:s11+$0xC840] =	vst v1;
	v61 =	vadd.f32 v53, v59  }
0x208: {  	v62 =	vadd.f32 v54, v60;
	[tilespmem:s11+$0xC850] =	vst v4  }
0x209: {  	[tilespmem:s11+$0xC860] =	vst v61  }
0x20a: {  	s19 =	sadd.s32 $0x2, s16;
	[tilespmem:s11+$0xC800] =	vst v62  }
0x20b: {  	v0 =	vld [tilespmem:s19+$0x0]  }
0x20c: {  	v63 =	vld [tilespmem:s11+$0xC870];
	_ =	sdelay $0x3  }
0x20d: {  	v0 =	vsel vm0, $0x0, v0  }
0x20e: {  	v0 =	vadd.f32 v0, v63;
	_ =	sdelay $0x1  }
0x20f: {  	v0 =	vmul.f32 $1.131370830e+01, v0;
	_ =	sdelay $0x1  }
0x210: {  	v0 =	vadd.f32 v0, v58;
	_ =	sdelay $0x1  }
0x211: {  	s20 =	rddreg [dreg:$0xc];
	[tilespmem:s11+$0xC870] =	vst v0  }
0x212: {  	[hbm4b:s20+s2] =	stream.linear.scatter [tilespmem:s12], [sflag:$0x5], $0x6400, $0x38;
	[tilespmem:$0x19C00] =	vst v63  }
0x213: {  	_ =	swait.ge [sflag:s31], $0x6400  }
0x214: {  	[sflag:s31] =	ssyncset.done $0x0  }
0x215: {  	[sflag:s31] =	ssyncadd.s32 $0xFFFF9C00  }
0x216: {  	_ =	swait.ge [sflag:s15], $0x6400  }
0x217: {  	s25 =	rddreg [dreg:$0xe]  }
0x218: {  	s29 =	rddreg [dreg:$0xd];
	s11 =	sadd.s32 $0x1, s25  }
0x219: {  	p0 =	sne.s32 s11, s29  }
.Ltmp6:
0x21a: {  	_ = 	snop;
	(pc) =	sbr.rel @p0 .LBB2_1-.Ltmp6, $3  }
0x21b: {  	_ =	sdelay $0x1  }
0x21c: {  	[sflag:s15] =	ssyncset.done $0x0  }
0x21d: {  	[sflag:s15] =	ssyncadd.s32 $0xFFFF9C00  }
0x21e: {  	_ =	sfence.sel $0x180000  }
0x21f: {  	[bflag:$0x0] =	sbarrier.arrive $0xFFFF  }
0x220: {  	_ =	strace $0x90000047  }
0x221: {  	s0 =	stileid.u32;
	[bflag:$0x2] =	sbarrier.arrive $0xFFFF  }
0x222: {  	p0 =	sne.s32 s0, $0x0;
	s0 =	rddreg [dreg:$0x2]  }
0x223: {  	s0 =	sadd.s32 @!p0 $0x100000, s0  }
0x224: {  	[sflag:s0] =	ssyncadd.tile.s32 @!p0 $0x1;
	_ =	shalt  }
.Lfunc_end2:
_tile_overlayer_lowered:
.L_overlay_start_2:
0x225: {  	(tag) =	ssettag $0x2  }
0x226: {  	s0 =	rddreg [dreg:$0x0];
	s2 =	stileid.u32  }
0x227: {  	s1 =	rddreg [dreg:$0x1];
	p0 =	sne.s32 s2, $0x0  }
0x228: {  	s3 =	rddreg [dreg:$0x2];
	[bflag:$0x3] =	sbarrier.arrive $0xFFFF;
	s2 =	simm.s32 @!p0 $0x1C0A  }
0x229: {  	[timem:s3], [sflag:s2] =	dma.local @!p0 [hbm:s0], s1  }
0x22a: {  	s0 =	simm.s32 @!p0 $0xA  }
0x22b: {  	_ =	swait.ge @!p0 [sflag:s0], s1  }
0x22c: {  	s1 =	ssub.s32 @!p0 $0x0, s1;
	[sflag:s0] =	ssyncset.done @!p0 $0x0  }
0x22d: {  	[sflag:s0] =	ssyncadd.s32 @!p0 s1  }
0x22e: {  	[bflag:$0x3] =	sbarrier.arrive $0xFFFF  }
0x22f: {  	_ =	shalt  }

</sc_bundles>
